<compile_context>
chip_gen: v7x
topology: tpu7x:2x2x1
jax: 0.10.2.dev20260603
libtpu: 0.0.44.dev20260713+nightly
codegen_flags: <defaults>
</compile_context>

<pallas_src>
import functools
import jax
import jax.numpy as jnp
from jax import lax
from jax.experimental import pallas as pl
from jax.experimental.pallas import tpu as pltpu, tpu_sc as plsc


def kernel(x, table):
    bsz, seq_len = x.shape
    ctx, dim = table.shape
    tbl = table[:seq_len]

    info = plsc.get_sparse_core_info()
    NC, NS = info.num_cores, info.num_subcores
    NW = NC * NS
    rows_per_w = seq_len // NW
    CH = 32
    NCHUNK = rows_per_w // CH
    NBUF = 3

    mesh = plsc.VectorSubcoreMesh(core_axis_name="c", subcore_axis_name="s")

    @functools.partial(
        pl.kernel,
        out_type=jax.ShapeDtypeStruct((bsz, seq_len, dim), table.dtype),
        mesh=mesh,
        scratch_types=[
            pltpu.VMEM((NBUF, CH, dim), jnp.float32),
            pltpu.SemaphoreType.DMA((NBUF,)),
            pltpu.SemaphoreType.DMA((NBUF,)),
        ],
    )
    def k(tbl_hbm, out_hbm, buf, rsem, wsem):
        wid = lax.axis_index("s") * NC + lax.axis_index("c")
        base = wid * rows_per_w

        def read(i, slot):
            return pltpu.make_async_copy(
                tbl_hbm.at[pl.ds(base + i * CH, CH)], buf.at[slot], rsem.at[slot]
            )

        def writes(i, slot):
            return [
                pltpu.make_async_copy(
                    buf.at[slot],
                    out_hbm.at[b, pl.ds(base + i * CH, CH)],
                    wsem.at[slot],
                )
                for b in range(bsz)
            ]

        read(0, 0).start()
        if NCHUNK > 1:
            read(1, 1).start()
        for i in range(NCHUNK):
            cur = i % NBUF
            read(i, cur).wait()
            if i + 2 < NCHUNK:
                nxt = (i + 2) % NBUF
                if i >= 1:
                    for w in writes(i - 1, nxt):
                        w.wait()
                read(i + 2, nxt).start()
            for w in writes(i, cur):
                w.start()
        for i in (NCHUNK - 3, NCHUNK - 2, NCHUNK - 1):
            if i >= 0:
                for w in writes(i, i % NBUF):
                    w.wait()

    return k(tbl)

# --- scband reference (transcript-rebuilt; emitter-appended) ---
"""Pipeline reference for scband-positional-embedding-1434519077422 (READ-ONLY COPY).

The authoritative reference and input builder live on the scoring server;
editing this copy changes nothing except your own understanding.
"""

import jax, jax.numpy as jnp
import numpy as np

CONTEXT_LENGTH = 8192
EMBEDDING_DIM = 1024
BATCH = 4
SEQ_LEN = 8192


def setup_inputs(seed: int = 0) -> dict:
    key = jax.random.key(seed)
    k1, k2 = jax.random.split(key)
    # x only contributes its shape (token ids are not used by this module)
    x = jax.random.randint(k1, (BATCH, SEQ_LEN), 0, CONTEXT_LENGTH)
    # learned positional embedding table, sized per init_kwargs
    table = jax.random.normal(k2, (CONTEXT_LENGTH, EMBEDDING_DIM), dtype=jnp.float32) * 0.02
    return {"x": x, "table": table}


def reference(x, table):
    bsz, seq_len = x.shape
    positions = jnp.arange(seq_len)
    # embedding lookup (gather on table rows)
    emb = jnp.take(table, positions, axis=0)  # [seq_len, embedding_dim]
    # unsqueeze(0).expand(bsz, seq_len, -1)
    out = jnp.broadcast_to(emb[None, :, :], (bsz, seq_len, emb.shape[-1]))
    return out

if __name__ == "__main__":
    import jax
    _d = setup_inputs()
    print(jax.jit(kernel)(*tuple(_d.values())))

</pallas_src>

<mosaic_0001>
#map = affine_map<(d0, d1) -> (0, 0)>
#map1 = affine_map<(d0, d1) -> (0, 0, 0)>
module attributes {stable_mosaic.version = 14 : i64} {
  func.func @k(%arg0: i32, %arg1: i32, %arg2: memref<8192x1024xf32, #tpu.memory_space<hbm>>, %arg3: memref<4x8192x1024xf32, #tpu.memory_space<hbm>>, %arg4: memref<3x32x1024xf32, #tpu.memory_space<vmem>>, %arg5: memref<3x!tpu.dma_semaphore, #tpu.memory_space<semaphore_mem>>, %arg6: memref<3x!tpu.dma_semaphore, #tpu.memory_space<semaphore_mem>>) attributes {dimension_semantics = [#tpu.dimension_semantics<core_parallel>, #tpu.dimension_semantics<subcore_parallel>], iteration_bounds = array<i64: 2, 16>, scalar_prefetch = 0 : i64, scratch_operands = 3 : i64, tpu.core_type = #tpu.core_type<sc_vector_subcore>, window_params = [{transform_indices = #map}, {transform_indices = #map1}]} {
    %mul3A = arith.constant 2 : i32
    %mul3A_0 = arith.muli %arg1, %mul3A : i32
    %add3A = arith.addi %mul3A_0, %arg0 : i32
    %mul3A_1 = arith.constant 256 : i32
    %mul3A_2 = arith.muli %add3A, %mul3A_1 : i32
    %add3A_3 = arith.constant 0 : i32
    %add3A_4 = arith.addi %mul3A_2, %add3A_3 : i32
    %dma_start3A = arith.constant 0 : i32
    %dma_start3A_5 = arith.constant 0 : i32
    %dma_start3A_6 = arith.constant 0 : i32
    %dma_start3A_7 = arith.constant 0 : i32
    %dma_start3A_8 = tpu.memref_slice %arg4[%dma_start3A, %dma_start3A_6, %dma_start3A_7] : memref<3x32x1024xf32, #tpu.memory_space<vmem>> -> memref<1x32x1024xf32, #tpu.memory_space<vmem>>
    %dma_start3A_9 = tpu.memref_squeeze %dma_start3A_8 : memref<1x32x1024xf32, #tpu.memory_space<vmem>> -> memref<32x1024xf32, #tpu.memory_space<vmem>>
    %dma_start3A_10 = arith.constant 0 : i32
    %dma_start3A_11 = tpu.memref_slice %arg2[%add3A_4, %dma_start3A_10] : memref<8192x1024xf32, #tpu.memory_space<hbm>> -> memref<32x1024xf32, #tpu.memory_space<hbm>>
    %dma_start3A_12 = tpu.memref_slice %arg5[%dma_start3A_5] : memref<3x!tpu.dma_semaphore, #tpu.memory_space<semaphore_mem>> -> memref<1x!tpu.dma_semaphore, #tpu.memory_space<semaphore_mem>>
    %dma_start3A_13 = tpu.memref_squeeze %dma_start3A_12 : memref<1x!tpu.dma_semaphore, #tpu.memory_space<semaphore_mem>> -> memref<!tpu.dma_semaphore, #tpu.memory_space<semaphore_mem>>
    %dma_start3A_14 = arith.constant 0 : i32
    %dma_start3A_15 = arith.constant 0 : i32
    %dma_start3A_16 = tpu.memref_slice %arg4[%dma_start3A, %dma_start3A_14, %dma_start3A_15] : memref<3x32x1024xf32, #tpu.memory_space<vmem>> -> memref<1x32x1024xf32, #tpu.memory_space<vmem>>
    %dma_start3A_17 = tpu.memref_squeeze %dma_start3A_16 : memref<1x32x1024xf32, #tpu.memory_space<vmem>> -> memref<32x1024xf32, #tpu.memory_space<vmem>>
    %dma_start3A_18 = arith.constant 0 : i32
    %dma_start3A_19 = tpu.memref_slice %arg2[%add3A_4, %dma_start3A_18] : memref<8192x1024xf32, #tpu.memory_space<hbm>> -> memref<32x1024xf32, #tpu.memory_space<hbm>>
    tpu.enqueue_dma source(%dma_start3A_19 : memref<32x1024xf32, #tpu.memory_space<hbm>>) target(%dma_start3A_17 : memref<32x1024xf32, #tpu.memory_space<vmem>>) target_semaphore(%dma_start3A_13 : memref<!tpu.dma_semaphore, #tpu.memory_space<semaphore_mem>>)
    %add3A_20 = arith.constant 32 : i32
    %add3A_21 = arith.addi %mul3A_2, %add3A_20 : i32
    %dma_start3A_22 = arith.constant 1 : i32
    %dma_start3A_23 = arith.constant 1 : i32
    %dma_start3A_24 = arith.constant 0 : i32
    %dma_start3A_25 = arith.constant 0 : i32
    %dma_start3A_26 = tpu.memref_slice %arg4[%dma_start3A_22, %dma_start3A_24, %dma_start3A_25] : memref<3x32x1024xf32, #tpu.memory_space<vmem>> -> memref<1x32x1024xf32, #tpu.memory_space<vmem>>
    %dma_start3A_27 = tpu.memref_squeeze %dma_start3A_26 : memref<1x32x1024xf32, #tpu.memory_space<vmem>> -> memref<32x1024xf32, #tpu.memory_space<vmem>>
    %dma_start3A_28 = arith.constant 0 : i32
    %dma_start3A_29 = tpu.memref_slice %arg2[%add3A_21, %dma_start3A_28] : memref<8192x1024xf32, #tpu.memory_space<hbm>> -> memref<32x1024xf32, #tpu.memory_space<hbm>>
    %dma_start3A_30 = tpu.memref_slice %arg5[%dma_start3A_23] : memref<3x!tpu.dma_semaphore, #tpu.memory_space<semaphore_mem>> -> memref<1x!tpu.dma_semaphore, #tpu.memory_space<semaphore_mem>>
    %dma_start3A_31 = tpu.memref_squeeze %dma_start3A_30 : memref<1x!tpu.dma_semaphore, #tpu.memory_space<semaphore_mem>> -> memref<!tpu.dma_semaphore, #tpu.memory_space<semaphore_mem>>
    %dma_start3A_32 = arith.constant 0 : i32
    %dma_start3A_33 = arith.constant 0 : i32
    %dma_start3A_34 = tpu.memref_slice %arg4[%dma_start3A_22, %dma_start3A_32, %dma_start3A_33] : memref<3x32x1024xf32, #tpu.memory_space<vmem>> -> memref<1x32x1024xf32, #tpu.memory_space<vmem>>
    %dma_start3A_35 = tpu.memref_squeeze %dma_start3A_34 : memref<1x32x1024xf32, #tpu.memory_space<vmem>> -> memref<32x1024xf32, #tpu.memory_space<vmem>>
    %dma_start3A_36 = arith.constant 0 : i32
    %dma_start3A_37 = tpu.memref_slice %arg2[%add3A_21, %dma_start3A_36] : memref<8192x1024xf32, #tpu.memory_space<hbm>> -> memref<32x1024xf32, #tpu.memory_space<hbm>>
    tpu.enqueue_dma source(%dma_start3A_37 : memref<32x1024xf32, #tpu.memory_space<hbm>>) target(%dma_start3A_35 : memref<32x1024xf32, #tpu.memory_space<vmem>>) target_semaphore(%dma_start3A_31 : memref<!tpu.dma_semaphore, #tpu.memory_space<semaphore_mem>>)
    %add3A_38 = arith.constant 0 : i32
    %add3A_39 = arith.addi %mul3A_2, %add3A_38 : i32
    %dma_wait3A = arith.constant 0 : i32
    %dma_wait3A_40 = arith.constant 0 : i32
    %dma_wait3A_41 = arith.constant 0 : i32
    %dma_wait3A_42 = arith.constant 0 : i32
    %dma_wait3A_43 = tpu.memref_slice %arg4[%dma_wait3A, %dma_wait3A_41, %dma_wait3A_42] : memref<3x32x1024xf32, #tpu.memory_space<vmem>> -> memref<1x32x1024xf32, #tpu.memory_space<vmem>>
    %dma_wait3A_44 = tpu.memref_squeeze %dma_wait3A_43 : memref<1x32x1024xf32, #tpu.memory_space<vmem>> -> memref<32x1024xf32, #tpu.memory_space<vmem>>
    %dma_wait3A_45 = arith.constant 0 : i32
    %dma_wait3A_46 = tpu.memref_slice %arg2[%add3A_39, %dma_wait3A_45] : memref<8192x1024xf32, #tpu.memory_space<hbm>> -> memref<32x1024xf32, #tpu.memory_space<hbm>>
    %dma_wait3A_47 = tpu.memref_slice %arg5[%dma_wait3A_40] : memref<3x!tpu.dma_semaphore, #tpu.memory_space<semaphore_mem>> -> memref<1x!tpu.dma_semaphore, #tpu.memory_space<semaphore_mem>>
    %dma_wait3A_48 = tpu.memref_squeeze %dma_wait3A_47 : memref<1x!tpu.dma_semaphore, #tpu.memory_space<semaphore_mem>> -> memref<!tpu.dma_semaphore, #tpu.memory_space<semaphore_mem>>
    %dma_wait3A_49 = arith.constant 0 : i32
    %dma_wait3A_50 = arith.constant 0 : i32
    %dma_wait3A_51 = tpu.memref_slice %arg4[%dma_wait3A, %dma_wait3A_49, %dma_wait3A_50] : memref<3x32x1024xf32, #tpu.memory_space<vmem>> -> memref<1x32x1024xf32, #tpu.memory_space<vmem>>
    %dma_wait3A_52 = tpu.memref_squeeze %dma_wait3A_51 : memref<1x32x1024xf32, #tpu.memory_space<vmem>> -> memref<32x1024xf32, #tpu.memory_space<vmem>>
    %dma_wait3A_53 = arith.constant 0 : i32
    %dma_wait3A_54 = tpu.memref_slice %arg2[%add3A_39, %dma_wait3A_53] : memref<8192x1024xf32, #tpu.memory_space<hbm>> -> memref<32x1024xf32, #tpu.memory_space<hbm>>
    tpu.wait_dma2 semaphore(%dma_wait3A_48 : memref<!tpu.dma_semaphore, #tpu.memory_space<semaphore_mem>>) src(%dma_wait3A_54 : memref<32x1024xf32, #tpu.memory_space<hbm>>) dst(%dma_wait3A_52 : memref<32x1024xf32, #tpu.memory_space<vmem>>)
    %add3A_55 = arith.constant 64 : i32
    %add3A_56 = arith.addi %mul3A_2, %add3A_55 : i32
    %dma_start3A_57 = arith.constant 2 : i32
    %dma_start3A_58 = arith.constant 2 : i32
    %dma_start3A_59 = arith.constant 0 : i32
    %dma_start3A_60 = arith.constant 0 : i32
    %dma_start3A_61 = tpu.memref_slice %arg4[%dma_start3A_57, %dma_start3A_59, %dma_start3A_60] : memref<3x32x1024xf32, #tpu.memory_space<vmem>> -> memref<1x32x1024xf32, #tpu.memory_space<vmem>>
    %dma_start3A_62 = tpu.memref_squeeze %dma_start3A_61 : memref<1x32x1024xf32, #tpu.memory_space<vmem>> -> memref<32x1024xf32, #tpu.memory_space<vmem>>
    %dma_start3A_63 = arith.constant 0 : i32
    %dma_start3A_64 = tpu.memref_slice %arg2[%add3A_56, %dma_start3A_63] : memref<8192x1024xf32, #tpu.memory_space<hbm>> -> memref<32x1024xf32, #tpu.memory_space<hbm>>
    %dma_start3A_65 = tpu.memref_slice %arg5[%dma_start3A_58] : memref<3x!tpu.dma_semaphore, #tpu.memory_space<semaphore_mem>> -> memref<1x!tpu.dma_semaphore, #tpu.memory_space<semaphore_mem>>
    %dma_start3A_66 = tpu.memref_squeeze %dma_start3A_65 : memref<1x!tpu.dma_semaphore, #tpu.memory_space<semaphore_mem>> -> memref<!tpu.dma_semaphore, #tpu.memory_space<semaphore_mem>>
    %dma_start3A_67 = arith.constant 0 : i32
    %dma_start3A_68 = arith.constant 0 : i32
    %dma_start3A_69 = tpu.memref_slice %arg4[%dma_start3A_57, %dma_start3A_67, %dma_start3A_68] : memref<3x32x1024xf32, #tpu.memory_space<vmem>> -> memref<1x32x1024xf32, #tpu.memory_space<vmem>>
    %dma_start3A_70 = tpu.memref_squeeze %dma_start3A_69 : memref<1x32x1024xf32, #tpu.memory_space<vmem>> -> memref<32x1024xf32, #tpu.memory_space<vmem>>
    %dma_start3A_71 = arith.constant 0 : i32
    %dma_start3A_72 = tpu.memref_slice %arg2[%add3A_56, %dma_start3A_71] : memref<8192x1024xf32, #tpu.memory_space<hbm>> -> memref<32x1024xf32, #tpu.memory_space<hbm>>
    tpu.enqueue_dma source(%dma_start3A_72 : memref<32x1024xf32, #tpu.memory_space<hbm>>) target(%dma_start3A_70 : memref<32x1024xf32, #tpu.memory_space<vmem>>) target_semaphore(%dma_start3A_66 : memref<!tpu.dma_semaphore, #tpu.memory_space<semaphore_mem>>)
    %add3A_73 = arith.constant 0 : i32
    %add3A_74 = arith.addi %mul3A_2, %add3A_73 : i32
    %add3A_75 = arith.constant 0 : i32
    %add3A_76 = arith.addi %mul3A_2, %add3A_75 : i32
    %add3A_77 = arith.constant 0 : i32
    %add3A_78 = arith.addi %mul3A_2, %add3A_77 : i32
    %add3A_79 = arith.constant 0 : i32
    %add3A_80 = arith.addi %mul3A_2, %add3A_79 : i32
    %dma_start3A_81 = arith.constant 0 : i32
    %dma_start3A_82 = arith.constant 0 : i32
    %dma_start3A_83 = arith.constant 0 : i32
    %dma_start3A_84 = arith.constant 0 : i32
    %dma_start3A_85 = arith.constant 0 : i32
    %dma_start3A_86 = tpu.memref_slice %arg4[%dma_start3A_81, %dma_start3A_84, %dma_start3A_85] : memref<3x32x1024xf32, #tpu.memory_space<vmem>> -> memref<1x32x1024xf32, #tpu.memory_space<vmem>>
    %dma_start3A_87 = tpu.memref_squeeze %dma_start3A_86 : memref<1x32x1024xf32, #tpu.memory_space<vmem>> -> memref<32x1024xf32, #tpu.memory_space<vmem>>
    %dma_start3A_88 = arith.constant 0 : i32
    %dma_start3A_89 = tpu.memref_slice %arg3[%dma_start3A_82, %add3A_74, %dma_start3A_88] : memref<4x8192x1024xf32, #tpu.memory_space<hbm>> -> memref<1x32x1024xf32, #tpu.memory_space<hbm>>
    %dma_start3A_90 = tpu.memref_squeeze %dma_start3A_89 : memref<1x32x1024xf32, #tpu.memory_space<hbm>> -> memref<32x1024xf32, #tpu.memory_space<hbm>>
    %dma_start3A_91 = tpu.memref_slice %arg6[%dma_start3A_83] : memref<3x!tpu.dma_semaphore, #tpu.memory_space<semaphore_mem>> -> memref<1x!tpu.dma_semaphore, #tpu.memory_space<semaphore_mem>>
    %dma_start3A_92 = tpu.memref_squeeze %dma_start3A_91 : memref<1x!tpu.dma_semaphore, #tpu.memory_space<semaphore_mem>> -> memref<!tpu.dma_semaphore, #tpu.memory_space<semaphore_mem>>
    %dma_start3A_93 = arith.constant 0 : i32
    %dma_start3A_94 = tpu.memref_slice %arg3[%dma_start3A_82, %add3A_74, %dma_start3A_93] : memref<4x8192x1024xf32, #tpu.memory_space<hbm>> -> memref<1x32x1024xf32, #tpu.memory_space<hbm>>
    %dma_start3A_95 = tpu.memref_squeeze %dma_start3A_94 : memref<1x32x1024xf32, #tpu.memory_space<hbm>> -> memref<32x1024xf32, #tpu.memory_space<hbm>>
    %dma_start3A_96 = arith.constant 0 : i32
    %dma_start3A_97 = arith.constant 0 : i32
    %dma_start3A_98 = tpu.memref_slice %arg4[%dma_start3A_81, %dma_start3A_96, %dma_start3A_97] : memref<3x32x1024xf32, #tpu.memory_space<vmem>> -> memref<1x32x1024xf32, #tpu.memory_space<vmem>>
    %dma_start3A_99 = tpu.memref_squeeze %dma_start3A_98 : memref<1x32x1024xf32, #tpu.memory_space<vmem>> -> memref<32x1024xf32, #tpu.memory_space<vmem>>
    tpu.enqueue_dma source(%dma_start3A_99 : memref<32x1024xf32, #tpu.memory_space<vmem>>) target(%dma_start3A_95 : memref<32x1024xf32, #tpu.memory_space<hbm>>) target_semaphore(%dma_start3A_92 : memref<!tpu.dma_semaphore, #tpu.memory_space<semaphore_mem>>)
    %dma_start3A_100 = arith.constant 0 : i32
    %dma_start3A_101 = arith.constant 1 : i32
    %dma_start3A_102 = arith.constant 0 : i32
    %dma_start3A_103 = arith.constant 0 : i32
    %dma_start3A_104 = arith.constant 0 : i32
    %dma_start3A_105 = tpu.memref_slice %arg4[%dma_start3A_100, %dma_start3A_103, %dma_start3A_104] : memref<3x32x1024xf32, #tpu.memory_space<vmem>> -> memref<1x32x1024xf32, #tpu.memory_space<vmem>>
    %dma_start3A_106 = tpu.memref_squeeze %dma_start3A_105 : memref<1x32x1024xf32, #tpu.memory_space<vmem>> -> memref<32x1024xf32, #tpu.memory_space<vmem>>
    %dma_start3A_107 = arith.constant 0 : i32
    %dma_start3A_108 = tpu.memref_slice %arg3[%dma_start3A_101, %add3A_76, %dma_start3A_107] : memref<4x8192x1024xf32, #tpu.memory_space<hbm>> -> memref<1x32x1024xf32, #tpu.memory_space<hbm>>
    %dma_start3A_109 = tpu.memref_squeeze %dma_start3A_108 : memref<1x32x1024xf32, #tpu.memory_space<hbm>> -> memref<32x1024xf32, #tpu.memory_space<hbm>>
    %dma_start3A_110 = tpu.memref_slice %arg6[%dma_start3A_102] : memref<3x!tpu.dma_semaphore, #tpu.memory_space<semaphore_mem>> -> memref<1x!tpu.dma_semaphore, #tpu.memory_space<semaphore_mem>>
    %dma_start3A_111 = tpu.memref_squeeze %dma_start3A_110 : memref<1x!tpu.dma_semaphore, #tpu.memory_space<semaphore_mem>> -> memref<!tpu.dma_semaphore, #tpu.memory_space<semaphore_mem>>
    %dma_start3A_112 = arith.constant 0 : i32
    %dma_start3A_113 = tpu.memref_slice %arg3[%dma_start3A_101, %add3A_76, %dma_start3A_112] : memref<4x8192x1024xf32, #tpu.memory_space<hbm>> -> memref<1x32x1024xf32, #tpu.memory_space<hbm>>
    %dma_start3A_114 = tpu.memref_squeeze %dma_start3A_113 : memref<1x32x1024xf32, #tpu.memory_space<hbm>> -> memref<32x1024xf32, #tpu.memory_space<hbm>>
    %dma_start3A_115 = arith.constant 0 : i32
    %dma_start3A_116 = arith.constant 0 : i32
    %dma_start3A_117 = tpu.memref_slice %arg4[%dma_start3A_100, %dma_start3A_115, %dma_start3A_116] : memref<3x32x1024xf32, #tpu.memory_space<vmem>> -> memref<1x32x1024xf32, #tpu.memory_space<vmem>>
    %dma_start3A_118 = tpu.memref_squeeze %dma_start3A_117 : memref<1x32x1024xf32, #tpu.memory_space<vmem>> -> memref<32x1024xf32, #tpu.memory_space<vmem>>
    tpu.enqueue_dma source(%dma_start3A_118 : memref<32x1024xf32, #tpu.memory_space<vmem>>) target(%dma_start3A_114 : memref<32x1024xf32, #tpu.memory_space<hbm>>) target_semaphore(%dma_start3A_111 : memref<!tpu.dma_semaphore, #tpu.memory_space<semaphore_mem>>)
    %dma_start3A_119 = arith.constant 0 : i32
    %dma_start3A_120 = arith.constant 2 : i32
    %dma_start3A_121 = arith.constant 0 : i32
    %dma_start3A_122 = arith.constant 0 : i32
    %dma_start3A_123 = arith.constant 0 : i32
    %dma_start3A_124 = tpu.memref_slice %arg4[%dma_start3A_119, %dma_start3A_122, %dma_start3A_123] : memref<3x32x1024xf32, #tpu.memory_space<vmem>> -> memref<1x32x1024xf32, #tpu.memory_space<vmem>>
    %dma_start3A_125 = tpu.memref_squeeze %dma_start3A_124 : memref<1x32x1024xf32, #tpu.memory_space<vmem>> -> memref<32x1024xf32, #tpu.memory_space<vmem>>
    %dma_start3A_126 = arith.constant 0 : i32
    %dma_start3A_127 = tpu.memref_slice %arg3[%dma_start3A_120, %add3A_78, %dma_start3A_126] : memref<4x8192x1024xf32, #tpu.memory_space<hbm>> -> memref<1x32x1024xf32, #tpu.memory_space<hbm>>
    %dma_start3A_128 = tpu.memref_squeeze %dma_start3A_127 : memref<1x32x1024xf32, #tpu.memory_space<hbm>> -> memref<32x1024xf32, #tpu.memory_space<hbm>>
    %dma_start3A_129 = tpu.memref_slice %arg6[%dma_start3A_121] : memref<3x!tpu.dma_semaphore, #tpu.memory_space<semaphore_mem>> -> memref<1x!tpu.dma_semaphore, #tpu.memory_space<semaphore_mem>>
    %dma_start3A_130 = tpu.memref_squeeze %dma_start3A_129 : memref<1x!tpu.dma_semaphore, #tpu.memory_space<semaphore_mem>> -> memref<!tpu.dma_semaphore, #tpu.memory_space<semaphore_mem>>
    %dma_start3A_131 = arith.constant 0 : i32
    %dma_start3A_132 = tpu.memref_slice %arg3[%dma_start3A_120, %add3A_78, %dma_start3A_131] : memref<4x8192x1024xf32, #tpu.memory_space<hbm>> -> memref<1x32x1024xf32, #tpu.memory_space<hbm>>
    %dma_start3A_133 = tpu.memref_squeeze %dma_start3A_132 : memref<1x32x1024xf32, #tpu.memory_space<hbm>> -> memref<32x1024xf32, #tpu.memory_space<hbm>>
    %dma_start3A_134 = arith.constant 0 : i32
    %dma_start3A_135 = arith.constant 0 : i32
    %dma_start3A_136 = tpu.memref_slice %arg4[%dma_start3A_119, %dma_start3A_134, %dma_start3A_135] : memref<3x32x1024xf32, #tpu.memory_space<vmem>> -> memref<1x32x1024xf32, #tpu.memory_space<vmem>>
    %dma_start3A_137 = tpu.memref_squeeze %dma_start3A_136 : memref<1x32x1024xf32, #tpu.memory_space<vmem>> -> memref<32x1024xf32, #tpu.memory_space<vmem>>
    tpu.enqueue_dma source(%dma_start3A_137 : memref<32x1024xf32, #tpu.memory_space<vmem>>) target(%dma_start3A_133 : memref<32x1024xf32, #tpu.memory_space<hbm>>) target_semaphore(%dma_start3A_130 : memref<!tpu.dma_semaphore, #tpu.memory_space<semaphore_mem>>)
    %dma_start3A_138 = arith.constant 0 : i32
    %dma_start3A_139 = arith.constant 3 : i32
    %dma_start3A_140 = arith.constant 0 : i32
    %dma_start3A_141 = arith.constant 0 : i32
    %dma_start3A_142 = arith.constant 0 : i32
    %dma_start3A_143 = tpu.memref_slice %arg4[%dma_start3A_138, %dma_start3A_141, %dma_start3A_142] : memref<3x32x1024xf32, #tpu.memory_space<vmem>> -> memref<1x32x1024xf32, #tpu.memory_space<vmem>>
    %dma_start3A_144 = tpu.memref_squeeze %dma_start3A_143 : memref<1x32x1024xf32, #tpu.memory_space<vmem>> -> memref<32x1024xf32, #tpu.memory_space<vmem>>
    %dma_start3A_145 = arith.constant 0 : i32
    %dma_start3A_146 = tpu.memref_slice %arg3[%dma_start3A_139, %add3A_80, %dma_start3A_145] : memref<4x8192x1024xf32, #tpu.memory_space<hbm>> -> memref<1x32x1024xf32, #tpu.memory_space<hbm>>
    %dma_start3A_147 = tpu.memref_squeeze %dma_start3A_146 : memref<1x32x1024xf32, #tpu.memory_space<hbm>> -> memref<32x1024xf32, #tpu.memory_space<hbm>>
    %dma_start3A_148 = tpu.memref_slice %arg6[%dma_start3A_140] : memref<3x!tpu.dma_semaphore, #tpu.memory_space<semaphore_mem>> -> memref<1x!tpu.dma_semaphore, #tpu.memory_space<semaphore_mem>>
    %dma_start3A_149 = tpu.memref_squeeze %dma_start3A_148 : memref<1x!tpu.dma_semaphore, #tpu.memory_space<semaphore_mem>> -> memref<!tpu.dma_semaphore, #tpu.memory_space<semaphore_mem>>
    %dma_start3A_150 = arith.constant 0 : i32
    %dma_start3A_151 = tpu.memref_slice %arg3[%dma_start3A_139, %add3A_80, %dma_start3A_150] : memref<4x8192x1024xf32, #tpu.memory_space<hbm>> -> memref<1x32x1024xf32, #tpu.memory_space<hbm>>
    %dma_start3A_152 = tpu.memref_squeeze %dma_start3A_151 : memref<1x32x1024xf32, #tpu.memory_space<hbm>> -> memref<32x1024xf32, #tpu.memory_space<hbm>>
    %dma_start3A_153 = arith.constant 0 : i32
    %dma_start3A_154 = arith.constant 0 : i32
    %dma_start3A_155 = tpu.memref_slice %arg4[%dma_start3A_138, %dma_start3A_153, %dma_start3A_154] : memref<3x32x1024xf32, #tpu.memory_space<vmem>> -> memref<1x32x1024xf32, #tpu.memory_space<vmem>>
    %dma_start3A_156 = tpu.memref_squeeze %dma_start3A_155 : memref<1x32x1024xf32, #tpu.memory_space<vmem>> -> memref<32x1024xf32, #tpu.memory_space<vmem>>
    tpu.enqueue_dma source(%dma_start3A_156 : memref<32x1024xf32, #tpu.memory_space<vmem>>) target(%dma_start3A_152 : memref<32x1024xf32, #tpu.memory_space<hbm>>) target_semaphore(%dma_start3A_149 : memref<!tpu.dma_semaphore, #tpu.memory_space<semaphore_mem>>)
    %add3A_157 = arith.constant 32 : i32
    %add3A_158 = arith.addi %mul3A_2, %add3A_157 : i32
    %dma_wait3A_159 = arith.constant 1 : i32
    %dma_wait3A_160 = arith.constant 1 : i32
    %dma_wait3A_161 = arith.constant 0 : i32
    %dma_wait3A_162 = arith.constant 0 : i32
    %dma_wait3A_163 = tpu.memref_slice %arg4[%dma_wait3A_159, %dma_wait3A_161, %dma_wait3A_162] : memref<3x32x1024xf32, #tpu.memory_space<vmem>> -> memref<1x32x1024xf32, #tpu.memory_space<vmem>>
    %dma_wait3A_164 = tpu.memref_squeeze %dma_wait3A_163 : memref<1x32x1024xf32, #tpu.memory_space<vmem>> -> memref<32x1024xf32, #tpu.memory_space<vmem>>
    %dma_wait3A_165 = arith.constant 0 : i32
    %dma_wait3A_166 = tpu.memref_slice %arg2[%add3A_158, %dma_wait3A_165] : memref<8192x1024xf32, #tpu.memory_space<hbm>> -> memref<32x1024xf32, #tpu.memory_space<hbm>>
    %dma_wait3A_167 = tpu.memref_slice %arg5[%dma_wait3A_160] : memref<3x!tpu.dma_semaphore, #tpu.memory_space<semaphore_mem>> -> memref<1x!tpu.dma_semaphore, #tpu.memory_space<semaphore_mem>>
    %dma_wait3A_168 = tpu.memref_squeeze %dma_wait3A_167 : memref<1x!tpu.dma_semaphore, #tpu.memory_space<semaphore_mem>> -> memref<!tpu.dma_semaphore, #tpu.memory_space<semaphore_mem>>
    %dma_wait3A_169 = arith.constant 0 : i32
    %dma_wait3A_170 = arith.constant 0 : i32
    %dma_wait3A_171 = tpu.memref_slice %arg4[%dma_wait3A_159, %dma_wait3A_169, %dma_wait3A_170] : memref<3x32x1024xf32, #tpu.memory_space<vmem>> -> memref<1x32x1024xf32, #tpu.memory_space<vmem>>
    %dma_wait3A_172 = tpu.memref_squeeze %dma_wait3A_171 : memref<1x32x1024xf32, #tpu.memory_space<vmem>> -> memref<32x1024xf32, #tpu.memory_space<vmem>>
    %dma_wait3A_173 = arith.constant 0 : i32
    %dma_wait3A_174 = tpu.memref_slice %arg2[%add3A_158, %dma_wait3A_173] : memref<8192x1024xf32, #tpu.memory_space<hbm>> -> memref<32x1024xf32, #tpu.memory_space<hbm>>
    tpu.wait_dma2 semaphore(%dma_wait3A_168 : memref<!tpu.dma_semaphore, #tpu.memory_space<semaphore_mem>>) src(%dma_wait3A_174 : memref<32x1024xf32, #tpu.memory_space<hbm>>) dst(%dma_wait3A_172 : memref<32x1024xf32, #tpu.memory_space<vmem>>)
    %add3A_175 = arith.constant 0 : i32
    %add3A_176 = arith.addi %mul3A_2, %add3A_175 : i32
    %add3A_177 = arith.constant 0 : i32
    %add3A_178 = arith.addi %mul3A_2, %add3A_177 : i32
    %add3A_179 = arith.constant 0 : i32
    %add3A_180 = arith.addi %mul3A_2, %add3A_179 : i32
    %add3A_181 = arith.constant 0 : i32
    %add3A_182 = arith.addi %mul3A_2, %add3A_181 : i32
    %dma_wait3A_183 = arith.constant 0 : i32
    %dma_wait3A_184 = arith.constant 0 : i32
    %dma_wait3A_185 = arith.constant 0 : i32
    %dma_wait3A_186 = arith.constant 0 : i32
    %dma_wait3A_187 = arith.constant 0 : i32
    %dma_wait3A_188 = tpu.memref_slice %arg4[%dma_wait3A_183, %dma_wait3A_186, %dma_wait3A_187] : memref<3x32x1024xf32, #tpu.memory_space<vmem>> -> memref<1x32x1024xf32, #tpu.memory_space<vmem>>
    %dma_wait3A_189 = tpu.memref_squeeze %dma_wait3A_188 : memref<1x32x1024xf32, #tpu.memory_space<vmem>> -> memref<32x1024xf32, #tpu.memory_space<vmem>>
    %dma_wait3A_190 = arith.constant 0 : i32
    %dma_wait3A_191 = tpu.memref_slice %arg3[%dma_wait3A_184, %add3A_176, %dma_wait3A_190] : memref<4x8192x1024xf32, #tpu.memory_space<hbm>> -> memref<1x32x1024xf32, #tpu.memory_space<hbm>>
    %dma_wait3A_192 = tpu.memref_squeeze %dma_wait3A_191 : memref<1x32x1024xf32, #tpu.memory_space<hbm>> -> memref<32x1024xf32, #tpu.memory_space<hbm>>
    %dma_wait3A_193 = tpu.memref_slice %arg6[%dma_wait3A_185] : memref<3x!tpu.dma_semaphore, #tpu.memory_space<semaphore_mem>> -> memref<1x!tpu.dma_semaphore, #tpu.memory_space<semaphore_mem>>
    %dma_wait3A_194 = tpu.memref_squeeze %dma_wait3A_193 : memref<1x!tpu.dma_semaphore, #tpu.memory_space<semaphore_mem>> -> memref<!tpu.dma_semaphore, #tpu.memory_space<semaphore_mem>>
    %dma_wait3A_195 = arith.constant 0 : i32
    %dma_wait3A_196 = tpu.memref_slice %arg3[%dma_wait3A_184, %add3A_176, %dma_wait3A_195] : memref<4x8192x1024xf32, #tpu.memory_space<hbm>> -> memref<1x32x1024xf32, #tpu.memory_space<hbm>>
    %dma_wait3A_197 = tpu.memref_squeeze %dma_wait3A_196 : memref<1x32x1024xf32, #tpu.memory_space<hbm>> -> memref<32x1024xf32, #tpu.memory_space<hbm>>
    %dma_wait3A_198 = arith.constant 0 : i32
    %dma_wait3A_199 = arith.constant 0 : i32
    %dma_wait3A_200 = tpu.memref_slice %arg4[%dma_wait3A_183, %dma_wait3A_198, %dma_wait3A_199] : memref<3x32x1024xf32, #tpu.memory_space<vmem>> -> memref<1x32x1024xf32, #tpu.memory_space<vmem>>
    %dma_wait3A_201 = tpu.memref_squeeze %dma_wait3A_200 : memref<1x32x1024xf32, #tpu.memory_space<vmem>> -> memref<32x1024xf32, #tpu.memory_space<vmem>>
    tpu.wait_dma2 semaphore(%dma_wait3A_194 : memref<!tpu.dma_semaphore, #tpu.memory_space<semaphore_mem>>) src(%dma_wait3A_201 : memref<32x1024xf32, #tpu.memory_space<vmem>>) dst(%dma_wait3A_197 : memref<32x1024xf32, #tpu.memory_space<hbm>>)
    %dma_wait3A_202 = arith.constant 0 : i32
    %dma_wait3A_203 = arith.constant 1 : i32
    %dma_wait3A_204 = arith.constant 0 : i32
    %dma_wait3A_205 = arith.constant 0 : i32
    %dma_wait3A_206 = arith.constant 0 : i32
    %dma_wait3A_207 = tpu.memref_slice %arg4[%dma_wait3A_202, %dma_wait3A_205, %dma_wait3A_206] : memref<3x32x1024xf32, #tpu.memory_space<vmem>> -> memref<1x32x1024xf32, #tpu.memory_space<vmem>>
    %dma_wait3A_208 = tpu.memref_squeeze %dma_wait3A_207 : memref<1x32x1024xf32, #tpu.memory_space<vmem>> -> memref<32x1024xf32, #tpu.memory_space<vmem>>
    %dma_wait3A_209 = arith.constant 0 : i32
    %dma_wait3A_210 = tpu.memref_slice %arg3[%dma_wait3A_203, %add3A_178, %dma_wait3A_209] : memref<4x8192x1024xf32, #tpu.memory_space<hbm>> -> memref<1x32x1024xf32, #tpu.memory_space<hbm>>
    %dma_wait3A_211 = tpu.memref_squeeze %dma_wait3A_210 : memref<1x32x1024xf32, #tpu.memory_space<hbm>> -> memref<32x1024xf32, #tpu.memory_space<hbm>>
    %dma_wait3A_212 = tpu.memref_slice %arg6[%dma_wait3A_204] : memref<3x!tpu.dma_semaphore, #tpu.memory_space<semaphore_mem>> -> memref<1x!tpu.dma_semaphore, #tpu.memory_space<semaphore_mem>>
    %dma_wait3A_213 = tpu.memref_squeeze %dma_wait3A_212 : memref<1x!tpu.dma_semaphore, #tpu.memory_space<semaphore_mem>> -> memref<!tpu.dma_semaphore, #tpu.memory_space<semaphore_mem>>
    %dma_wait3A_214 = arith.constant 0 : i32
    %dma_wait3A_215 = tpu.memref_slice %arg3[%dma_wait3A_203, %add3A_178, %dma_wait3A_214] : memref<4x8192x1024xf32, #tpu.memory_space<hbm>> -> memref<1x32x1024xf32, #tpu.memory_space<hbm>>
    %dma_wait3A_216 = tpu.memref_squeeze %dma_wait3A_215 : memref<1x32x1024xf32, #tpu.memory_space<hbm>> -> memref<32x1024xf32, #tpu.memory_space<hbm>>
    %dma_wait3A_217 = arith.constant 0 : i32
    %dma_wait3A_218 = arith.constant 0 : i32
    %dma_wait3A_219 = tpu.memref_slice %arg4[%dma_wait3A_202, %dma_wait3A_217, %dma_wait3A_218] : memref<3x32x1024xf32, #tpu.memory_space<vmem>> -> memref<1x32x1024xf32, #tpu.memory_space<vmem>>
    %dma_wait3A_220 = tpu.memref_squeeze %dma_wait3A_219 : memref<1x32x1024xf32, #tpu.memory_space<vmem>> -> memref<32x1024xf32, #tpu.memory_space<vmem>>
    tpu.wait_dma2 semaphore(%dma_wait3A_213 : memref<!tpu.dma_semaphore, #tpu.memory_space<semaphore_mem>>) src(%dma_wait3A_220 : memref<32x1024xf32, #tpu.memory_space<vmem>>) dst(%dma_wait3A_216 : memref<32x1024xf32, #tpu.memory_space<hbm>>)
    %dma_wait3A_221 = arith.constant 0 : i32
    %dma_wait3A_222 = arith.constant 2 : i32
    %dma_wait3A_223 = arith.constant 0 : i32
    %dma_wait3A_224 = arith.constant 0 : i32
    %dma_wait3A_225 = arith.constant 0 : i32
    %dma_wait3A_226 = tpu.memref_slice %arg4[%dma_wait3A_221, %dma_wait3A_224, %dma_wait3A_225] : memref<3x32x1024xf32, #tpu.memory_space<vmem>> -> memref<1x32x1024xf32, #tpu.memory_space<vmem>>
    %dma_wait3A_227 = tpu.memref_squeeze %dma_wait3A_226 : memref<1x32x1024xf32, #tpu.memory_space<vmem>> -> memref<32x1024xf32, #tpu.memory_space<vmem>>
    %dma_wait3A_228 = arith.constant 0 : i32
    %dma_wait3A_229 = tpu.memref_slice %arg3[%dma_wait3A_222, %add3A_180, %dma_wait3A_228] : memref<4x8192x1024xf32, #tpu.memory_space<hbm>> -> memref<1x32x1024xf32, #tpu.memory_space<hbm>>
    %dma_wait3A_230 = tpu.memref_squeeze %dma_wait3A_229 : memref<1x32x1024xf32, #tpu.memory_space<hbm>> -> memref<32x1024xf32, #tpu.memory_space<hbm>>
    %dma_wait3A_231 = tpu.memref_slice %arg6[%dma_wait3A_223] : memref<3x!tpu.dma_semaphore, #tpu.memory_space<semaphore_mem>> -> memref<1x!tpu.dma_semaphore, #tpu.memory_space<semaphore_mem>>
    %dma_wait3A_232 = tpu.memref_squeeze %dma_wait3A_231 : memref<1x!tpu.dma_semaphore, #tpu.memory_space<semaphore_mem>> -> memref<!tpu.dma_semaphore, #tpu.memory_space<semaphore_mem>>
    %dma_wait3A_233 = arith.constant 0 : i32
    %dma_wait3A_234 = tpu.memref_slice %arg3[%dma_wait3A_222, %add3A_180, %dma_wait3A_233] : memref<4x8192x1024xf32, #tpu.memory_space<hbm>> -> memref<1x32x1024xf32, #tpu.memory_space<hbm>>
    %dma_wait3A_235 = tpu.memref_squeeze %dma_wait3A_234 : memref<1x32x1024xf32, #tpu.memory_space<hbm>> -> memref<32x1024xf32, #tpu.memory_space<hbm>>
    %dma_wait3A_236 = arith.constant 0 : i32
    %dma_wait3A_237 = arith.constant 0 : i32
    %dma_wait3A_238 = tpu.memref_slice %arg4[%dma_wait3A_221, %dma_wait3A_236, %dma_wait3A_237] : memref<3x32x1024xf32, #tpu.memory_space<vmem>> -> memref<1x32x1024xf32, #tpu.memory_space<vmem>>
    %dma_wait3A_239 = tpu.memref_squeeze %dma_wait3A_238 : memref<1x32x1024xf32, #tpu.memory_space<vmem>> -> memref<32x1024xf32, #tpu.memory_space<vmem>>
    tpu.wait_dma2 semaphore(%dma_wait3A_232 : memref<!tpu.dma_semaphore, #tpu.memory_space<semaphore_mem>>) src(%dma_wait3A_239 : memref<32x1024xf32, #tpu.memory_space<vmem>>) dst(%dma_wait3A_235 : memref<32x1024xf32, #tpu.memory_space<hbm>>)
    %dma_wait3A_240 = arith.constant 0 : i32
    %dma_wait3A_241 = arith.constant 3 : i32
    %dma_wait3A_242 = arith.constant 0 : i32
    %dma_wait3A_243 = arith.constant 0 : i32
    %dma_wait3A_244 = arith.constant 0 : i32
    %dma_wait3A_245 = tpu.memref_slice %arg4[%dma_wait3A_240, %dma_wait3A_243, %dma_wait3A_244] : memref<3x32x1024xf32, #tpu.memory_space<vmem>> -> memref<1x32x1024xf32, #tpu.memory_space<vmem>>
    %dma_wait3A_246 = tpu.memref_squeeze %dma_wait3A_245 : memref<1x32x1024xf32, #tpu.memory_space<vmem>> -> memref<32x1024xf32, #tpu.memory_space<vmem>>
    %dma_wait3A_247 = arith.constant 0 : i32
    %dma_wait3A_248 = tpu.memref_slice %arg3[%dma_wait3A_241, %add3A_182, %dma_wait3A_247] : memref<4x8192x1024xf32, #tpu.memory_space<hbm>> -> memref<1x32x1024xf32, #tpu.memory_space<hbm>>
    %dma_wait3A_249 = tpu.memref_squeeze %dma_wait3A_248 : memref<1x32x1024xf32, #tpu.memory_space<hbm>> -> memref<32x1024xf32, #tpu.memory_space<hbm>>
    %dma_wait3A_250 = tpu.memref_slice %arg6[%dma_wait3A_242] : memref<3x!tpu.dma_semaphore, #tpu.memory_space<semaphore_mem>> -> memref<1x!tpu.dma_semaphore, #tpu.memory_space<semaphore_mem>>
    %dma_wait3A_251 = tpu.memref_squeeze %dma_wait3A_250 : memref<1x!tpu.dma_semaphore, #tpu.memory_space<semaphore_mem>> -> memref<!tpu.dma_semaphore, #tpu.memory_space<semaphore_mem>>
    %dma_wait3A_252 = arith.constant 0 : i32
    %dma_wait3A_253 = tpu.memref_slice %arg3[%dma_wait3A_241, %add3A_182, %dma_wait3A_252] : memref<4x8192x1024xf32, #tpu.memory_space<hbm>> -> memref<1x32x1024xf32, #tpu.memory_space<hbm>>
    %dma_wait3A_254 = tpu.memref_squeeze %dma_wait3A_253 : memref<1x32x1024xf32, #tpu.memory_space<hbm>> -> memref<32x1024xf32, #tpu.memory_space<hbm>>
    %dma_wait3A_255 = arith.constant 0 : i32
    %dma_wait3A_256 = arith.constant 0 : i32
    %dma_wait3A_257 = tpu.memref_slice %arg4[%dma_wait3A_240, %dma_wait3A_255, %dma_wait3A_256] : memref<3x32x1024xf32, #tpu.memory_space<vmem>> -> memref<1x32x1024xf32, #tpu.memory_space<vmem>>
    %dma_wait3A_258 = tpu.memref_squeeze %dma_wait3A_257 : memref<1x32x1024xf32, #tpu.memory_space<vmem>> -> memref<32x1024xf32, #tpu.memory_space<vmem>>
    tpu.wait_dma2 semaphore(%dma_wait3A_251 : memref<!tpu.dma_semaphore, #tpu.memory_space<semaphore_mem>>) src(%dma_wait3A_258 : memref<32x1024xf32, #tpu.memory_space<vmem>>) dst(%dma_wait3A_254 : memref<32x1024xf32, #tpu.memory_space<hbm>>)
    %add3A_259 = arith.constant 96 : i32
    %add3A_260 = arith.addi %mul3A_2, %add3A_259 : i32
    %dma_start3A_261 = arith.constant 0 : i32
    %dma_start3A_262 = arith.constant 0 : i32
    %dma_start3A_263 = arith.constant 0 : i32
    %dma_start3A_264 = arith.constant 0 : i32
    %dma_start3A_265 = tpu.memref_slice %arg4[%dma_start3A_261, %dma_start3A_263, %dma_start3A_264] : memref<3x32x1024xf32, #tpu.memory_space<vmem>> -> memref<1x32x1024xf32, #tpu.memory_space<vmem>>
    %dma_start3A_266 = tpu.memref_squeeze %dma_start3A_265 : memref<1x32x1024xf32, #tpu.memory_space<vmem>> -> memref<32x1024xf32, #tpu.memory_space<vmem>>
    %dma_start3A_267 = arith.constant 0 : i32
    %dma_start3A_268 = tpu.memref_slice %arg2[%add3A_260, %dma_start3A_267] : memref<8192x1024xf32, #tpu.memory_space<hbm>> -> memref<32x1024xf32, #tpu.memory_space<hbm>>
    %dma_start3A_269 = tpu.memref_slice %arg5[%dma_start3A_262] : memref<3x!tpu.dma_semaphore, #tpu.memory_space<semaphore_mem>> -> memref<1x!tpu.dma_semaphore, #tpu.memory_space<semaphore_mem>>
    %dma_start3A_270 = tpu.memref_squeeze %dma_start3A_269 : memref<1x!tpu.dma_semaphore, #tpu.memory_space<semaphore_mem>> -> memref<!tpu.dma_semaphore, #tpu.memory_space<semaphore_mem>>
    %dma_start3A_271 = arith.constant 0 : i32
    %dma_start3A_272 = arith.constant 0 : i32
    %dma_start3A_273 = tpu.memref_slice %arg4[%dma_start3A_261, %dma_start3A_271, %dma_start3A_272] : memref<3x32x1024xf32, #tpu.memory_space<vmem>> -> memref<1x32x1024xf32, #tpu.memory_space<vmem>>
    %dma_start3A_274 = tpu.memref_squeeze %dma_start3A_273 : memref<1x32x1024xf32, #tpu.memory_space<vmem>> -> memref<32x1024xf32, #tpu.memory_space<vmem>>
    %dma_start3A_275 = arith.constant 0 : i32
    %dma_start3A_276 = tpu.memref_slice %arg2[%add3A_260, %dma_start3A_275] : memref<8192x1024xf32, #tpu.memory_space<hbm>> -> memref<32x1024xf32, #tpu.memory_space<hbm>>
    tpu.enqueue_dma source(%dma_start3A_276 : memref<32x1024xf32, #tpu.memory_space<hbm>>) target(%dma_start3A_274 : memref<32x1024xf32, #tpu.memory_space<vmem>>) target_semaphore(%dma_start3A_270 : memref<!tpu.dma_semaphore, #tpu.memory_space<semaphore_mem>>)
    %add3A_277 = arith.constant 32 : i32
    %add3A_278 = arith.addi %mul3A_2, %add3A_277 : i32
    %add3A_279 = arith.constant 32 : i32
    %add3A_280 = arith.addi %mul3A_2, %add3A_279 : i32
    %add3A_281 = arith.constant 32 : i32
    %add3A_282 = arith.addi %mul3A_2, %add3A_281 : i32
    %add3A_283 = arith.constant 32 : i32
    %add3A_284 = arith.addi %mul3A_2, %add3A_283 : i32
    %dma_start3A_285 = arith.constant 1 : i32
    %dma_start3A_286 = arith.constant 0 : i32
    %dma_start3A_287 = arith.constant 1 : i32
    %dma_start3A_288 = arith.constant 0 : i32
    %dma_start3A_289 = arith.constant 0 : i32
    %dma_start3A_290 = tpu.memref_slice %arg4[%dma_start3A_285, %dma_start3A_288, %dma_start3A_289] : memref<3x32x1024xf32, #tpu.memory_space<vmem>> -> memref<1x32x1024xf32, #tpu.memory_space<vmem>>
    %dma_start3A_291 = tpu.memref_squeeze %dma_start3A_290 : memref<1x32x1024xf32, #tpu.memory_space<vmem>> -> memref<32x1024xf32, #tpu.memory_space<vmem>>
    %dma_start3A_292 = arith.constant 0 : i32
    %dma_start3A_293 = tpu.memref_slice %arg3[%dma_start3A_286, %add3A_278, %dma_start3A_292] : memref<4x8192x1024xf32, #tpu.memory_space<hbm>> -> memref<1x32x1024xf32, #tpu.memory_space<hbm>>
    %dma_start3A_294 = tpu.memref_squeeze %dma_start3A_293 : memref<1x32x1024xf32, #tpu.memory_space<hbm>> -> memref<32x1024xf32, #tpu.memory_space<hbm>>
    %dma_start3A_295 = tpu.memref_slice %arg6[%dma_start3A_287] : memref<3x!tpu.dma_semaphore, #tpu.memory_space<semaphore_mem>> -> memref<1x!tpu.dma_semaphore, #tpu.memory_space<semaphore_mem>>
    %dma_start3A_296 = tpu.memref_squeeze %dma_start3A_295 : memref<1x!tpu.dma_semaphore, #tpu.memory_space<semaphore_mem>> -> memref<!tpu.dma_semaphore, #tpu.memory_space<semaphore_mem>>
    %dma_start3A_297 = arith.constant 0 : i32
    %dma_start3A_298 = tpu.memref_slice %arg3[%dma_start3A_286, %add3A_278, %dma_start3A_297] : memref<4x8192x1024xf32, #tpu.memory_space<hbm>> -> memref<1x32x1024xf32, #tpu.memory_space<hbm>>
    %dma_start3A_299 = tpu.memref_squeeze %dma_start3A_298 : memref<1x32x1024xf32, #tpu.memory_space<hbm>> -> memref<32x1024xf32, #tpu.memory_space<hbm>>
    %dma_start3A_300 = arith.constant 0 : i32
    %dma_start3A_301 = arith.constant 0 : i32
    %dma_start3A_302 = tpu.memref_slice %arg4[%dma_start3A_285, %dma_start3A_300, %dma_start3A_301] : memref<3x32x1024xf32, #tpu.memory_space<vmem>> -> memref<1x32x1024xf32, #tpu.memory_space<vmem>>
    %dma_start3A_303 = tpu.memref_squeeze %dma_start3A_302 : memref<1x32x1024xf32, #tpu.memory_space<vmem>> -> memref<32x1024xf32, #tpu.memory_space<vmem>>
    tpu.enqueue_dma source(%dma_start3A_303 : memref<32x1024xf32, #tpu.memory_space<vmem>>) target(%dma_start3A_299 : memref<32x1024xf32, #tpu.memory_space<hbm>>) target_semaphore(%dma_start3A_296 : memref<!tpu.dma_semaphore, #tpu.memory_space<semaphore_mem>>)
    %dma_start3A_304 = arith.constant 1 : i32
    %dma_start3A_305 = arith.constant 1 : i32
    %dma_start3A_306 = arith.constant 1 : i32
    %dma_start3A_307 = arith.constant 0 : i32
    %dma_start3A_308 = arith.constant 0 : i32
    %dma_start3A_309 = tpu.memref_slice %arg4[%dma_start3A_304, %dma_start3A_307, %dma_start3A_308] : memref<3x32x1024xf32, #tpu.memory_space<vmem>> -> memref<1x32x1024xf32, #tpu.memory_space<vmem>>
    %dma_start3A_310 = tpu.memref_squeeze %dma_start3A_309 : memref<1x32x1024xf32, #tpu.memory_space<vmem>> -> memref<32x1024xf32, #tpu.memory_space<vmem>>
    %dma_start3A_311 = arith.constant 0 : i32
    %dma_start3A_312 = tpu.memref_slice %arg3[%dma_start3A_305, %add3A_280, %dma_start3A_311] : memref<4x8192x1024xf32, #tpu.memory_space<hbm>> -> memref<1x32x1024xf32, #tpu.memory_space<hbm>>
    %dma_start3A_313 = tpu.memref_squeeze %dma_start3A_312 : memref<1x32x1024xf32, #tpu.memory_space<hbm>> -> memref<32x1024xf32, #tpu.memory_space<hbm>>
    %dma_start3A_314 = tpu.memref_slice %arg6[%dma_start3A_306] : memref<3x!tpu.dma_semaphore, #tpu.memory_space<semaphore_mem>> -> memref<1x!tpu.dma_semaphore, #tpu.memory_space<semaphore_mem>>
    %dma_start3A_315 = tpu.memref_squeeze %dma_start3A_314 : memref<1x!tpu.dma_semaphore, #tpu.memory_space<semaphore_mem>> -> memref<!tpu.dma_semaphore, #tpu.memory_space<semaphore_mem>>
    %dma_start3A_316 = arith.constant 0 : i32
    %dma_start3A_317 = tpu.memref_slice %arg3[%dma_start3A_305, %add3A_280, %dma_start3A_316] : memref<4x8192x1024xf32, #tpu.memory_space<hbm>> -> memref<1x32x1024xf32, #tpu.memory_space<hbm>>
    %dma_start3A_318 = tpu.memref_squeeze %dma_start3A_317 : memref<1x32x1024xf32, #tpu.memory_space<hbm>> -> memref<32x1024xf32, #tpu.memory_space<hbm>>
    %dma_start3A_319 = arith.constant 0 : i32
    %dma_start3A_320 = arith.constant 0 : i32
    %dma_start3A_321 = tpu.memref_slice %arg4[%dma_start3A_304, %dma_start3A_319, %dma_start3A_320] : memref<3x32x1024xf32, #tpu.memory_space<vmem>> -> memref<1x32x1024xf32, #tpu.memory_space<vmem>>
    %dma_start3A_322 = tpu.memref_squeeze %dma_start3A_321 : memref<1x32x1024xf32, #tpu.memory_space<vmem>> -> memref<32x1024xf32, #tpu.memory_space<vmem>>
    tpu.enqueue_dma source(%dma_start3A_322 : memref<32x1024xf32, #tpu.memory_space<vmem>>) target(%dma_start3A_318 : memref<32x1024xf32, #tpu.memory_space<hbm>>) target_semaphore(%dma_start3A_315 : memref<!tpu.dma_semaphore, #tpu.memory_space<semaphore_mem>>)
    %dma_start3A_323 = arith.constant 1 : i32
    %dma_start3A_324 = arith.constant 2 : i32
    %dma_start3A_325 = arith.constant 1 : i32
    %dma_start3A_326 = arith.constant 0 : i32
    %dma_start3A_327 = arith.constant 0 : i32
    %dma_start3A_328 = tpu.memref_slice %arg4[%dma_start3A_323, %dma_start3A_326, %dma_start3A_327] : memref<3x32x1024xf32, #tpu.memory_space<vmem>> -> memref<1x32x1024xf32, #tpu.memory_space<vmem>>
    %dma_start3A_329 = tpu.memref_squeeze %dma_start3A_328 : memref<1x32x1024xf32, #tpu.memory_space<vmem>> -> memref<32x1024xf32, #tpu.memory_space<vmem>>
    %dma_start3A_330 = arith.constant 0 : i32
    %dma_start3A_331 = tpu.memref_slice %arg3[%dma_start3A_324, %add3A_282, %dma_start3A_330] : memref<4x8192x1024xf32, #tpu.memory_space<hbm>> -> memref<1x32x1024xf32, #tpu.memory_space<hbm>>
    %dma_start3A_332 = tpu.memref_squeeze %dma_start3A_331 : memref<1x32x1024xf32, #tpu.memory_space<hbm>> -> memref<32x1024xf32, #tpu.memory_space<hbm>>
    %dma_start3A_333 = tpu.memref_slice %arg6[%dma_start3A_325] : memref<3x!tpu.dma_semaphore, #tpu.memory_space<semaphore_mem>> -> memref<1x!tpu.dma_semaphore, #tpu.memory_space<semaphore_mem>>
    %dma_start3A_334 = tpu.memref_squeeze %dma_start3A_333 : memref<1x!tpu.dma_semaphore, #tpu.memory_space<semaphore_mem>> -> memref<!tpu.dma_semaphore, #tpu.memory_space<semaphore_mem>>
    %dma_start3A_335 = arith.constant 0 : i32
    %dma_start3A_336 = tpu.memref_slice %arg3[%dma_start3A_324, %add3A_282, %dma_start3A_335] : memref<4x8192x1024xf32, #tpu.memory_space<hbm>> -> memref<1x32x1024xf32, #tpu.memory_space<hbm>>
    %dma_start3A_337 = tpu.memref_squeeze %dma_start3A_336 : memref<1x32x1024xf32, #tpu.memory_space<hbm>> -> memref<32x1024xf32, #tpu.memory_space<hbm>>
    %dma_start3A_338 = arith.constant 0 : i32
    %dma_start3A_339 = arith.constant 0 : i32
    %dma_start3A_340 = tpu.memref_slice %arg4[%dma_start3A_323, %dma_start3A_338, %dma_start3A_339] : memref<3x32x1024xf32, #tpu.memory_space<vmem>> -> memref<1x32x1024xf32, #tpu.memory_space<vmem>>
    %dma_start3A_341 = tpu.memref_squeeze %dma_start3A_340 : memref<1x32x1024xf32, #tpu.memory_space<vmem>> -> memref<32x1024xf32, #tpu.memory_space<vmem>>
    tpu.enqueue_dma source(%dma_start3A_341 : memref<32x1024xf32, #tpu.memory_space<vmem>>) target(%dma_start3A_337 : memref<32x1024xf32, #tpu.memory_space<hbm>>) target_semaphore(%dma_start3A_334 : memref<!tpu.dma_semaphore, #tpu.memory_space<semaphore_mem>>)
    %dma_start3A_342 = arith.constant 1 : i32
    %dma_start3A_343 = arith.constant 3 : i32
    %dma_start3A_344 = arith.constant 1 : i32
    %dma_start3A_345 = arith.constant 0 : i32
    %dma_start3A_346 = arith.constant 0 : i32
    %dma_start3A_347 = tpu.memref_slice %arg4[%dma_start3A_342, %dma_start3A_345, %dma_start3A_346] : memref<3x32x1024xf32, #tpu.memory_space<vmem>> -> memref<1x32x1024xf32, #tpu.memory_space<vmem>>
    %dma_start3A_348 = tpu.memref_squeeze %dma_start3A_347 : memref<1x32x1024xf32, #tpu.memory_space<vmem>> -> memref<32x1024xf32, #tpu.memory_space<vmem>>
    %dma_start3A_349 = arith.constant 0 : i32
    %dma_start3A_350 = tpu.memref_slice %arg3[%dma_start3A_343, %add3A_284, %dma_start3A_349] : memref<4x8192x1024xf32, #tpu.memory_space<hbm>> -> memref<1x32x1024xf32, #tpu.memory_space<hbm>>
    %dma_start3A_351 = tpu.memref_squeeze %dma_start3A_350 : memref<1x32x1024xf32, #tpu.memory_space<hbm>> -> memref<32x1024xf32, #tpu.memory_space<hbm>>
    %dma_start3A_352 = tpu.memref_slice %arg6[%dma_start3A_344] : memref<3x!tpu.dma_semaphore, #tpu.memory_space<semaphore_mem>> -> memref<1x!tpu.dma_semaphore, #tpu.memory_space<semaphore_mem>>
    %dma_start3A_353 = tpu.memref_squeeze %dma_start3A_352 : memref<1x!tpu.dma_semaphore, #tpu.memory_space<semaphore_mem>> -> memref<!tpu.dma_semaphore, #tpu.memory_space<semaphore_mem>>
    %dma_start3A_354 = arith.constant 0 : i32
    %dma_start3A_355 = tpu.memref_slice %arg3[%dma_start3A_343, %add3A_284, %dma_start3A_354] : memref<4x8192x1024xf32, #tpu.memory_space<hbm>> -> memref<1x32x1024xf32, #tpu.memory_space<hbm>>
    %dma_start3A_356 = tpu.memref_squeeze %dma_start3A_355 : memref<1x32x1024xf32, #tpu.memory_space<hbm>> -> memref<32x1024xf32, #tpu.memory_space<hbm>>
    %dma_start3A_357 = arith.constant 0 : i32
    %dma_start3A_358 = arith.constant 0 : i32
    %dma_start3A_359 = tpu.memref_slice %arg4[%dma_start3A_342, %dma_start3A_357, %dma_start3A_358] : memref<3x32x1024xf32, #tpu.memory_space<vmem>> -> memref<1x32x1024xf32, #tpu.memory_space<vmem>>
    %dma_start3A_360 = tpu.memref_squeeze %dma_start3A_359 : memref<1x32x1024xf32, #tpu.memory_space<vmem>> -> memref<32x1024xf32, #tpu.memory_space<vmem>>
    tpu.enqueue_dma source(%dma_start3A_360 : memref<32x1024xf32, #tpu.memory_space<vmem>>) target(%dma_start3A_356 : memref<32x1024xf32, #tpu.memory_space<hbm>>) target_semaphore(%dma_start3A_353 : memref<!tpu.dma_semaphore, #tpu.memory_space<semaphore_mem>>)
    %add3A_361 = arith.constant 64 : i32
    %add3A_362 = arith.addi %mul3A_2, %add3A_361 : i32
    %dma_wait3A_363 = arith.constant 2 : i32
    %dma_wait3A_364 = arith.constant 2 : i32
    %dma_wait3A_365 = arith.constant 0 : i32
    %dma_wait3A_366 = arith.constant 0 : i32
    %dma_wait3A_367 = tpu.memref_slice %arg4[%dma_wait3A_363, %dma_wait3A_365, %dma_wait3A_366] : memref<3x32x1024xf32, #tpu.memory_space<vmem>> -> memref<1x32x1024xf32, #tpu.memory_space<vmem>>
    %dma_wait3A_368 = tpu.memref_squeeze %dma_wait3A_367 : memref<1x32x1024xf32, #tpu.memory_space<vmem>> -> memref<32x1024xf32, #tpu.memory_space<vmem>>
    %dma_wait3A_369 = arith.constant 0 : i32
    %dma_wait3A_370 = tpu.memref_slice %arg2[%add3A_362, %dma_wait3A_369] : memref<8192x1024xf32, #tpu.memory_space<hbm>> -> memref<32x1024xf32, #tpu.memory_space<hbm>>
    %dma_wait3A_371 = tpu.memref_slice %arg5[%dma_wait3A_364] : memref<3x!tpu.dma_semaphore, #tpu.memory_space<semaphore_mem>> -> memref<1x!tpu.dma_semaphore, #tpu.memory_space<semaphore_mem>>
    %dma_wait3A_372 = tpu.memref_squeeze %dma_wait3A_371 : memref<1x!tpu.dma_semaphore, #tpu.memory_space<semaphore_mem>> -> memref<!tpu.dma_semaphore, #tpu.memory_space<semaphore_mem>>
    %dma_wait3A_373 = arith.constant 0 : i32
    %dma_wait3A_374 = arith.constant 0 : i32
    %dma_wait3A_375 = tpu.memref_slice %arg4[%dma_wait3A_363, %dma_wait3A_373, %dma_wait3A_374] : memref<3x32x1024xf32, #tpu.memory_space<vmem>> -> memref<1x32x1024xf32, #tpu.memory_space<vmem>>
    %dma_wait3A_376 = tpu.memref_squeeze %dma_wait3A_375 : memref<1x32x1024xf32, #tpu.memory_space<vmem>> -> memref<32x1024xf32, #tpu.memory_space<vmem>>
    %dma_wait3A_377 = arith.constant 0 : i32
    %dma_wait3A_378 = tpu.memref_slice %arg2[%add3A_362, %dma_wait3A_377] : memref<8192x1024xf32, #tpu.memory_space<hbm>> -> memref<32x1024xf32, #tpu.memory_space<hbm>>
    tpu.wait_dma2 semaphore(%dma_wait3A_372 : memref<!tpu.dma_semaphore, #tpu.memory_space<semaphore_mem>>) src(%dma_wait3A_378 : memref<32x1024xf32, #tpu.memory_space<hbm>>) dst(%dma_wait3A_376 : memref<32x1024xf32, #tpu.memory_space<vmem>>)
    %add3A_379 = arith.constant 32 : i32
    %add3A_380 = arith.addi %mul3A_2, %add3A_379 : i32
    %add3A_381 = arith.constant 32 : i32
    %add3A_382 = arith.addi %mul3A_2, %add3A_381 : i32
    %add3A_383 = arith.constant 32 : i32
    %add3A_384 = arith.addi %mul3A_2, %add3A_383 : i32
    %add3A_385 = arith.constant 32 : i32
    %add3A_386 = arith.addi %mul3A_2, %add3A_385 : i32
    %dma_wait3A_387 = arith.constant 1 : i32
    %dma_wait3A_388 = arith.constant 0 : i32
    %dma_wait3A_389 = arith.constant 1 : i32
    %dma_wait3A_390 = arith.constant 0 : i32
    %dma_wait3A_391 = arith.constant 0 : i32
    %dma_wait3A_392 = tpu.memref_slice %arg4[%dma_wait3A_387, %dma_wait3A_390, %dma_wait3A_391] : memref<3x32x1024xf32, #tpu.memory_space<vmem>> -> memref<1x32x1024xf32, #tpu.memory_space<vmem>>
    %dma_wait3A_393 = tpu.memref_squeeze %dma_wait3A_392 : memref<1x32x1024xf32, #tpu.memory_space<vmem>> -> memref<32x1024xf32, #tpu.memory_space<vmem>>
    %dma_wait3A_394 = arith.constant 0 : i32
    %dma_wait3A_395 = tpu.memref_slice %arg3[%dma_wait3A_388, %add3A_380, %dma_wait3A_394] : memref<4x8192x1024xf32, #tpu.memory_space<hbm>> -> memref<1x32x1024xf32, #tpu.memory_space<hbm>>
    %dma_wait3A_396 = tpu.memref_squeeze %dma_wait3A_395 : memref<1x32x1024xf32, #tpu.memory_space<hbm>> -> memref<32x1024xf32, #tpu.memory_space<hbm>>
    %dma_wait3A_397 = tpu.memref_slice %arg6[%dma_wait3A_389] : memref<3x!tpu.dma_semaphore, #tpu.memory_space<semaphore_mem>> -> memref<1x!tpu.dma_semaphore, #tpu.memory_space<semaphore_mem>>
    %dma_wait3A_398 = tpu.memref_squeeze %dma_wait3A_397 : memref<1x!tpu.dma_semaphore, #tpu.memory_space<semaphore_mem>> -> memref<!tpu.dma_semaphore, #tpu.memory_space<semaphore_mem>>
    %dma_wait3A_399 = arith.constant 0 : i32
    %dma_wait3A_400 = tpu.memref_slice %arg3[%dma_wait3A_388, %add3A_380, %dma_wait3A_399] : memref<4x8192x1024xf32, #tpu.memory_space<hbm>> -> memref<1x32x1024xf32, #tpu.memory_space<hbm>>
    %dma_wait3A_401 = tpu.memref_squeeze %dma_wait3A_400 : memref<1x32x1024xf32, #tpu.memory_space<hbm>> -> memref<32x1024xf32, #tpu.memory_space<hbm>>
    %dma_wait3A_402 = arith.constant 0 : i32
    %dma_wait3A_403 = arith.constant 0 : i32
    %dma_wait3A_404 = tpu.memref_slice %arg4[%dma_wait3A_387, %dma_wait3A_402, %dma_wait3A_403] : memref<3x32x1024xf32, #tpu.memory_space<vmem>> -> memref<1x32x1024xf32, #tpu.memory_space<vmem>>
    %dma_wait3A_405 = tpu.memref_squeeze %dma_wait3A_404 : memref<1x32x1024xf32, #tpu.memory_space<vmem>> -> memref<32x1024xf32, #tpu.memory_space<vmem>>
    tpu.wait_dma2 semaphore(%dma_wait3A_398 : memref<!tpu.dma_semaphore, #tpu.memory_space<semaphore_mem>>) src(%dma_wait3A_405 : memref<32x1024xf32, #tpu.memory_space<vmem>>) dst(%dma_wait3A_401 : memref<32x1024xf32, #tpu.memory_space<hbm>>)
    %dma_wait3A_406 = arith.constant 1 : i32
    %dma_wait3A_407 = arith.constant 1 : i32
    %dma_wait3A_408 = arith.constant 1 : i32
    %dma_wait3A_409 = arith.constant 0 : i32
    %dma_wait3A_410 = arith.constant 0 : i32
    %dma_wait3A_411 = tpu.memref_slice %arg4[%dma_wait3A_406, %dma_wait3A_409, %dma_wait3A_410] : memref<3x32x1024xf32, #tpu.memory_space<vmem>> -> memref<1x32x1024xf32, #tpu.memory_space<vmem>>
    %dma_wait3A_412 = tpu.memref_squeeze %dma_wait3A_411 : memref<1x32x1024xf32, #tpu.memory_space<vmem>> -> memref<32x1024xf32, #tpu.memory_space<vmem>>
    %dma_wait3A_413 = arith.constant 0 : i32
    %dma_wait3A_414 = tpu.memref_slice %arg3[%dma_wait3A_407, %add3A_382, %dma_wait3A_413] : memref<4x8192x1024xf32, #tpu.memory_space<hbm>> -> memref<1x32x1024xf32, #tpu.memory_space<hbm>>
    %dma_wait3A_415 = tpu.memref_squeeze %dma_wait3A_414 : memref<1x32x1024xf32, #tpu.memory_space<hbm>> -> memref<32x1024xf32, #tpu.memory_space<hbm>>
    %dma_wait3A_416 = tpu.memref_slice %arg6[%dma_wait3A_408] : memref<3x!tpu.dma_semaphore, #tpu.memory_space<semaphore_mem>> -> memref<1x!tpu.dma_semaphore, #tpu.memory_space<semaphore_mem>>
    %dma_wait3A_417 = tpu.memref_squeeze %dma_wait3A_416 : memref<1x!tpu.dma_semaphore, #tpu.memory_space<semaphore_mem>> -> memref<!tpu.dma_semaphore, #tpu.memory_space<semaphore_mem>>
    %dma_wait3A_418 = arith.constant 0 : i32
    %dma_wait3A_419 = tpu.memref_slice %arg3[%dma_wait3A_407, %add3A_382, %dma_wait3A_418] : memref<4x8192x1024xf32, #tpu.memory_space<hbm>> -> memref<1x32x1024xf32, #tpu.memory_space<hbm>>
    %dma_wait3A_420 = tpu.memref_squeeze %dma_wait3A_419 : memref<1x32x1024xf32, #tpu.memory_space<hbm>> -> memref<32x1024xf32, #tpu.memory_space<hbm>>
    %dma_wait3A_421 = arith.constant 0 : i32
    %dma_wait3A_422 = arith.constant 0 : i32
    %dma_wait3A_423 = tpu.memref_slice %arg4[%dma_wait3A_406, %dma_wait3A_421, %dma_wait3A_422] : memref<3x32x1024xf32, #tpu.memory_space<vmem>> -> memref<1x32x1024xf32, #tpu.memory_space<vmem>>
    %dma_wait3A_424 = tpu.memref_squeeze %dma_wait3A_423 : memref<1x32x1024xf32, #tpu.memory_space<vmem>> -> memref<32x1024xf32, #tpu.memory_space<vmem>>
    tpu.wait_dma2 semaphore(%dma_wait3A_417 : memref<!tpu.dma_semaphore, #tpu.memory_space<semaphore_mem>>) src(%dma_wait3A_424 : memref<32x1024xf32, #tpu.memory_space<vmem>>) dst(%dma_wait3A_420 : memref<32x1024xf32, #tpu.memory_space<hbm>>)
    %dma_wait3A_425 = arith.constant 1 : i32
    %dma_wait3A_426 = arith.constant 2 : i32
    %dma_wait3A_427 = arith.constant 1 : i32
    %dma_wait3A_428 = arith.constant 0 : i32
    %dma_wait3A_429 = arith.constant 0 : i32
    %dma_wait3A_430 = tpu.memref_slice %arg4[%dma_wait3A_425, %dma_wait3A_428, %dma_wait3A_429] : memref<3x32x1024xf32, #tpu.memory_space<vmem>> -> memref<1x32x1024xf32, #tpu.memory_space<vmem>>
    %dma_wait3A_431 = tpu.memref_squeeze %dma_wait3A_430 : memref<1x32x1024xf32, #tpu.memory_space<vmem>> -> memref<32x1024xf32, #tpu.memory_space<vmem>>
    %dma_wait3A_432 = arith.constant 0 : i32
    %dma_wait3A_433 = tpu.memref_slice %arg3[%dma_wait3A_426, %add3A_384, %dma_wait3A_432] : memref<4x8192x1024xf32, #tpu.memory_space<hbm>> -> memref<1x32x1024xf32, #tpu.memory_space<hbm>>
    %dma_wait3A_434 = tpu.memref_squeeze %dma_wait3A_433 : memref<1x32x1024xf32, #tpu.memory_space<hbm>> -> memref<32x1024xf32, #tpu.memory_space<hbm>>
    %dma_wait3A_435 = tpu.memref_slice %arg6[%dma_wait3A_427] : memref<3x!tpu.dma_semaphore, #tpu.memory_space<semaphore_mem>> -> memref<1x!tpu.dma_semaphore, #tpu.memory_space<semaphore_mem>>
    %dma_wait3A_436 = tpu.memref_squeeze %dma_wait3A_435 : memref<1x!tpu.dma_semaphore, #tpu.memory_space<semaphore_mem>> -> memref<!tpu.dma_semaphore, #tpu.memory_space<semaphore_mem>>
    %dma_wait3A_437 = arith.constant 0 : i32
    %dma_wait3A_438 = tpu.memref_slice %arg3[%dma_wait3A_426, %add3A_384, %dma_wait3A_437] : memref<4x8192x1024xf32, #tpu.memory_space<hbm>> -> memref<1x32x1024xf32, #tpu.memory_space<hbm>>
    %dma_wait3A_439 = tpu.memref_squeeze %dma_wait3A_438 : memref<1x32x1024xf32, #tpu.memory_space<hbm>> -> memref<32x1024xf32, #tpu.memory_space<hbm>>
    %dma_wait3A_440 = arith.constant 0 : i32
    %dma_wait3A_441 = arith.constant 0 : i32
    %dma_wait3A_442 = tpu.memref_slice %arg4[%dma_wait3A_425, %dma_wait3A_440, %dma_wait3A_441] : memref<3x32x1024xf32, #tpu.memory_space<vmem>> -> memref<1x32x1024xf32, #tpu.memory_space<vmem>>
    %dma_wait3A_443 = tpu.memref_squeeze %dma_wait3A_442 : memref<1x32x1024xf32, #tpu.memory_space<vmem>> -> memref<32x1024xf32, #tpu.memory_space<vmem>>
    tpu.wait_dma2 semaphore(%dma_wait3A_436 : memref<!tpu.dma_semaphore, #tpu.memory_space<semaphore_mem>>) src(%dma_wait3A_443 : memref<32x1024xf32, #tpu.memory_space<vmem>>) dst(%dma_wait3A_439 : memref<32x1024xf32, #tpu.memory_space<hbm>>)
    %dma_wait3A_444 = arith.constant 1 : i32
    %dma_wait3A_445 = arith.constant 3 : i32
    %dma_wait3A_446 = arith.constant 1 : i32
    %dma_wait3A_447 = arith.constant 0 : i32
    %dma_wait3A_448 = arith.constant 0 : i32
    %dma_wait3A_449 = tpu.memref_slice %arg4[%dma_wait3A_444, %dma_wait3A_447, %dma_wait3A_448] : memref<3x32x1024xf32, #tpu.memory_space<vmem>> -> memref<1x32x1024xf32, #tpu.memory_space<vmem>>
    %dma_wait3A_450 = tpu.memref_squeeze %dma_wait3A_449 : memref<1x32x1024xf32, #tpu.memory_space<vmem>> -> memref<32x1024xf32, #tpu.memory_space<vmem>>
    %dma_wait3A_451 = arith.constant 0 : i32
    %dma_wait3A_452 = tpu.memref_slice %arg3[%dma_wait3A_445, %add3A_386, %dma_wait3A_451] : memref<4x8192x1024xf32, #tpu.memory_space<hbm>> -> memref<1x32x1024xf32, #tpu.memory_space<hbm>>
    %dma_wait3A_453 = tpu.memref_squeeze %dma_wait3A_452 : memref<1x32x1024xf32, #tpu.memory_space<hbm>> -> memref<32x1024xf32, #tpu.memory_space<hbm>>
    %dma_wait3A_454 = tpu.memref_slice %arg6[%dma_wait3A_446] : memref<3x!tpu.dma_semaphore, #tpu.memory_space<semaphore_mem>> -> memref<1x!tpu.dma_semaphore, #tpu.memory_space<semaphore_mem>>
    %dma_wait3A_455 = tpu.memref_squeeze %dma_wait3A_454 : memref<1x!tpu.dma_semaphore, #tpu.memory_space<semaphore_mem>> -> memref<!tpu.dma_semaphore, #tpu.memory_space<semaphore_mem>>
    %dma_wait3A_456 = arith.constant 0 : i32
    %dma_wait3A_457 = tpu.memref_slice %arg3[%dma_wait3A_445, %add3A_386, %dma_wait3A_456] : memref<4x8192x1024xf32, #tpu.memory_space<hbm>> -> memref<1x32x1024xf32, #tpu.memory_space<hbm>>
    %dma_wait3A_458 = tpu.memref_squeeze %dma_wait3A_457 : memref<1x32x1024xf32, #tpu.memory_space<hbm>> -> memref<32x1024xf32, #tpu.memory_space<hbm>>
    %dma_wait3A_459 = arith.constant 0 : i32
    %dma_wait3A_460 = arith.constant 0 : i32
    %dma_wait3A_461 = tpu.memref_slice %arg4[%dma_wait3A_444, %dma_wait3A_459, %dma_wait3A_460] : memref<3x32x1024xf32, #tpu.memory_space<vmem>> -> memref<1x32x1024xf32, #tpu.memory_space<vmem>>
    %dma_wait3A_462 = tpu.memref_squeeze %dma_wait3A_461 : memref<1x32x1024xf32, #tpu.memory_space<vmem>> -> memref<32x1024xf32, #tpu.memory_space<vmem>>
    tpu.wait_dma2 semaphore(%dma_wait3A_455 : memref<!tpu.dma_semaphore, #tpu.memory_space<semaphore_mem>>) src(%dma_wait3A_462 : memref<32x1024xf32, #tpu.memory_space<vmem>>) dst(%dma_wait3A_458 : memref<32x1024xf32, #tpu.memory_space<hbm>>)
    %add3A_463 = arith.constant 128 : i32
    %add3A_464 = arith.addi %mul3A_2, %add3A_463 : i32
    %dma_start3A_465 = arith.constant 1 : i32
    %dma_start3A_466 = arith.constant 1 : i32
    %dma_start3A_467 = arith.constant 0 : i32
    %dma_start3A_468 = arith.constant 0 : i32
    %dma_start3A_469 = tpu.memref_slice %arg4[%dma_start3A_465, %dma_start3A_467, %dma_start3A_468] : memref<3x32x1024xf32, #tpu.memory_space<vmem>> -> memref<1x32x1024xf32, #tpu.memory_space<vmem>>
    %dma_start3A_470 = tpu.memref_squeeze %dma_start3A_469 : memref<1x32x1024xf32, #tpu.memory_space<vmem>> -> memref<32x1024xf32, #tpu.memory_space<vmem>>
    %dma_start3A_471 = arith.constant 0 : i32
    %dma_start3A_472 = tpu.memref_slice %arg2[%add3A_464, %dma_start3A_471] : memref<8192x1024xf32, #tpu.memory_space<hbm>> -> memref<32x1024xf32, #tpu.memory_space<hbm>>
    %dma_start3A_473 = tpu.memref_slice %arg5[%dma_start3A_466] : memref<3x!tpu.dma_semaphore, #tpu.memory_space<semaphore_mem>> -> memref<1x!tpu.dma_semaphore, #tpu.memory_space<semaphore_mem>>
    %dma_start3A_474 = tpu.memref_squeeze %dma_start3A_473 : memref<1x!tpu.dma_semaphore, #tpu.memory_space<semaphore_mem>> -> memref<!tpu.dma_semaphore, #tpu.memory_space<semaphore_mem>>
    %dma_start3A_475 = arith.constant 0 : i32
    %dma_start3A_476 = arith.constant 0 : i32
    %dma_start3A_477 = tpu.memref_slice %arg4[%dma_start3A_465, %dma_start3A_475, %dma_start3A_476] : memref<3x32x1024xf32, #tpu.memory_space<vmem>> -> memref<1x32x1024xf32, #tpu.memory_space<vmem>>
    %dma_start3A_478 = tpu.memref_squeeze %dma_start3A_477 : memref<1x32x1024xf32, #tpu.memory_space<vmem>> -> memref<32x1024xf32, #tpu.memory_space<vmem>>
    %dma_start3A_479 = arith.constant 0 : i32
    %dma_start3A_480 = tpu.memref_slice %arg2[%add3A_464, %dma_start3A_479] : memref<8192x1024xf32, #tpu.memory_space<hbm>> -> memref<32x1024xf32, #tpu.memory_space<hbm>>
    tpu.enqueue_dma source(%dma_start3A_480 : memref<32x1024xf32, #tpu.memory_space<hbm>>) target(%dma_start3A_478 : memref<32x1024xf32, #tpu.memory_space<vmem>>) target_semaphore(%dma_start3A_474 : memref<!tpu.dma_semaphore, #tpu.memory_space<semaphore_mem>>)
    %add3A_481 = arith.constant 64 : i32
    %add3A_482 = arith.addi %mul3A_2, %add3A_481 : i32
    %add3A_483 = arith.constant 64 : i32
    %add3A_484 = arith.addi %mul3A_2, %add3A_483 : i32
    %add3A_485 = arith.constant 64 : i32
    %add3A_486 = arith.addi %mul3A_2, %add3A_485 : i32
    %add3A_487 = arith.constant 64 : i32
    %add3A_488 = arith.addi %mul3A_2, %add3A_487 : i32
    %dma_start3A_489 = arith.constant 2 : i32
    %dma_start3A_490 = arith.constant 0 : i32
    %dma_start3A_491 = arith.constant 2 : i32
    %dma_start3A_492 = arith.constant 0 : i32
    %dma_start3A_493 = arith.constant 0 : i32
    %dma_start3A_494 = tpu.memref_slice %arg4[%dma_start3A_489, %dma_start3A_492, %dma_start3A_493] : memref<3x32x1024xf32, #tpu.memory_space<vmem>> -> memref<1x32x1024xf32, #tpu.memory_space<vmem>>
    %dma_start3A_495 = tpu.memref_squeeze %dma_start3A_494 : memref<1x32x1024xf32, #tpu.memory_space<vmem>> -> memref<32x1024xf32, #tpu.memory_space<vmem>>
    %dma_start3A_496 = arith.constant 0 : i32
    %dma_start3A_497 = tpu.memref_slice %arg3[%dma_start3A_490, %add3A_482, %dma_start3A_496] : memref<4x8192x1024xf32, #tpu.memory_space<hbm>> -> memref<1x32x1024xf32, #tpu.memory_space<hbm>>
    %dma_start3A_498 = tpu.memref_squeeze %dma_start3A_497 : memref<1x32x1024xf32, #tpu.memory_space<hbm>> -> memref<32x1024xf32, #tpu.memory_space<hbm>>
    %dma_start3A_499 = tpu.memref_slice %arg6[%dma_start3A_491] : memref<3x!tpu.dma_semaphore, #tpu.memory_space<semaphore_mem>> -> memref<1x!tpu.dma_semaphore, #tpu.memory_space<semaphore_mem>>
    %dma_start3A_500 = tpu.memref_squeeze %dma_start3A_499 : memref<1x!tpu.dma_semaphore, #tpu.memory_space<semaphore_mem>> -> memref<!tpu.dma_semaphore, #tpu.memory_space<semaphore_mem>>
    %dma_start3A_501 = arith.constant 0 : i32
    %dma_start3A_502 = tpu.memref_slice %arg3[%dma_start3A_490, %add3A_482, %dma_start3A_501] : memref<4x8192x1024xf32, #tpu.memory_space<hbm>> -> memref<1x32x1024xf32, #tpu.memory_space<hbm>>
    %dma_start3A_503 = tpu.memref_squeeze %dma_start3A_502 : memref<1x32x1024xf32, #tpu.memory_space<hbm>> -> memref<32x1024xf32, #tpu.memory_space<hbm>>
    %dma_start3A_504 = arith.constant 0 : i32
    %dma_start3A_505 = arith.constant 0 : i32
    %dma_start3A_506 = tpu.memref_slice %arg4[%dma_start3A_489, %dma_start3A_504, %dma_start3A_505] : memref<3x32x1024xf32, #tpu.memory_space<vmem>> -> memref<1x32x1024xf32, #tpu.memory_space<vmem>>
    %dma_start3A_507 = tpu.memref_squeeze %dma_start3A_506 : memref<1x32x1024xf32, #tpu.memory_space<vmem>> -> memref<32x1024xf32, #tpu.memory_space<vmem>>
    tpu.enqueue_dma source(%dma_start3A_507 : memref<32x1024xf32, #tpu.memory_space<vmem>>) target(%dma_start3A_503 : memref<32x1024xf32, #tpu.memory_space<hbm>>) target_semaphore(%dma_start3A_500 : memref<!tpu.dma_semaphore, #tpu.memory_space<semaphore_mem>>)
    %dma_start3A_508 = arith.constant 2 : i32
    %dma_start3A_509 = arith.constant 1 : i32
    %dma_start3A_510 = arith.constant 2 : i32
    %dma_start3A_511 = arith.constant 0 : i32
    %dma_start3A_512 = arith.constant 0 : i32
    %dma_start3A_513 = tpu.memref_slice %arg4[%dma_start3A_508, %dma_start3A_511, %dma_start3A_512] : memref<3x32x1024xf32, #tpu.memory_space<vmem>> -> memref<1x32x1024xf32, #tpu.memory_space<vmem>>
    %dma_start3A_514 = tpu.memref_squeeze %dma_start3A_513 : memref<1x32x1024xf32, #tpu.memory_space<vmem>> -> memref<32x1024xf32, #tpu.memory_space<vmem>>
    %dma_start3A_515 = arith.constant 0 : i32
    %dma_start3A_516 = tpu.memref_slice %arg3[%dma_start3A_509, %add3A_484, %dma_start3A_515] : memref<4x8192x1024xf32, #tpu.memory_space<hbm>> -> memref<1x32x1024xf32, #tpu.memory_space<hbm>>
    %dma_start3A_517 = tpu.memref_squeeze %dma_start3A_516 : memref<1x32x1024xf32, #tpu.memory_space<hbm>> -> memref<32x1024xf32, #tpu.memory_space<hbm>>
    %dma_start3A_518 = tpu.memref_slice %arg6[%dma_start3A_510] : memref<3x!tpu.dma_semaphore, #tpu.memory_space<semaphore_mem>> -> memref<1x!tpu.dma_semaphore, #tpu.memory_space<semaphore_mem>>
    %dma_start3A_519 = tpu.memref_squeeze %dma_start3A_518 : memref<1x!tpu.dma_semaphore, #tpu.memory_space<semaphore_mem>> -> memref<!tpu.dma_semaphore, #tpu.memory_space<semaphore_mem>>
    %dma_start3A_520 = arith.constant 0 : i32
    %dma_start3A_521 = tpu.memref_slice %arg3[%dma_start3A_509, %add3A_484, %dma_start3A_520] : memref<4x8192x1024xf32, #tpu.memory_space<hbm>> -> memref<1x32x1024xf32, #tpu.memory_space<hbm>>
    %dma_start3A_522 = tpu.memref_squeeze %dma_start3A_521 : memref<1x32x1024xf32, #tpu.memory_space<hbm>> -> memref<32x1024xf32, #tpu.memory_space<hbm>>
    %dma_start3A_523 = arith.constant 0 : i32
    %dma_start3A_524 = arith.constant 0 : i32
    %dma_start3A_525 = tpu.memref_slice %arg4[%dma_start3A_508, %dma_start3A_523, %dma_start3A_524] : memref<3x32x1024xf32, #tpu.memory_space<vmem>> -> memref<1x32x1024xf32, #tpu.memory_space<vmem>>
    %dma_start3A_526 = tpu.memref_squeeze %dma_start3A_525 : memref<1x32x1024xf32, #tpu.memory_space<vmem>> -> memref<32x1024xf32, #tpu.memory_space<vmem>>
    tpu.enqueue_dma source(%dma_start3A_526 : memref<32x1024xf32, #tpu.memory_space<vmem>>) target(%dma_start3A_522 : memref<32x1024xf32, #tpu.memory_space<hbm>>) target_semaphore(%dma_start3A_519 : memref<!tpu.dma_semaphore, #tpu.memory_space<semaphore_mem>>)
    %dma_start3A_527 = arith.constant 2 : i32
    %dma_start3A_528 = arith.constant 2 : i32
    %dma_start3A_529 = arith.constant 2 : i32
    %dma_start3A_530 = arith.constant 0 : i32
    %dma_start3A_531 = arith.constant 0 : i32
    %dma_start3A_532 = tpu.memref_slice %arg4[%dma_start3A_527, %dma_start3A_530, %dma_start3A_531] : memref<3x32x1024xf32, #tpu.memory_space<vmem>> -> memref<1x32x1024xf32, #tpu.memory_space<vmem>>
    %dma_start3A_533 = tpu.memref_squeeze %dma_start3A_532 : memref<1x32x1024xf32, #tpu.memory_space<vmem>> -> memref<32x1024xf32, #tpu.memory_space<vmem>>
    %dma_start3A_534 = arith.constant 0 : i32
    %dma_start3A_535 = tpu.memref_slice %arg3[%dma_start3A_528, %add3A_486, %dma_start3A_534] : memref<4x8192x1024xf32, #tpu.memory_space<hbm>> -> memref<1x32x1024xf32, #tpu.memory_space<hbm>>
    %dma_start3A_536 = tpu.memref_squeeze %dma_start3A_535 : memref<1x32x1024xf32, #tpu.memory_space<hbm>> -> memref<32x1024xf32, #tpu.memory_space<hbm>>
    %dma_start3A_537 = tpu.memref_slice %arg6[%dma_start3A_529] : memref<3x!tpu.dma_semaphore, #tpu.memory_space<semaphore_mem>> -> memref<1x!tpu.dma_semaphore, #tpu.memory_space<semaphore_mem>>
    %dma_start3A_538 = tpu.memref_squeeze %dma_start3A_537 : memref<1x!tpu.dma_semaphore, #tpu.memory_space<semaphore_mem>> -> memref<!tpu.dma_semaphore, #tpu.memory_space<semaphore_mem>>
    %dma_start3A_539 = arith.constant 0 : i32
    %dma_start3A_540 = tpu.memref_slice %arg3[%dma_start3A_528, %add3A_486, %dma_start3A_539] : memref<4x8192x1024xf32, #tpu.memory_space<hbm>> -> memref<1x32x1024xf32, #tpu.memory_space<hbm>>
    %dma_start3A_541 = tpu.memref_squeeze %dma_start3A_540 : memref<1x32x1024xf32, #tpu.memory_space<hbm>> -> memref<32x1024xf32, #tpu.memory_space<hbm>>
    %dma_start3A_542 = arith.constant 0 : i32
    %dma_start3A_543 = arith.constant 0 : i32
    %dma_start3A_544 = tpu.memref_slice %arg4[%dma_start3A_527, %dma_start3A_542, %dma_start3A_543] : memref<3x32x1024xf32, #tpu.memory_space<vmem>> -> memref<1x32x1024xf32, #tpu.memory_space<vmem>>
    %dma_start3A_545 = tpu.memref_squeeze %dma_start3A_544 : memref<1x32x1024xf32, #tpu.memory_space<vmem>> -> memref<32x1024xf32, #tpu.memory_space<vmem>>
    tpu.enqueue_dma source(%dma_start3A_545 : memref<32x1024xf32, #tpu.memory_space<vmem>>) target(%dma_start3A_541 : memref<32x1024xf32, #tpu.memory_space<hbm>>) target_semaphore(%dma_start3A_538 : memref<!tpu.dma_semaphore, #tpu.memory_space<semaphore_mem>>)
    %dma_start3A_546 = arith.constant 2 : i32
    %dma_start3A_547 = arith.constant 3 : i32
    %dma_start3A_548 = arith.constant 2 : i32
    %dma_start3A_549 = arith.constant 0 : i32
    %dma_start3A_550 = arith.constant 0 : i32
    %dma_start3A_551 = tpu.memref_slice %arg4[%dma_start3A_546, %dma_start3A_549, %dma_start3A_550] : memref<3x32x1024xf32, #tpu.memory_space<vmem>> -> memref<1x32x1024xf32, #tpu.memory_space<vmem>>
    %dma_start3A_552 = tpu.memref_squeeze %dma_start3A_551 : memref<1x32x1024xf32, #tpu.memory_space<vmem>> -> memref<32x1024xf32, #tpu.memory_space<vmem>>
    %dma_start3A_553 = arith.constant 0 : i32
    %dma_start3A_554 = tpu.memref_slice %arg3[%dma_start3A_547, %add3A_488, %dma_start3A_553] : memref<4x8192x1024xf32, #tpu.memory_space<hbm>> -> memref<1x32x1024xf32, #tpu.memory_space<hbm>>
    %dma_start3A_555 = tpu.memref_squeeze %dma_start3A_554 : memref<1x32x1024xf32, #tpu.memory_space<hbm>> -> memref<32x1024xf32, #tpu.memory_space<hbm>>
    %dma_start3A_556 = tpu.memref_slice %arg6[%dma_start3A_548] : memref<3x!tpu.dma_semaphore, #tpu.memory_space<semaphore_mem>> -> memref<1x!tpu.dma_semaphore, #tpu.memory_space<semaphore_mem>>
    %dma_start3A_557 = tpu.memref_squeeze %dma_start3A_556 : memref<1x!tpu.dma_semaphore, #tpu.memory_space<semaphore_mem>> -> memref<!tpu.dma_semaphore, #tpu.memory_space<semaphore_mem>>
    %dma_start3A_558 = arith.constant 0 : i32
    %dma_start3A_559 = tpu.memref_slice %arg3[%dma_start3A_547, %add3A_488, %dma_start3A_558] : memref<4x8192x1024xf32, #tpu.memory_space<hbm>> -> memref<1x32x1024xf32, #tpu.memory_space<hbm>>
    %dma_start3A_560 = tpu.memref_squeeze %dma_start3A_559 : memref<1x32x1024xf32, #tpu.memory_space<hbm>> -> memref<32x1024xf32, #tpu.memory_space<hbm>>
    %dma_start3A_561 = arith.constant 0 : i32
    %dma_start3A_562 = arith.constant 0 : i32
    %dma_start3A_563 = tpu.memref_slice %arg4[%dma_start3A_546, %dma_start3A_561, %dma_start3A_562] : memref<3x32x1024xf32, #tpu.memory_space<vmem>> -> memref<1x32x1024xf32, #tpu.memory_space<vmem>>
    %dma_start3A_564 = tpu.memref_squeeze %dma_start3A_563 : memref<1x32x1024xf32, #tpu.memory_space<vmem>> -> memref<32x1024xf32, #tpu.memory_space<vmem>>
    tpu.enqueue_dma source(%dma_start3A_564 : memref<32x1024xf32, #tpu.memory_space<vmem>>) target(%dma_start3A_560 : memref<32x1024xf32, #tpu.memory_space<hbm>>) target_semaphore(%dma_start3A_557 : memref<!tpu.dma_semaphore, #tpu.memory_space<semaphore_mem>>)
    %add3A_565 = arith.constant 96 : i32
    %add3A_566 = arith.addi %mul3A_2, %add3A_565 : i32
    %dma_wait3A_567 = arith.constant 0 : i32
    %dma_wait3A_568 = arith.constant 0 : i32
    %dma_wait3A_569 = arith.constant 0 : i32
    %dma_wait3A_570 = arith.constant 0 : i32
    %dma_wait3A_571 = tpu.memref_slice %arg4[%dma_wait3A_567, %dma_wait3A_569, %dma_wait3A_570] : memref<3x32x1024xf32, #tpu.memory_space<vmem>> -> memref<1x32x1024xf32, #tpu.memory_space<vmem>>
    %dma_wait3A_572 = tpu.memref_squeeze %dma_wait3A_571 : memref<1x32x1024xf32, #tpu.memory_space<vmem>> -> memref<32x1024xf32, #tpu.memory_space<vmem>>
    %dma_wait3A_573 = arith.constant 0 : i32
    %dma_wait3A_574 = tpu.memref_slice %arg2[%add3A_566, %dma_wait3A_573] : memref<8192x1024xf32, #tpu.memory_space<hbm>> -> memref<32x1024xf32, #tpu.memory_space<hbm>>
    %dma_wait3A_575 = tpu.memref_slice %arg5[%dma_wait3A_568] : memref<3x!tpu.dma_semaphore, #tpu.memory_space<semaphore_mem>> -> memref<1x!tpu.dma_semaphore, #tpu.memory_space<semaphore_mem>>
    %dma_wait3A_576 = tpu.memref_squeeze %dma_wait3A_575 : memref<1x!tpu.dma_semaphore, #tpu.memory_space<semaphore_mem>> -> memref<!tpu.dma_semaphore, #tpu.memory_space<semaphore_mem>>
    %dma_wait3A_577 = arith.constant 0 : i32
    %dma_wait3A_578 = arith.constant 0 : i32
    %dma_wait3A_579 = tpu.memref_slice %arg4[%dma_wait3A_567, %dma_wait3A_577, %dma_wait3A_578] : memref<3x32x1024xf32, #tpu.memory_space<vmem>> -> memref<1x32x1024xf32, #tpu.memory_space<vmem>>
    %dma_wait3A_580 = tpu.memref_squeeze %dma_wait3A_579 : memref<1x32x1024xf32, #tpu.memory_space<vmem>> -> memref<32x1024xf32, #tpu.memory_space<vmem>>
    %dma_wait3A_581 = arith.constant 0 : i32
    %dma_wait3A_582 = tpu.memref_slice %arg2[%add3A_566, %dma_wait3A_581] : memref<8192x1024xf32, #tpu.memory_space<hbm>> -> memref<32x1024xf32, #tpu.memory_space<hbm>>
    tpu.wait_dma2 semaphore(%dma_wait3A_576 : memref<!tpu.dma_semaphore, #tpu.memory_space<semaphore_mem>>) src(%dma_wait3A_582 : memref<32x1024xf32, #tpu.memory_space<hbm>>) dst(%dma_wait3A_580 : memref<32x1024xf32, #tpu.memory_space<vmem>>)
    %add3A_583 = arith.constant 64 : i32
    %add3A_584 = arith.addi %mul3A_2, %add3A_583 : i32
    %add3A_585 = arith.constant 64 : i32
    %add3A_586 = arith.addi %mul3A_2, %add3A_585 : i32
    %add3A_587 = arith.constant 64 : i32
    %add3A_588 = arith.addi %mul3A_2, %add3A_587 : i32
    %add3A_589 = arith.constant 64 : i32
    %add3A_590 = arith.addi %mul3A_2, %add3A_589 : i32
    %dma_wait3A_591 = arith.constant 2 : i32
    %dma_wait3A_592 = arith.constant 0 : i32
    %dma_wait3A_593 = arith.constant 2 : i32
    %dma_wait3A_594 = arith.constant 0 : i32
    %dma_wait3A_595 = arith.constant 0 : i32
    %dma_wait3A_596 = tpu.memref_slice %arg4[%dma_wait3A_591, %dma_wait3A_594, %dma_wait3A_595] : memref<3x32x1024xf32, #tpu.memory_space<vmem>> -> memref<1x32x1024xf32, #tpu.memory_space<vmem>>
    %dma_wait3A_597 = tpu.memref_squeeze %dma_wait3A_596 : memref<1x32x1024xf32, #tpu.memory_space<vmem>> -> memref<32x1024xf32, #tpu.memory_space<vmem>>
    %dma_wait3A_598 = arith.constant 0 : i32
    %dma_wait3A_599 = tpu.memref_slice %arg3[%dma_wait3A_592, %add3A_584, %dma_wait3A_598] : memref<4x8192x1024xf32, #tpu.memory_space<hbm>> -> memref<1x32x1024xf32, #tpu.memory_space<hbm>>
    %dma_wait3A_600 = tpu.memref_squeeze %dma_wait3A_599 : memref<1x32x1024xf32, #tpu.memory_space<hbm>> -> memref<32x1024xf32, #tpu.memory_space<hbm>>
    %dma_wait3A_601 = tpu.memref_slice %arg6[%dma_wait3A_593] : memref<3x!tpu.dma_semaphore, #tpu.memory_space<semaphore_mem>> -> memref<1x!tpu.dma_semaphore, #tpu.memory_space<semaphore_mem>>
    %dma_wait3A_602 = tpu.memref_squeeze %dma_wait3A_601 : memref<1x!tpu.dma_semaphore, #tpu.memory_space<semaphore_mem>> -> memref<!tpu.dma_semaphore, #tpu.memory_space<semaphore_mem>>
    %dma_wait3A_603 = arith.constant 0 : i32
    %dma_wait3A_604 = tpu.memref_slice %arg3[%dma_wait3A_592, %add3A_584, %dma_wait3A_603] : memref<4x8192x1024xf32, #tpu.memory_space<hbm>> -> memref<1x32x1024xf32, #tpu.memory_space<hbm>>
    %dma_wait3A_605 = tpu.memref_squeeze %dma_wait3A_604 : memref<1x32x1024xf32, #tpu.memory_space<hbm>> -> memref<32x1024xf32, #tpu.memory_space<hbm>>
    %dma_wait3A_606 = arith.constant 0 : i32
    %dma_wait3A_607 = arith.constant 0 : i32
    %dma_wait3A_608 = tpu.memref_slice %arg4[%dma_wait3A_591, %dma_wait3A_606, %dma_wait3A_607] : memref<3x32x1024xf32, #tpu.memory_space<vmem>> -> memref<1x32x1024xf32, #tpu.memory_space<vmem>>
    %dma_wait3A_609 = tpu.memref_squeeze %dma_wait3A_608 : memref<1x32x1024xf32, #tpu.memory_space<vmem>> -> memref<32x1024xf32, #tpu.memory_space<vmem>>
    tpu.wait_dma2 semaphore(%dma_wait3A_602 : memref<!tpu.dma_semaphore, #tpu.memory_space<semaphore_mem>>) src(%dma_wait3A_609 : memref<32x1024xf32, #tpu.memory_space<vmem>>) dst(%dma_wait3A_605 : memref<32x1024xf32, #tpu.memory_space<hbm>>)
    %dma_wait3A_610 = arith.constant 2 : i32
    %dma_wait3A_611 = arith.constant 1 : i32
    %dma_wait3A_612 = arith.constant 2 : i32
    %dma_wait3A_613 = arith.constant 0 : i32
    %dma_wait3A_614 = arith.constant 0 : i32
    %dma_wait3A_615 = tpu.memref_slice %arg4[%dma_wait3A_610, %dma_wait3A_613, %dma_wait3A_614] : memref<3x32x1024xf32, #tpu.memory_space<vmem>> -> memref<1x32x1024xf32, #tpu.memory_space<vmem>>
    %dma_wait3A_616 = tpu.memref_squeeze %dma_wait3A_615 : memref<1x32x1024xf32, #tpu.memory_space<vmem>> -> memref<32x1024xf32, #tpu.memory_space<vmem>>
    %dma_wait3A_617 = arith.constant 0 : i32
    %dma_wait3A_618 = tpu.memref_slice %arg3[%dma_wait3A_611, %add3A_586, %dma_wait3A_617] : memref<4x8192x1024xf32, #tpu.memory_space<hbm>> -> memref<1x32x1024xf32, #tpu.memory_space<hbm>>
    %dma_wait3A_619 = tpu.memref_squeeze %dma_wait3A_618 : memref<1x32x1024xf32, #tpu.memory_space<hbm>> -> memref<32x1024xf32, #tpu.memory_space<hbm>>
    %dma_wait3A_620 = tpu.memref_slice %arg6[%dma_wait3A_612] : memref<3x!tpu.dma_semaphore, #tpu.memory_space<semaphore_mem>> -> memref<1x!tpu.dma_semaphore, #tpu.memory_space<semaphore_mem>>
    %dma_wait3A_621 = tpu.memref_squeeze %dma_wait3A_620 : memref<1x!tpu.dma_semaphore, #tpu.memory_space<semaphore_mem>> -> memref<!tpu.dma_semaphore, #tpu.memory_space<semaphore_mem>>
    %dma_wait3A_622 = arith.constant 0 : i32
    %dma_wait3A_623 = tpu.memref_slice %arg3[%dma_wait3A_611, %add3A_586, %dma_wait3A_622] : memref<4x8192x1024xf32, #tpu.memory_space<hbm>> -> memref<1x32x1024xf32, #tpu.memory_space<hbm>>
    %dma_wait3A_624 = tpu.memref_squeeze %dma_wait3A_623 : memref<1x32x1024xf32, #tpu.memory_space<hbm>> -> memref<32x1024xf32, #tpu.memory_space<hbm>>
    %dma_wait3A_625 = arith.constant 0 : i32
    %dma_wait3A_626 = arith.constant 0 : i32
    %dma_wait3A_627 = tpu.memref_slice %arg4[%dma_wait3A_610, %dma_wait3A_625, %dma_wait3A_626] : memref<3x32x1024xf32, #tpu.memory_space<vmem>> -> memref<1x32x1024xf32, #tpu.memory_space<vmem>>
    %dma_wait3A_628 = tpu.memref_squeeze %dma_wait3A_627 : memref<1x32x1024xf32, #tpu.memory_space<vmem>> -> memref<32x1024xf32, #tpu.memory_space<vmem>>
    tpu.wait_dma2 semaphore(%dma_wait3A_621 : memref<!tpu.dma_semaphore, #tpu.memory_space<semaphore_mem>>) src(%dma_wait3A_628 : memref<32x1024xf32, #tpu.memory_space<vmem>>) dst(%dma_wait3A_624 : memref<32x1024xf32, #tpu.memory_space<hbm>>)
    %dma_wait3A_629 = arith.constant 2 : i32
    %dma_wait3A_630 = arith.constant 2 : i32
    %dma_wait3A_631 = arith.constant 2 : i32
    %dma_wait3A_632 = arith.constant 0 : i32
    %dma_wait3A_633 = arith.constant 0 : i32
    %dma_wait3A_634 = tpu.memref_slice %arg4[%dma_wait3A_629, %dma_wait3A_632, %dma_wait3A_633] : memref<3x32x1024xf32, #tpu.memory_space<vmem>> -> memref<1x32x1024xf32, #tpu.memory_space<vmem>>
    %dma_wait3A_635 = tpu.memref_squeeze %dma_wait3A_634 : memref<1x32x1024xf32, #tpu.memory_space<vmem>> -> memref<32x1024xf32, #tpu.memory_space<vmem>>
    %dma_wait3A_636 = arith.constant 0 : i32
    %dma_wait3A_637 = tpu.memref_slice %arg3[%dma_wait3A_630, %add3A_588, %dma_wait3A_636] : memref<4x8192x1024xf32, #tpu.memory_space<hbm>> -> memref<1x32x1024xf32, #tpu.memory_space<hbm>>
    %dma_wait3A_638 = tpu.memref_squeeze %dma_wait3A_637 : memref<1x32x1024xf32, #tpu.memory_space<hbm>> -> memref<32x1024xf32, #tpu.memory_space<hbm>>
    %dma_wait3A_639 = tpu.memref_slice %arg6[%dma_wait3A_631] : memref<3x!tpu.dma_semaphore, #tpu.memory_space<semaphore_mem>> -> memref<1x!tpu.dma_semaphore, #tpu.memory_space<semaphore_mem>>
    %dma_wait3A_640 = tpu.memref_squeeze %dma_wait3A_639 : memref<1x!tpu.dma_semaphore, #tpu.memory_space<semaphore_mem>> -> memref<!tpu.dma_semaphore, #tpu.memory_space<semaphore_mem>>
    %dma_wait3A_641 = arith.constant 0 : i32
    %dma_wait3A_642 = tpu.memref_slice %arg3[%dma_wait3A_630, %add3A_588, %dma_wait3A_641] : memref<4x8192x1024xf32, #tpu.memory_space<hbm>> -> memref<1x32x1024xf32, #tpu.memory_space<hbm>>
    %dma_wait3A_643 = tpu.memref_squeeze %dma_wait3A_642 : memref<1x32x1024xf32, #tpu.memory_space<hbm>> -> memref<32x1024xf32, #tpu.memory_space<hbm>>
    %dma_wait3A_644 = arith.constant 0 : i32
    %dma_wait3A_645 = arith.constant 0 : i32
    %dma_wait3A_646 = tpu.memref_slice %arg4[%dma_wait3A_629, %dma_wait3A_644, %dma_wait3A_645] : memref<3x32x1024xf32, #tpu.memory_space<vmem>> -> memref<1x32x1024xf32, #tpu.memory_space<vmem>>
    %dma_wait3A_647 = tpu.memref_squeeze %dma_wait3A_646 : memref<1x32x1024xf32, #tpu.memory_space<vmem>> -> memref<32x1024xf32, #tpu.memory_space<vmem>>
    tpu.wait_dma2 semaphore(%dma_wait3A_640 : memref<!tpu.dma_semaphore, #tpu.memory_space<semaphore_mem>>) src(%dma_wait3A_647 : memref<32x1024xf32, #tpu.memory_space<vmem>>) dst(%dma_wait3A_643 : memref<32x1024xf32, #tpu.memory_space<hbm>>)
    %dma_wait3A_648 = arith.constant 2 : i32
    %dma_wait3A_649 = arith.constant 3 : i32
    %dma_wait3A_650 = arith.constant 2 : i32
    %dma_wait3A_651 = arith.constant 0 : i32
    %dma_wait3A_652 = arith.constant 0 : i32
    %dma_wait3A_653 = tpu.memref_slice %arg4[%dma_wait3A_648, %dma_wait3A_651, %dma_wait3A_652] : memref<3x32x1024xf32, #tpu.memory_space<vmem>> -> memref<1x32x1024xf32, #tpu.memory_space<vmem>>
    %dma_wait3A_654 = tpu.memref_squeeze %dma_wait3A_653 : memref<1x32x1024xf32, #tpu.memory_space<vmem>> -> memref<32x1024xf32, #tpu.memory_space<vmem>>
    %dma_wait3A_655 = arith.constant 0 : i32
    %dma_wait3A_656 = tpu.memref_slice %arg3[%dma_wait3A_649, %add3A_590, %dma_wait3A_655] : memref<4x8192x1024xf32, #tpu.memory_space<hbm>> -> memref<1x32x1024xf32, #tpu.memory_space<hbm>>
    %dma_wait3A_657 = tpu.memref_squeeze %dma_wait3A_656 : memref<1x32x1024xf32, #tpu.memory_space<hbm>> -> memref<32x1024xf32, #tpu.memory_space<hbm>>
    %dma_wait3A_658 = tpu.memref_slice %arg6[%dma_wait3A_650] : memref<3x!tpu.dma_semaphore, #tpu.memory_space<semaphore_mem>> -> memref<1x!tpu.dma_semaphore, #tpu.memory_space<semaphore_mem>>
    %dma_wait3A_659 = tpu.memref_squeeze %dma_wait3A_658 : memref<1x!tpu.dma_semaphore, #tpu.memory_space<semaphore_mem>> -> memref<!tpu.dma_semaphore, #tpu.memory_space<semaphore_mem>>
    %dma_wait3A_660 = arith.constant 0 : i32
    %dma_wait3A_661 = tpu.memref_slice %arg3[%dma_wait3A_649, %add3A_590, %dma_wait3A_660] : memref<4x8192x1024xf32, #tpu.memory_space<hbm>> -> memref<1x32x1024xf32, #tpu.memory_space<hbm>>
    %dma_wait3A_662 = tpu.memref_squeeze %dma_wait3A_661 : memref<1x32x1024xf32, #tpu.memory_space<hbm>> -> memref<32x1024xf32, #tpu.memory_space<hbm>>
    %dma_wait3A_663 = arith.constant 0 : i32
    %dma_wait3A_664 = arith.constant 0 : i32
    %dma_wait3A_665 = tpu.memref_slice %arg4[%dma_wait3A_648, %dma_wait3A_663, %dma_wait3A_664] : memref<3x32x1024xf32, #tpu.memory_space<vmem>> -> memref<1x32x1024xf32, #tpu.memory_space<vmem>>
    %dma_wait3A_666 = tpu.memref_squeeze %dma_wait3A_665 : memref<1x32x1024xf32, #tpu.memory_space<vmem>> -> memref<32x1024xf32, #tpu.memory_space<vmem>>
    tpu.wait_dma2 semaphore(%dma_wait3A_659 : memref<!tpu.dma_semaphore, #tpu.memory_space<semaphore_mem>>) src(%dma_wait3A_666 : memref<32x1024xf32, #tpu.memory_space<vmem>>) dst(%dma_wait3A_662 : memref<32x1024xf32, #tpu.memory_space<hbm>>)
    %add3A_667 = arith.constant 160 : i32
    %add3A_668 = arith.addi %mul3A_2, %add3A_667 : i32
    %dma_start3A_669 = arith.constant 2 : i32
    %dma_start3A_670 = arith.constant 2 : i32
    %dma_start3A_671 = arith.constant 0 : i32
    %dma_start3A_672 = arith.constant 0 : i32
    %dma_start3A_673 = tpu.memref_slice %arg4[%dma_start3A_669, %dma_start3A_671, %dma_start3A_672] : memref<3x32x1024xf32, #tpu.memory_space<vmem>> -> memref<1x32x1024xf32, #tpu.memory_space<vmem>>
    %dma_start3A_674 = tpu.memref_squeeze %dma_start3A_673 : memref<1x32x1024xf32, #tpu.memory_space<vmem>> -> memref<32x1024xf32, #tpu.memory_space<vmem>>
    %dma_start3A_675 = arith.constant 0 : i32
    %dma_start3A_676 = tpu.memref_slice %arg2[%add3A_668, %dma_start3A_675] : memref<8192x1024xf32, #tpu.memory_space<hbm>> -> memref<32x1024xf32, #tpu.memory_space<hbm>>
    %dma_start3A_677 = tpu.memref_slice %arg5[%dma_start3A_670] : memref<3x!tpu.dma_semaphore, #tpu.memory_space<semaphore_mem>> -> memref<1x!tpu.dma_semaphore, #tpu.memory_space<semaphore_mem>>
    %dma_start3A_678 = tpu.memref_squeeze %dma_start3A_677 : memref<1x!tpu.dma_semaphore, #tpu.memory_space<semaphore_mem>> -> memref<!tpu.dma_semaphore, #tpu.memory_space<semaphore_mem>>
    %dma_start3A_679 = arith.constant 0 : i32
    %dma_start3A_680 = arith.constant 0 : i32
    %dma_start3A_681 = tpu.memref_slice %arg4[%dma_start3A_669, %dma_start3A_679, %dma_start3A_680] : memref<3x32x1024xf32, #tpu.memory_space<vmem>> -> memref<1x32x1024xf32, #tpu.memory_space<vmem>>
    %dma_start3A_682 = tpu.memref_squeeze %dma_start3A_681 : memref<1x32x1024xf32, #tpu.memory_space<vmem>> -> memref<32x1024xf32, #tpu.memory_space<vmem>>
    %dma_start3A_683 = arith.constant 0 : i32
    %dma_start3A_684 = tpu.memref_slice %arg2[%add3A_668, %dma_start3A_683] : memref<8192x1024xf32, #tpu.memory_space<hbm>> -> memref<32x1024xf32, #tpu.memory_space<hbm>>
    tpu.enqueue_dma source(%dma_start3A_684 : memref<32x1024xf32, #tpu.memory_space<hbm>>) target(%dma_start3A_682 : memref<32x1024xf32, #tpu.memory_space<vmem>>) target_semaphore(%dma_start3A_678 : memref<!tpu.dma_semaphore, #tpu.memory_space<semaphore_mem>>)
    %add3A_685 = arith.constant 96 : i32
    %add3A_686 = arith.addi %mul3A_2, %add3A_685 : i32
    %add3A_687 = arith.constant 96 : i32
    %add3A_688 = arith.addi %mul3A_2, %add3A_687 : i32
    %add3A_689 = arith.constant 96 : i32
    %add3A_690 = arith.addi %mul3A_2, %add3A_689 : i32
    %add3A_691 = arith.constant 96 : i32
    %add3A_692 = arith.addi %mul3A_2, %add3A_691 : i32
    %dma_start3A_693 = arith.constant 0 : i32
    %dma_start3A_694 = arith.constant 0 : i32
    %dma_start3A_695 = arith.constant 0 : i32
    %dma_start3A_696 = arith.constant 0 : i32
    %dma_start3A_697 = arith.constant 0 : i32
    %dma_start3A_698 = tpu.memref_slice %arg4[%dma_start3A_693, %dma_start3A_696, %dma_start3A_697] : memref<3x32x1024xf32, #tpu.memory_space<vmem>> -> memref<1x32x1024xf32, #tpu.memory_space<vmem>>
    %dma_start3A_699 = tpu.memref_squeeze %dma_start3A_698 : memref<1x32x1024xf32, #tpu.memory_space<vmem>> -> memref<32x1024xf32, #tpu.memory_space<vmem>>
    %dma_start3A_700 = arith.constant 0 : i32
    %dma_start3A_701 = tpu.memref_slice %arg3[%dma_start3A_694, %add3A_686, %dma_start3A_700] : memref<4x8192x1024xf32, #tpu.memory_space<hbm>> -> memref<1x32x1024xf32, #tpu.memory_space<hbm>>
    %dma_start3A_702 = tpu.memref_squeeze %dma_start3A_701 : memref<1x32x1024xf32, #tpu.memory_space<hbm>> -> memref<32x1024xf32, #tpu.memory_space<hbm>>
    %dma_start3A_703 = tpu.memref_slice %arg6[%dma_start3A_695] : memref<3x!tpu.dma_semaphore, #tpu.memory_space<semaphore_mem>> -> memref<1x!tpu.dma_semaphore, #tpu.memory_space<semaphore_mem>>
    %dma_start3A_704 = tpu.memref_squeeze %dma_start3A_703 : memref<1x!tpu.dma_semaphore, #tpu.memory_space<semaphore_mem>> -> memref<!tpu.dma_semaphore, #tpu.memory_space<semaphore_mem>>
    %dma_start3A_705 = arith.constant 0 : i32
    %dma_start3A_706 = tpu.memref_slice %arg3[%dma_start3A_694, %add3A_686, %dma_start3A_705] : memref<4x8192x1024xf32, #tpu.memory_space<hbm>> -> memref<1x32x1024xf32, #tpu.memory_space<hbm>>
    %dma_start3A_707 = tpu.memref_squeeze %dma_start3A_706 : memref<1x32x1024xf32, #tpu.memory_space<hbm>> -> memref<32x1024xf32, #tpu.memory_space<hbm>>
    %dma_start3A_708 = arith.constant 0 : i32
    %dma_start3A_709 = arith.constant 0 : i32
    %dma_start3A_710 = tpu.memref_slice %arg4[%dma_start3A_693, %dma_start3A_708, %dma_start3A_709] : memref<3x32x1024xf32, #tpu.memory_space<vmem>> -> memref<1x32x1024xf32, #tpu.memory_space<vmem>>
    %dma_start3A_711 = tpu.memref_squeeze %dma_start3A_710 : memref<1x32x1024xf32, #tpu.memory_space<vmem>> -> memref<32x1024xf32, #tpu.memory_space<vmem>>
    tpu.enqueue_dma source(%dma_start3A_711 : memref<32x1024xf32, #tpu.memory_space<vmem>>) target(%dma_start3A_707 : memref<32x1024xf32, #tpu.memory_space<hbm>>) target_semaphore(%dma_start3A_704 : memref<!tpu.dma_semaphore, #tpu.memory_space<semaphore_mem>>)
    %dma_start3A_712 = arith.constant 0 : i32
    %dma_start3A_713 = arith.constant 1 : i32
    %dma_start3A_714 = arith.constant 0 : i32
    %dma_start3A_715 = arith.constant 0 : i32
    %dma_start3A_716 = arith.constant 0 : i32
    %dma_start3A_717 = tpu.memref_slice %arg4[%dma_start3A_712, %dma_start3A_715, %dma_start3A_716] : memref<3x32x1024xf32, #tpu.memory_space<vmem>> -> memref<1x32x1024xf32, #tpu.memory_space<vmem>>
    %dma_start3A_718 = tpu.memref_squeeze %dma_start3A_717 : memref<1x32x1024xf32, #tpu.memory_space<vmem>> -> memref<32x1024xf32, #tpu.memory_space<vmem>>
    %dma_start3A_719 = arith.constant 0 : i32
    %dma_start3A_720 = tpu.memref_slice %arg3[%dma_start3A_713, %add3A_688, %dma_start3A_719] : memref<4x8192x1024xf32, #tpu.memory_space<hbm>> -> memref<1x32x1024xf32, #tpu.memory_space<hbm>>
    %dma_start3A_721 = tpu.memref_squeeze %dma_start3A_720 : memref<1x32x1024xf32, #tpu.memory_space<hbm>> -> memref<32x1024xf32, #tpu.memory_space<hbm>>
    %dma_start3A_722 = tpu.memref_slice %arg6[%dma_start3A_714] : memref<3x!tpu.dma_semaphore, #tpu.memory_space<semaphore_mem>> -> memref<1x!tpu.dma_semaphore, #tpu.memory_space<semaphore_mem>>
    %dma_start3A_723 = tpu.memref_squeeze %dma_start3A_722 : memref<1x!tpu.dma_semaphore, #tpu.memory_space<semaphore_mem>> -> memref<!tpu.dma_semaphore, #tpu.memory_space<semaphore_mem>>
    %dma_start3A_724 = arith.constant 0 : i32
    %dma_start3A_725 = tpu.memref_slice %arg3[%dma_start3A_713, %add3A_688, %dma_start3A_724] : memref<4x8192x1024xf32, #tpu.memory_space<hbm>> -> memref<1x32x1024xf32, #tpu.memory_space<hbm>>
    %dma_start3A_726 = tpu.memref_squeeze %dma_start3A_725 : memref<1x32x1024xf32, #tpu.memory_space<hbm>> -> memref<32x1024xf32, #tpu.memory_space<hbm>>
    %dma_start3A_727 = arith.constant 0 : i32
    %dma_start3A_728 = arith.constant 0 : i32
    %dma_start3A_729 = tpu.memref_slice %arg4[%dma_start3A_712, %dma_start3A_727, %dma_start3A_728] : memref<3x32x1024xf32, #tpu.memory_space<vmem>> -> memref<1x32x1024xf32, #tpu.memory_space<vmem>>
    %dma_start3A_730 = tpu.memref_squeeze %dma_start3A_729 : memref<1x32x1024xf32, #tpu.memory_space<vmem>> -> memref<32x1024xf32, #tpu.memory_space<vmem>>
    tpu.enqueue_dma source(%dma_start3A_730 : memref<32x1024xf32, #tpu.memory_space<vmem>>) target(%dma_start3A_726 : memref<32x1024xf32, #tpu.memory_space<hbm>>) target_semaphore(%dma_start3A_723 : memref<!tpu.dma_semaphore, #tpu.memory_space<semaphore_mem>>)
    %dma_start3A_731 = arith.constant 0 : i32
    %dma_start3A_732 = arith.constant 2 : i32
    %dma_start3A_733 = arith.constant 0 : i32
    %dma_start3A_734 = arith.constant 0 : i32
    %dma_start3A_735 = arith.constant 0 : i32
    %dma_start3A_736 = tpu.memref_slice %arg4[%dma_start3A_731, %dma_start3A_734, %dma_start3A_735] : memref<3x32x1024xf32, #tpu.memory_space<vmem>> -> memref<1x32x1024xf32, #tpu.memory_space<vmem>>
    %dma_start3A_737 = tpu.memref_squeeze %dma_start3A_736 : memref<1x32x1024xf32, #tpu.memory_space<vmem>> -> memref<32x1024xf32, #tpu.memory_space<vmem>>
    %dma_start3A_738 = arith.constant 0 : i32
    %dma_start3A_739 = tpu.memref_slice %arg3[%dma_start3A_732, %add3A_690, %dma_start3A_738] : memref<4x8192x1024xf32, #tpu.memory_space<hbm>> -> memref<1x32x1024xf32, #tpu.memory_space<hbm>>
    %dma_start3A_740 = tpu.memref_squeeze %dma_start3A_739 : memref<1x32x1024xf32, #tpu.memory_space<hbm>> -> memref<32x1024xf32, #tpu.memory_space<hbm>>
    %dma_start3A_741 = tpu.memref_slice %arg6[%dma_start3A_733] : memref<3x!tpu.dma_semaphore, #tpu.memory_space<semaphore_mem>> -> memref<1x!tpu.dma_semaphore, #tpu.memory_space<semaphore_mem>>
    %dma_start3A_742 = tpu.memref_squeeze %dma_start3A_741 : memref<1x!tpu.dma_semaphore, #tpu.memory_space<semaphore_mem>> -> memref<!tpu.dma_semaphore, #tpu.memory_space<semaphore_mem>>
    %dma_start3A_743 = arith.constant 0 : i32
    %dma_start3A_744 = tpu.memref_slice %arg3[%dma_start3A_732, %add3A_690, %dma_start3A_743] : memref<4x8192x1024xf32, #tpu.memory_space<hbm>> -> memref<1x32x1024xf32, #tpu.memory_space<hbm>>
    %dma_start3A_745 = tpu.memref_squeeze %dma_start3A_744 : memref<1x32x1024xf32, #tpu.memory_space<hbm>> -> memref<32x1024xf32, #tpu.memory_space<hbm>>
    %dma_start3A_746 = arith.constant 0 : i32
    %dma_start3A_747 = arith.constant 0 : i32
    %dma_start3A_748 = tpu.memref_slice %arg4[%dma_start3A_731, %dma_start3A_746, %dma_start3A_747] : memref<3x32x1024xf32, #tpu.memory_space<vmem>> -> memref<1x32x1024xf32, #tpu.memory_space<vmem>>
    %dma_start3A_749 = tpu.memref_squeeze %dma_start3A_748 : memref<1x32x1024xf32, #tpu.memory_space<vmem>> -> memref<32x1024xf32, #tpu.memory_space<vmem>>
    tpu.enqueue_dma source(%dma_start3A_749 : memref<32x1024xf32, #tpu.memory_space<vmem>>) target(%dma_start3A_745 : memref<32x1024xf32, #tpu.memory_space<hbm>>) target_semaphore(%dma_start3A_742 : memref<!tpu.dma_semaphore, #tpu.memory_space<semaphore_mem>>)
    %dma_start3A_750 = arith.constant 0 : i32
    %dma_start3A_751 = arith.constant 3 : i32
    %dma_start3A_752 = arith.constant 0 : i32
    %dma_start3A_753 = arith.constant 0 : i32
    %dma_start3A_754 = arith.constant 0 : i32
    %dma_start3A_755 = tpu.memref_slice %arg4[%dma_start3A_750, %dma_start3A_753, %dma_start3A_754] : memref<3x32x1024xf32, #tpu.memory_space<vmem>> -> memref<1x32x1024xf32, #tpu.memory_space<vmem>>
    %dma_start3A_756 = tpu.memref_squeeze %dma_start3A_755 : memref<1x32x1024xf32, #tpu.memory_space<vmem>> -> memref<32x1024xf32, #tpu.memory_space<vmem>>
    %dma_start3A_757 = arith.constant 0 : i32
    %dma_start3A_758 = tpu.memref_slice %arg3[%dma_start3A_751, %add3A_692, %dma_start3A_757] : memref<4x8192x1024xf32, #tpu.memory_space<hbm>> -> memref<1x32x1024xf32, #tpu.memory_space<hbm>>
    %dma_start3A_759 = tpu.memref_squeeze %dma_start3A_758 : memref<1x32x1024xf32, #tpu.memory_space<hbm>> -> memref<32x1024xf32, #tpu.memory_space<hbm>>
    %dma_start3A_760 = tpu.memref_slice %arg6[%dma_start3A_752] : memref<3x!tpu.dma_semaphore, #tpu.memory_space<semaphore_mem>> -> memref<1x!tpu.dma_semaphore, #tpu.memory_space<semaphore_mem>>
    %dma_start3A_761 = tpu.memref_squeeze %dma_start3A_760 : memref<1x!tpu.dma_semaphore, #tpu.memory_space<semaphore_mem>> -> memref<!tpu.dma_semaphore, #tpu.memory_space<semaphore_mem>>
    %dma_start3A_762 = arith.constant 0 : i32
    %dma_start3A_763 = tpu.memref_slice %arg3[%dma_start3A_751, %add3A_692, %dma_start3A_762] : memref<4x8192x1024xf32, #tpu.memory_space<hbm>> -> memref<1x32x1024xf32, #tpu.memory_space<hbm>>
    %dma_start3A_764 = tpu.memref_squeeze %dma_start3A_763 : memref<1x32x1024xf32, #tpu.memory_space<hbm>> -> memref<32x1024xf32, #tpu.memory_space<hbm>>
    %dma_start3A_765 = arith.constant 0 : i32
    %dma_start3A_766 = arith.constant 0 : i32
    %dma_start3A_767 = tpu.memref_slice %arg4[%dma_start3A_750, %dma_start3A_765, %dma_start3A_766] : memref<3x32x1024xf32, #tpu.memory_space<vmem>> -> memref<1x32x1024xf32, #tpu.memory_space<vmem>>
    %dma_start3A_768 = tpu.memref_squeeze %dma_start3A_767 : memref<1x32x1024xf32, #tpu.memory_space<vmem>> -> memref<32x1024xf32, #tpu.memory_space<vmem>>
    tpu.enqueue_dma source(%dma_start3A_768 : memref<32x1024xf32, #tpu.memory_space<vmem>>) target(%dma_start3A_764 : memref<32x1024xf32, #tpu.memory_space<hbm>>) target_semaphore(%dma_start3A_761 : memref<!tpu.dma_semaphore, #tpu.memory_space<semaphore_mem>>)
    %add3A_769 = arith.constant 128 : i32
    %add3A_770 = arith.addi %mul3A_2, %add3A_769 : i32
    %dma_wait3A_771 = arith.constant 1 : i32
    %dma_wait3A_772 = arith.constant 1 : i32
    %dma_wait3A_773 = arith.constant 0 : i32
    %dma_wait3A_774 = arith.constant 0 : i32
    %dma_wait3A_775 = tpu.memref_slice %arg4[%dma_wait3A_771, %dma_wait3A_773, %dma_wait3A_774] : memref<3x32x1024xf32, #tpu.memory_space<vmem>> -> memref<1x32x1024xf32, #tpu.memory_space<vmem>>
    %dma_wait3A_776 = tpu.memref_squeeze %dma_wait3A_775 : memref<1x32x1024xf32, #tpu.memory_space<vmem>> -> memref<32x1024xf32, #tpu.memory_space<vmem>>
    %dma_wait3A_777 = arith.constant 0 : i32
    %dma_wait3A_778 = tpu.memref_slice %arg2[%add3A_770, %dma_wait3A_777] : memref<8192x1024xf32, #tpu.memory_space<hbm>> -> memref<32x1024xf32, #tpu.memory_space<hbm>>
    %dma_wait3A_779 = tpu.memref_slice %arg5[%dma_wait3A_772] : memref<3x!tpu.dma_semaphore, #tpu.memory_space<semaphore_mem>> -> memref<1x!tpu.dma_semaphore, #tpu.memory_space<semaphore_mem>>
    %dma_wait3A_780 = tpu.memref_squeeze %dma_wait3A_779 : memref<1x!tpu.dma_semaphore, #tpu.memory_space<semaphore_mem>> -> memref<!tpu.dma_semaphore, #tpu.memory_space<semaphore_mem>>
    %dma_wait3A_781 = arith.constant 0 : i32
    %dma_wait3A_782 = arith.constant 0 : i32
    %dma_wait3A_783 = tpu.memref_slice %arg4[%dma_wait3A_771, %dma_wait3A_781, %dma_wait3A_782] : memref<3x32x1024xf32, #tpu.memory_space<vmem>> -> memref<1x32x1024xf32, #tpu.memory_space<vmem>>
    %dma_wait3A_784 = tpu.memref_squeeze %dma_wait3A_783 : memref<1x32x1024xf32, #tpu.memory_space<vmem>> -> memref<32x1024xf32, #tpu.memory_space<vmem>>
    %dma_wait3A_785 = arith.constant 0 : i32
    %dma_wait3A_786 = tpu.memref_slice %arg2[%add3A_770, %dma_wait3A_785] : memref<8192x1024xf32, #tpu.memory_space<hbm>> -> memref<32x1024xf32, #tpu.memory_space<hbm>>
    tpu.wait_dma2 semaphore(%dma_wait3A_780 : memref<!tpu.dma_semaphore, #tpu.memory_space<semaphore_mem>>) src(%dma_wait3A_786 : memref<32x1024xf32, #tpu.memory_space<hbm>>) dst(%dma_wait3A_784 : memref<32x1024xf32, #tpu.memory_space<vmem>>)
    %add3A_787 = arith.constant 96 : i32
    %add3A_788 = arith.addi %mul3A_2, %add3A_787 : i32
    %add3A_789 = arith.constant 96 : i32
    %add3A_790 = arith.addi %mul3A_2, %add3A_789 : i32
    %add3A_791 = arith.constant 96 : i32
    %add3A_792 = arith.addi %mul3A_2, %add3A_791 : i32
    %add3A_793 = arith.constant 96 : i32
    %add3A_794 = arith.addi %mul3A_2, %add3A_793 : i32
    %dma_wait3A_795 = arith.constant 0 : i32
    %dma_wait3A_796 = arith.constant 0 : i32
    %dma_wait3A_797 = arith.constant 0 : i32
    %dma_wait3A_798 = arith.constant 0 : i32
    %dma_wait3A_799 = arith.constant 0 : i32
    %dma_wait3A_800 = tpu.memref_slice %arg4[%dma_wait3A_795, %dma_wait3A_798, %dma_wait3A_799] : memref<3x32x1024xf32, #tpu.memory_space<vmem>> -> memref<1x32x1024xf32, #tpu.memory_space<vmem>>
    %dma_wait3A_801 = tpu.memref_squeeze %dma_wait3A_800 : memref<1x32x1024xf32, #tpu.memory_space<vmem>> -> memref<32x1024xf32, #tpu.memory_space<vmem>>
    %dma_wait3A_802 = arith.constant 0 : i32
    %dma_wait3A_803 = tpu.memref_slice %arg3[%dma_wait3A_796, %add3A_788, %dma_wait3A_802] : memref<4x8192x1024xf32, #tpu.memory_space<hbm>> -> memref<1x32x1024xf32, #tpu.memory_space<hbm>>
    %dma_wait3A_804 = tpu.memref_squeeze %dma_wait3A_803 : memref<1x32x1024xf32, #tpu.memory_space<hbm>> -> memref<32x1024xf32, #tpu.memory_space<hbm>>
    %dma_wait3A_805 = tpu.memref_slice %arg6[%dma_wait3A_797] : memref<3x!tpu.dma_semaphore, #tpu.memory_space<semaphore_mem>> -> memref<1x!tpu.dma_semaphore, #tpu.memory_space<semaphore_mem>>
    %dma_wait3A_806 = tpu.memref_squeeze %dma_wait3A_805 : memref<1x!tpu.dma_semaphore, #tpu.memory_space<semaphore_mem>> -> memref<!tpu.dma_semaphore, #tpu.memory_space<semaphore_mem>>
    %dma_wait3A_807 = arith.constant 0 : i32
    %dma_wait3A_808 = tpu.memref_slice %arg3[%dma_wait3A_796, %add3A_788, %dma_wait3A_807] : memref<4x8192x1024xf32, #tpu.memory_space<hbm>> -> memref<1x32x1024xf32, #tpu.memory_space<hbm>>
    %dma_wait3A_809 = tpu.memref_squeeze %dma_wait3A_808 : memref<1x32x1024xf32, #tpu.memory_space<hbm>> -> memref<32x1024xf32, #tpu.memory_space<hbm>>
    %dma_wait3A_810 = arith.constant 0 : i32
    %dma_wait3A_811 = arith.constant 0 : i32
    %dma_wait3A_812 = tpu.memref_slice %arg4[%dma_wait3A_795, %dma_wait3A_810, %dma_wait3A_811] : memref<3x32x1024xf32, #tpu.memory_space<vmem>> -> memref<1x32x1024xf32, #tpu.memory_space<vmem>>
    %dma_wait3A_813 = tpu.memref_squeeze %dma_wait3A_812 : memref<1x32x1024xf32, #tpu.memory_space<vmem>> -> memref<32x1024xf32, #tpu.memory_space<vmem>>
    tpu.wait_dma2 semaphore(%dma_wait3A_806 : memref<!tpu.dma_semaphore, #tpu.memory_space<semaphore_mem>>) src(%dma_wait3A_813 : memref<32x1024xf32, #tpu.memory_space<vmem>>) dst(%dma_wait3A_809 : memref<32x1024xf32, #tpu.memory_space<hbm>>)
    %dma_wait3A_814 = arith.constant 0 : i32
    %dma_wait3A_815 = arith.constant 1 : i32
    %dma_wait3A_816 = arith.constant 0 : i32
    %dma_wait3A_817 = arith.constant 0 : i32
    %dma_wait3A_818 = arith.constant 0 : i32
    %dma_wait3A_819 = tpu.memref_slice %arg4[%dma_wait3A_814, %dma_wait3A_817, %dma_wait3A_818] : memref<3x32x1024xf32, #tpu.memory_space<vmem>> -> memref<1x32x1024xf32, #tpu.memory_space<vmem>>
    %dma_wait3A_820 = tpu.memref_squeeze %dma_wait3A_819 : memref<1x32x1024xf32, #tpu.memory_space<vmem>> -> memref<32x1024xf32, #tpu.memory_space<vmem>>
    %dma_wait3A_821 = arith.constant 0 : i32
    %dma_wait3A_822 = tpu.memref_slice %arg3[%dma_wait3A_815, %add3A_790, %dma_wait3A_821] : memref<4x8192x1024xf32, #tpu.memory_space<hbm>> -> memref<1x32x1024xf32, #tpu.memory_space<hbm>>
    %dma_wait3A_823 = tpu.memref_squeeze %dma_wait3A_822 : memref<1x32x1024xf32, #tpu.memory_space<hbm>> -> memref<32x1024xf32, #tpu.memory_space<hbm>>
    %dma_wait3A_824 = tpu.memref_slice %arg6[%dma_wait3A_816] : memref<3x!tpu.dma_semaphore, #tpu.memory_space<semaphore_mem>> -> memref<1x!tpu.dma_semaphore, #tpu.memory_space<semaphore_mem>>
    %dma_wait3A_825 = tpu.memref_squeeze %dma_wait3A_824 : memref<1x!tpu.dma_semaphore, #tpu.memory_space<semaphore_mem>> -> memref<!tpu.dma_semaphore, #tpu.memory_space<semaphore_mem>>
    %dma_wait3A_826 = arith.constant 0 : i32
    %dma_wait3A_827 = tpu.memref_slice %arg3[%dma_wait3A_815, %add3A_790, %dma_wait3A_826] : memref<4x8192x1024xf32, #tpu.memory_space<hbm>> -> memref<1x32x1024xf32, #tpu.memory_space<hbm>>
    %dma_wait3A_828 = tpu.memref_squeeze %dma_wait3A_827 : memref<1x32x1024xf32, #tpu.memory_space<hbm>> -> memref<32x1024xf32, #tpu.memory_space<hbm>>
    %dma_wait3A_829 = arith.constant 0 : i32
    %dma_wait3A_830 = arith.constant 0 : i32
    %dma_wait3A_831 = tpu.memref_slice %arg4[%dma_wait3A_814, %dma_wait3A_829, %dma_wait3A_830] : memref<3x32x1024xf32, #tpu.memory_space<vmem>> -> memref<1x32x1024xf32, #tpu.memory_space<vmem>>
    %dma_wait3A_832 = tpu.memref_squeeze %dma_wait3A_831 : memref<1x32x1024xf32, #tpu.memory_space<vmem>> -> memref<32x1024xf32, #tpu.memory_space<vmem>>
    tpu.wait_dma2 semaphore(%dma_wait3A_825 : memref<!tpu.dma_semaphore, #tpu.memory_space<semaphore_mem>>) src(%dma_wait3A_832 : memref<32x1024xf32, #tpu.memory_space<vmem>>) dst(%dma_wait3A_828 : memref<32x1024xf32, #tpu.memory_space<hbm>>)
    %dma_wait3A_833 = arith.constant 0 : i32
    %dma_wait3A_834 = arith.constant 2 : i32
    %dma_wait3A_835 = arith.constant 0 : i32
    %dma_wait3A_836 = arith.constant 0 : i32
    %dma_wait3A_837 = arith.constant 0 : i32
    %dma_wait3A_838 = tpu.memref_slice %arg4[%dma_wait3A_833, %dma_wait3A_836, %dma_wait3A_837] : memref<3x32x1024xf32, #tpu.memory_space<vmem>> -> memref<1x32x1024xf32, #tpu.memory_space<vmem>>
    %dma_wait3A_839 = tpu.memref_squeeze %dma_wait3A_838 : memref<1x32x1024xf32, #tpu.memory_space<vmem>> -> memref<32x1024xf32, #tpu.memory_space<vmem>>
    %dma_wait3A_840 = arith.constant 0 : i32
    %dma_wait3A_841 = tpu.memref_slice %arg3[%dma_wait3A_834, %add3A_792, %dma_wait3A_840] : memref<4x8192x1024xf32, #tpu.memory_space<hbm>> -> memref<1x32x1024xf32, #tpu.memory_space<hbm>>
    %dma_wait3A_842 = tpu.memref_squeeze %dma_wait3A_841 : memref<1x32x1024xf32, #tpu.memory_space<hbm>> -> memref<32x1024xf32, #tpu.memory_space<hbm>>
    %dma_wait3A_843 = tpu.memref_slice %arg6[%dma_wait3A_835] : memref<3x!tpu.dma_semaphore, #tpu.memory_space<semaphore_mem>> -> memref<1x!tpu.dma_semaphore, #tpu.memory_space<semaphore_mem>>
    %dma_wait3A_844 = tpu.memref_squeeze %dma_wait3A_843 : memref<1x!tpu.dma_semaphore, #tpu.memory_space<semaphore_mem>> -> memref<!tpu.dma_semaphore, #tpu.memory_space<semaphore_mem>>
    %dma_wait3A_845 = arith.constant 0 : i32
    %dma_wait3A_846 = tpu.memref_slice %arg3[%dma_wait3A_834, %add3A_792, %dma_wait3A_845] : memref<4x8192x1024xf32, #tpu.memory_space<hbm>> -> memref<1x32x1024xf32, #tpu.memory_space<hbm>>
    %dma_wait3A_847 = tpu.memref_squeeze %dma_wait3A_846 : memref<1x32x1024xf32, #tpu.memory_space<hbm>> -> memref<32x1024xf32, #tpu.memory_space<hbm>>
    %dma_wait3A_848 = arith.constant 0 : i32
    %dma_wait3A_849 = arith.constant 0 : i32
    %dma_wait3A_850 = tpu.memref_slice %arg4[%dma_wait3A_833, %dma_wait3A_848, %dma_wait3A_849] : memref<3x32x1024xf32, #tpu.memory_space<vmem>> -> memref<1x32x1024xf32, #tpu.memory_space<vmem>>
    %dma_wait3A_851 = tpu.memref_squeeze %dma_wait3A_850 : memref<1x32x1024xf32, #tpu.memory_space<vmem>> -> memref<32x1024xf32, #tpu.memory_space<vmem>>
    tpu.wait_dma2 semaphore(%dma_wait3A_844 : memref<!tpu.dma_semaphore, #tpu.memory_space<semaphore_mem>>) src(%dma_wait3A_851 : memref<32x1024xf32, #tpu.memory_space<vmem>>) dst(%dma_wait3A_847 : memref<32x1024xf32, #tpu.memory_space<hbm>>)
    %dma_wait3A_852 = arith.constant 0 : i32
    %dma_wait3A_853 = arith.constant 3 : i32
    %dma_wait3A_854 = arith.constant 0 : i32
    %dma_wait3A_855 = arith.constant 0 : i32
    %dma_wait3A_856 = arith.constant 0 : i32
    %dma_wait3A_857 = tpu.memref_slice %arg4[%dma_wait3A_852, %dma_wait3A_855, %dma_wait3A_856] : memref<3x32x1024xf32, #tpu.memory_space<vmem>> -> memref<1x32x1024xf32, #tpu.memory_space<vmem>>
    %dma_wait3A_858 = tpu.memref_squeeze %dma_wait3A_857 : memref<1x32x1024xf32, #tpu.memory_space<vmem>> -> memref<32x1024xf32, #tpu.memory_space<vmem>>
    %dma_wait3A_859 = arith.constant 0 : i32
    %dma_wait3A_860 = tpu.memref_slice %arg3[%dma_wait3A_853, %add3A_794, %dma_wait3A_859] : memref<4x8192x1024xf32, #tpu.memory_space<hbm>> -> memref<1x32x1024xf32, #tpu.memory_space<hbm>>
    %dma_wait3A_861 = tpu.memref_squeeze %dma_wait3A_860 : memref<1x32x1024xf32, #tpu.memory_space<hbm>> -> memref<32x1024xf32, #tpu.memory_space<hbm>>
    %dma_wait3A_862 = tpu.memref_slice %arg6[%dma_wait3A_854] : memref<3x!tpu.dma_semaphore, #tpu.memory_space<semaphore_mem>> -> memref<1x!tpu.dma_semaphore, #tpu.memory_space<semaphore_mem>>
    %dma_wait3A_863 = tpu.memref_squeeze %dma_wait3A_862 : memref<1x!tpu.dma_semaphore, #tpu.memory_space<semaphore_mem>> -> memref<!tpu.dma_semaphore, #tpu.memory_space<semaphore_mem>>
    %dma_wait3A_864 = arith.constant 0 : i32
    %dma_wait3A_865 = tpu.memref_slice %arg3[%dma_wait3A_853, %add3A_794, %dma_wait3A_864] : memref<4x8192x1024xf32, #tpu.memory_space<hbm>> -> memref<1x32x1024xf32, #tpu.memory_space<hbm>>
    %dma_wait3A_866 = tpu.memref_squeeze %dma_wait3A_865 : memref<1x32x1024xf32, #tpu.memory_space<hbm>> -> memref<32x1024xf32, #tpu.memory_space<hbm>>
    %dma_wait3A_867 = arith.constant 0 : i32
    %dma_wait3A_868 = arith.constant 0 : i32
    %dma_wait3A_869 = tpu.memref_slice %arg4[%dma_wait3A_852, %dma_wait3A_867, %dma_wait3A_868] : memref<3x32x1024xf32, #tpu.memory_space<vmem>> -> memref<1x32x1024xf32, #tpu.memory_space<vmem>>
    %dma_wait3A_870 = tpu.memref_squeeze %dma_wait3A_869 : memref<1x32x1024xf32, #tpu.memory_space<vmem>> -> memref<32x1024xf32, #tpu.memory_space<vmem>>
    tpu.wait_dma2 semaphore(%dma_wait3A_863 : memref<!tpu.dma_semaphore, #tpu.memory_space<semaphore_mem>>) src(%dma_wait3A_870 : memref<32x1024xf32, #tpu.memory_space<vmem>>) dst(%dma_wait3A_866 : memref<32x1024xf32, #tpu.memory_space<hbm>>)
    %add3A_871 = arith.constant 192 : i32
    %add3A_872 = arith.addi %mul3A_2, %add3A_871 : i32
    %dma_start3A_873 = arith.constant 0 : i32
    %dma_start3A_874 = arith.constant 0 : i32
    %dma_start3A_875 = arith.constant 0 : i32
    %dma_start3A_876 = arith.constant 0 : i32
    %dma_start3A_877 = tpu.memref_slice %arg4[%dma_start3A_873, %dma_start3A_875, %dma_start3A_876] : memref<3x32x1024xf32, #tpu.memory_space<vmem>> -> memref<1x32x1024xf32, #tpu.memory_space<vmem>>
    %dma_start3A_878 = tpu.memref_squeeze %dma_start3A_877 : memref<1x32x1024xf32, #tpu.memory_space<vmem>> -> memref<32x1024xf32, #tpu.memory_space<vmem>>
    %dma_start3A_879 = arith.constant 0 : i32
    %dma_start3A_880 = tpu.memref_slice %arg2[%add3A_872, %dma_start3A_879] : memref<8192x1024xf32, #tpu.memory_space<hbm>> -> memref<32x1024xf32, #tpu.memory_space<hbm>>
    %dma_start3A_881 = tpu.memref_slice %arg5[%dma_start3A_874] : memref<3x!tpu.dma_semaphore, #tpu.memory_space<semaphore_mem>> -> memref<1x!tpu.dma_semaphore, #tpu.memory_space<semaphore_mem>>
    %dma_start3A_882 = tpu.memref_squeeze %dma_start3A_881 : memref<1x!tpu.dma_semaphore, #tpu.memory_space<semaphore_mem>> -> memref<!tpu.dma_semaphore, #tpu.memory_space<semaphore_mem>>
    %dma_start3A_883 = arith.constant 0 : i32
    %dma_start3A_884 = arith.constant 0 : i32
    %dma_start3A_885 = tpu.memref_slice %arg4[%dma_start3A_873, %dma_start3A_883, %dma_start3A_884] : memref<3x32x1024xf32, #tpu.memory_space<vmem>> -> memref<1x32x1024xf32, #tpu.memory_space<vmem>>
    %dma_start3A_886 = tpu.memref_squeeze %dma_start3A_885 : memref<1x32x1024xf32, #tpu.memory_space<vmem>> -> memref<32x1024xf32, #tpu.memory_space<vmem>>
    %dma_start3A_887 = arith.constant 0 : i32
    %dma_start3A_888 = tpu.memref_slice %arg2[%add3A_872, %dma_start3A_887] : memref<8192x1024xf32, #tpu.memory_space<hbm>> -> memref<32x1024xf32, #tpu.memory_space<hbm>>
    tpu.enqueue_dma source(%dma_start3A_888 : memref<32x1024xf32, #tpu.memory_space<hbm>>) target(%dma_start3A_886 : memref<32x1024xf32, #tpu.memory_space<vmem>>) target_semaphore(%dma_start3A_882 : memref<!tpu.dma_semaphore, #tpu.memory_space<semaphore_mem>>)
    %add3A_889 = arith.constant 128 : i32
    %add3A_890 = arith.addi %mul3A_2, %add3A_889 : i32
    %add3A_891 = arith.constant 128 : i32
    %add3A_892 = arith.addi %mul3A_2, %add3A_891 : i32
    %add3A_893 = arith.constant 128 : i32
    %add3A_894 = arith.addi %mul3A_2, %add3A_893 : i32
    %add3A_895 = arith.constant 128 : i32
    %add3A_896 = arith.addi %mul3A_2, %add3A_895 : i32
    %dma_start3A_897 = arith.constant 1 : i32
    %dma_start3A_898 = arith.constant 0 : i32
    %dma_start3A_899 = arith.constant 1 : i32
    %dma_start3A_900 = arith.constant 0 : i32
    %dma_start3A_901 = arith.constant 0 : i32
    %dma_start3A_902 = tpu.memref_slice %arg4[%dma_start3A_897, %dma_start3A_900, %dma_start3A_901] : memref<3x32x1024xf32, #tpu.memory_space<vmem>> -> memref<1x32x1024xf32, #tpu.memory_space<vmem>>
    %dma_start3A_903 = tpu.memref_squeeze %dma_start3A_902 : memref<1x32x1024xf32, #tpu.memory_space<vmem>> -> memref<32x1024xf32, #tpu.memory_space<vmem>>
    %dma_start3A_904 = arith.constant 0 : i32
    %dma_start3A_905 = tpu.memref_slice %arg3[%dma_start3A_898, %add3A_890, %dma_start3A_904] : memref<4x8192x1024xf32, #tpu.memory_space<hbm>> -> memref<1x32x1024xf32, #tpu.memory_space<hbm>>
    %dma_start3A_906 = tpu.memref_squeeze %dma_start3A_905 : memref<1x32x1024xf32, #tpu.memory_space<hbm>> -> memref<32x1024xf32, #tpu.memory_space<hbm>>
    %dma_start3A_907 = tpu.memref_slice %arg6[%dma_start3A_899] : memref<3x!tpu.dma_semaphore, #tpu.memory_space<semaphore_mem>> -> memref<1x!tpu.dma_semaphore, #tpu.memory_space<semaphore_mem>>
    %dma_start3A_908 = tpu.memref_squeeze %dma_start3A_907 : memref<1x!tpu.dma_semaphore, #tpu.memory_space<semaphore_mem>> -> memref<!tpu.dma_semaphore, #tpu.memory_space<semaphore_mem>>
    %dma_start3A_909 = arith.constant 0 : i32
    %dma_start3A_910 = tpu.memref_slice %arg3[%dma_start3A_898, %add3A_890, %dma_start3A_909] : memref<4x8192x1024xf32, #tpu.memory_space<hbm>> -> memref<1x32x1024xf32, #tpu.memory_space<hbm>>
    %dma_start3A_911 = tpu.memref_squeeze %dma_start3A_910 : memref<1x32x1024xf32, #tpu.memory_space<hbm>> -> memref<32x1024xf32, #tpu.memory_space<hbm>>
    %dma_start3A_912 = arith.constant 0 : i32
    %dma_start3A_913 = arith.constant 0 : i32
    %dma_start3A_914 = tpu.memref_slice %arg4[%dma_start3A_897, %dma_start3A_912, %dma_start3A_913] : memref<3x32x1024xf32, #tpu.memory_space<vmem>> -> memref<1x32x1024xf32, #tpu.memory_space<vmem>>
    %dma_start3A_915 = tpu.memref_squeeze %dma_start3A_914 : memref<1x32x1024xf32, #tpu.memory_space<vmem>> -> memref<32x1024xf32, #tpu.memory_space<vmem>>
    tpu.enqueue_dma source(%dma_start3A_915 : memref<32x1024xf32, #tpu.memory_space<vmem>>) target(%dma_start3A_911 : memref<32x1024xf32, #tpu.memory_space<hbm>>) target_semaphore(%dma_start3A_908 : memref<!tpu.dma_semaphore, #tpu.memory_space<semaphore_mem>>)
    %dma_start3A_916 = arith.constant 1 : i32
    %dma_start3A_917 = arith.constant 1 : i32
    %dma_start3A_918 = arith.constant 1 : i32
    %dma_start3A_919 = arith.constant 0 : i32
    %dma_start3A_920 = arith.constant 0 : i32
    %dma_start3A_921 = tpu.memref_slice %arg4[%dma_start3A_916, %dma_start3A_919, %dma_start3A_920] : memref<3x32x1024xf32, #tpu.memory_space<vmem>> -> memref<1x32x1024xf32, #tpu.memory_space<vmem>>
    %dma_start3A_922 = tpu.memref_squeeze %dma_start3A_921 : memref<1x32x1024xf32, #tpu.memory_space<vmem>> -> memref<32x1024xf32, #tpu.memory_space<vmem>>
    %dma_start3A_923 = arith.constant 0 : i32
    %dma_start3A_924 = tpu.memref_slice %arg3[%dma_start3A_917, %add3A_892, %dma_start3A_923] : memref<4x8192x1024xf32, #tpu.memory_space<hbm>> -> memref<1x32x1024xf32, #tpu.memory_space<hbm>>
    %dma_start3A_925 = tpu.memref_squeeze %dma_start3A_924 : memref<1x32x1024xf32, #tpu.memory_space<hbm>> -> memref<32x1024xf32, #tpu.memory_space<hbm>>
    %dma_start3A_926 = tpu.memref_slice %arg6[%dma_start3A_918] : memref<3x!tpu.dma_semaphore, #tpu.memory_space<semaphore_mem>> -> memref<1x!tpu.dma_semaphore, #tpu.memory_space<semaphore_mem>>
    %dma_start3A_927 = tpu.memref_squeeze %dma_start3A_926 : memref<1x!tpu.dma_semaphore, #tpu.memory_space<semaphore_mem>> -> memref<!tpu.dma_semaphore, #tpu.memory_space<semaphore_mem>>
    %dma_start3A_928 = arith.constant 0 : i32
    %dma_start3A_929 = tpu.memref_slice %arg3[%dma_start3A_917, %add3A_892, %dma_start3A_928] : memref<4x8192x1024xf32, #tpu.memory_space<hbm>> -> memref<1x32x1024xf32, #tpu.memory_space<hbm>>
    %dma_start3A_930 = tpu.memref_squeeze %dma_start3A_929 : memref<1x32x1024xf32, #tpu.memory_space<hbm>> -> memref<32x1024xf32, #tpu.memory_space<hbm>>
    %dma_start3A_931 = arith.constant 0 : i32
    %dma_start3A_932 = arith.constant 0 : i32
    %dma_start3A_933 = tpu.memref_slice %arg4[%dma_start3A_916, %dma_start3A_931, %dma_start3A_932] : memref<3x32x1024xf32, #tpu.memory_space<vmem>> -> memref<1x32x1024xf32, #tpu.memory_space<vmem>>
    %dma_start3A_934 = tpu.memref_squeeze %dma_start3A_933 : memref<1x32x1024xf32, #tpu.memory_space<vmem>> -> memref<32x1024xf32, #tpu.memory_space<vmem>>
    tpu.enqueue_dma source(%dma_start3A_934 : memref<32x1024xf32, #tpu.memory_space<vmem>>) target(%dma_start3A_930 : memref<32x1024xf32, #tpu.memory_space<hbm>>) target_semaphore(%dma_start3A_927 : memref<!tpu.dma_semaphore, #tpu.memory_space<semaphore_mem>>)
    %dma_start3A_935 = arith.constant 1 : i32
    %dma_start3A_936 = arith.constant 2 : i32
    %dma_start3A_937 = arith.constant 1 : i32
    %dma_start3A_938 = arith.constant 0 : i32
    %dma_start3A_939 = arith.constant 0 : i32
    %dma_start3A_940 = tpu.memref_slice %arg4[%dma_start3A_935, %dma_start3A_938, %dma_start3A_939] : memref<3x32x1024xf32, #tpu.memory_space<vmem>> -> memref<1x32x1024xf32, #tpu.memory_space<vmem>>
    %dma_start3A_941 = tpu.memref_squeeze %dma_start3A_940 : memref<1x32x1024xf32, #tpu.memory_space<vmem>> -> memref<32x1024xf32, #tpu.memory_space<vmem>>
    %dma_start3A_942 = arith.constant 0 : i32
    %dma_start3A_943 = tpu.memref_slice %arg3[%dma_start3A_936, %add3A_894, %dma_start3A_942] : memref<4x8192x1024xf32, #tpu.memory_space<hbm>> -> memref<1x32x1024xf32, #tpu.memory_space<hbm>>
    %dma_start3A_944 = tpu.memref_squeeze %dma_start3A_943 : memref<1x32x1024xf32, #tpu.memory_space<hbm>> -> memref<32x1024xf32, #tpu.memory_space<hbm>>
    %dma_start3A_945 = tpu.memref_slice %arg6[%dma_start3A_937] : memref<3x!tpu.dma_semaphore, #tpu.memory_space<semaphore_mem>> -> memref<1x!tpu.dma_semaphore, #tpu.memory_space<semaphore_mem>>
    %dma_start3A_946 = tpu.memref_squeeze %dma_start3A_945 : memref<1x!tpu.dma_semaphore, #tpu.memory_space<semaphore_mem>> -> memref<!tpu.dma_semaphore, #tpu.memory_space<semaphore_mem>>
    %dma_start3A_947 = arith.constant 0 : i32
    %dma_start3A_948 = tpu.memref_slice %arg3[%dma_start3A_936, %add3A_894, %dma_start3A_947] : memref<4x8192x1024xf32, #tpu.memory_space<hbm>> -> memref<1x32x1024xf32, #tpu.memory_space<hbm>>
    %dma_start3A_949 = tpu.memref_squeeze %dma_start3A_948 : memref<1x32x1024xf32, #tpu.memory_space<hbm>> -> memref<32x1024xf32, #tpu.memory_space<hbm>>
    %dma_start3A_950 = arith.constant 0 : i32
    %dma_start3A_951 = arith.constant 0 : i32
    %dma_start3A_952 = tpu.memref_slice %arg4[%dma_start3A_935, %dma_start3A_950, %dma_start3A_951] : memref<3x32x1024xf32, #tpu.memory_space<vmem>> -> memref<1x32x1024xf32, #tpu.memory_space<vmem>>
    %dma_start3A_953 = tpu.memref_squeeze %dma_start3A_952 : memref<1x32x1024xf32, #tpu.memory_space<vmem>> -> memref<32x1024xf32, #tpu.memory_space<vmem>>
    tpu.enqueue_dma source(%dma_start3A_953 : memref<32x1024xf32, #tpu.memory_space<vmem>>) target(%dma_start3A_949 : memref<32x1024xf32, #tpu.memory_space<hbm>>) target_semaphore(%dma_start3A_946 : memref<!tpu.dma_semaphore, #tpu.memory_space<semaphore_mem>>)
    %dma_start3A_954 = arith.constant 1 : i32
    %dma_start3A_955 = arith.constant 3 : i32
    %dma_start3A_956 = arith.constant 1 : i32
    %dma_start3A_957 = arith.constant 0 : i32
    %dma_start3A_958 = arith.constant 0 : i32
    %dma_start3A_959 = tpu.memref_slice %arg4[%dma_start3A_954, %dma_start3A_957, %dma_start3A_958] : memref<3x32x1024xf32, #tpu.memory_space<vmem>> -> memref<1x32x1024xf32, #tpu.memory_space<vmem>>
    %dma_start3A_960 = tpu.memref_squeeze %dma_start3A_959 : memref<1x32x1024xf32, #tpu.memory_space<vmem>> -> memref<32x1024xf32, #tpu.memory_space<vmem>>
    %dma_start3A_961 = arith.constant 0 : i32
    %dma_start3A_962 = tpu.memref_slice %arg3[%dma_start3A_955, %add3A_896, %dma_start3A_961] : memref<4x8192x1024xf32, #tpu.memory_space<hbm>> -> memref<1x32x1024xf32, #tpu.memory_space<hbm>>
    %dma_start3A_963 = tpu.memref_squeeze %dma_start3A_962 : memref<1x32x1024xf32, #tpu.memory_space<hbm>> -> memref<32x1024xf32, #tpu.memory_space<hbm>>
    %dma_start3A_964 = tpu.memref_slice %arg6[%dma_start3A_956] : memref<3x!tpu.dma_semaphore, #tpu.memory_space<semaphore_mem>> -> memref<1x!tpu.dma_semaphore, #tpu.memory_space<semaphore_mem>>
    %dma_start3A_965 = tpu.memref_squeeze %dma_start3A_964 : memref<1x!tpu.dma_semaphore, #tpu.memory_space<semaphore_mem>> -> memref<!tpu.dma_semaphore, #tpu.memory_space<semaphore_mem>>
    %dma_start3A_966 = arith.constant 0 : i32
    %dma_start3A_967 = tpu.memref_slice %arg3[%dma_start3A_955, %add3A_896, %dma_start3A_966] : memref<4x8192x1024xf32, #tpu.memory_space<hbm>> -> memref<1x32x1024xf32, #tpu.memory_space<hbm>>
    %dma_start3A_968 = tpu.memref_squeeze %dma_start3A_967 : memref<1x32x1024xf32, #tpu.memory_space<hbm>> -> memref<32x1024xf32, #tpu.memory_space<hbm>>
    %dma_start3A_969 = arith.constant 0 : i32
    %dma_start3A_970 = arith.constant 0 : i32
    %dma_start3A_971 = tpu.memref_slice %arg4[%dma_start3A_954, %dma_start3A_969, %dma_start3A_970] : memref<3x32x1024xf32, #tpu.memory_space<vmem>> -> memref<1x32x1024xf32, #tpu.memory_space<vmem>>
    %dma_start3A_972 = tpu.memref_squeeze %dma_start3A_971 : memref<1x32x1024xf32, #tpu.memory_space<vmem>> -> memref<32x1024xf32, #tpu.memory_space<vmem>>
    tpu.enqueue_dma source(%dma_start3A_972 : memref<32x1024xf32, #tpu.memory_space<vmem>>) target(%dma_start3A_968 : memref<32x1024xf32, #tpu.memory_space<hbm>>) target_semaphore(%dma_start3A_965 : memref<!tpu.dma_semaphore, #tpu.memory_space<semaphore_mem>>)
    %add3A_973 = arith.constant 160 : i32
    %add3A_974 = arith.addi %mul3A_2, %add3A_973 : i32
    %dma_wait3A_975 = arith.constant 2 : i32
    %dma_wait3A_976 = arith.constant 2 : i32
    %dma_wait3A_977 = arith.constant 0 : i32
    %dma_wait3A_978 = arith.constant 0 : i32
    %dma_wait3A_979 = tpu.memref_slice %arg4[%dma_wait3A_975, %dma_wait3A_977, %dma_wait3A_978] : memref<3x32x1024xf32, #tpu.memory_space<vmem>> -> memref<1x32x1024xf32, #tpu.memory_space<vmem>>
    %dma_wait3A_980 = tpu.memref_squeeze %dma_wait3A_979 : memref<1x32x1024xf32, #tpu.memory_space<vmem>> -> memref<32x1024xf32, #tpu.memory_space<vmem>>
    %dma_wait3A_981 = arith.constant 0 : i32
    %dma_wait3A_982 = tpu.memref_slice %arg2[%add3A_974, %dma_wait3A_981] : memref<8192x1024xf32, #tpu.memory_space<hbm>> -> memref<32x1024xf32, #tpu.memory_space<hbm>>
    %dma_wait3A_983 = tpu.memref_slice %arg5[%dma_wait3A_976] : memref<3x!tpu.dma_semaphore, #tpu.memory_space<semaphore_mem>> -> memref<1x!tpu.dma_semaphore, #tpu.memory_space<semaphore_mem>>
    %dma_wait3A_984 = tpu.memref_squeeze %dma_wait3A_983 : memref<1x!tpu.dma_semaphore, #tpu.memory_space<semaphore_mem>> -> memref<!tpu.dma_semaphore, #tpu.memory_space<semaphore_mem>>
    %dma_wait3A_985 = arith.constant 0 : i32
    %dma_wait3A_986 = arith.constant 0 : i32
    %dma_wait3A_987 = tpu.memref_slice %arg4[%dma_wait3A_975, %dma_wait3A_985, %dma_wait3A_986] : memref<3x32x1024xf32, #tpu.memory_space<vmem>> -> memref<1x32x1024xf32, #tpu.memory_space<vmem>>
    %dma_wait3A_988 = tpu.memref_squeeze %dma_wait3A_987 : memref<1x32x1024xf32, #tpu.memory_space<vmem>> -> memref<32x1024xf32, #tpu.memory_space<vmem>>
    %dma_wait3A_989 = arith.constant 0 : i32
    %dma_wait3A_990 = tpu.memref_slice %arg2[%add3A_974, %dma_wait3A_989] : memref<8192x1024xf32, #tpu.memory_space<hbm>> -> memref<32x1024xf32, #tpu.memory_space<hbm>>
    tpu.wait_dma2 semaphore(%dma_wait3A_984 : memref<!tpu.dma_semaphore, #tpu.memory_space<semaphore_mem>>) src(%dma_wait3A_990 : memref<32x1024xf32, #tpu.memory_space<hbm>>) dst(%dma_wait3A_988 : memref<32x1024xf32, #tpu.memory_space<vmem>>)
    %add3A_991 = arith.constant 128 : i32
    %add3A_992 = arith.addi %mul3A_2, %add3A_991 : i32
    %add3A_993 = arith.constant 128 : i32
    %add3A_994 = arith.addi %mul3A_2, %add3A_993 : i32
    %add3A_995 = arith.constant 128 : i32
    %add3A_996 = arith.addi %mul3A_2, %add3A_995 : i32
    %add3A_997 = arith.constant 128 : i32
    %add3A_998 = arith.addi %mul3A_2, %add3A_997 : i32
    %dma_wait3A_999 = arith.constant 1 : i32
    %dma_wait3A_1000 = arith.constant 0 : i32
    %dma_wait3A_1001 = arith.constant 1 : i32
    %dma_wait3A_1002 = arith.constant 0 : i32
    %dma_wait3A_1003 = arith.constant 0 : i32
    %dma_wait3A_1004 = tpu.memref_slice %arg4[%dma_wait3A_999, %dma_wait3A_1002, %dma_wait3A_1003] : memref<3x32x1024xf32, #tpu.memory_space<vmem>> -> memref<1x32x1024xf32, #tpu.memory_space<vmem>>
    %dma_wait3A_1005 = tpu.memref_squeeze %dma_wait3A_1004 : memref<1x32x1024xf32, #tpu.memory_space<vmem>> -> memref<32x1024xf32, #tpu.memory_space<vmem>>
    %dma_wait3A_1006 = arith.constant 0 : i32
    %dma_wait3A_1007 = tpu.memref_slice %arg3[%dma_wait3A_1000, %add3A_992, %dma_wait3A_1006] : memref<4x8192x1024xf32, #tpu.memory_space<hbm>> -> memref<1x32x1024xf32, #tpu.memory_space<hbm>>
    %dma_wait3A_1008 = tpu.memref_squeeze %dma_wait3A_1007 : memref<1x32x1024xf32, #tpu.memory_space<hbm>> -> memref<32x1024xf32, #tpu.memory_space<hbm>>
    %dma_wait3A_1009 = tpu.memref_slice %arg6[%dma_wait3A_1001] : memref<3x!tpu.dma_semaphore, #tpu.memory_space<semaphore_mem>> -> memref<1x!tpu.dma_semaphore, #tpu.memory_space<semaphore_mem>>
    %dma_wait3A_1010 = tpu.memref_squeeze %dma_wait3A_1009 : memref<1x!tpu.dma_semaphore, #tpu.memory_space<semaphore_mem>> -> memref<!tpu.dma_semaphore, #tpu.memory_space<semaphore_mem>>
    %dma_wait3A_1011 = arith.constant 0 : i32
    %dma_wait3A_1012 = tpu.memref_slice %arg3[%dma_wait3A_1000, %add3A_992, %dma_wait3A_1011] : memref<4x8192x1024xf32, #tpu.memory_space<hbm>> -> memref<1x32x1024xf32, #tpu.memory_space<hbm>>
    %dma_wait3A_1013 = tpu.memref_squeeze %dma_wait3A_1012 : memref<1x32x1024xf32, #tpu.memory_space<hbm>> -> memref<32x1024xf32, #tpu.memory_space<hbm>>
    %dma_wait3A_1014 = arith.constant 0 : i32
    %dma_wait3A_1015 = arith.constant 0 : i32
    %dma_wait3A_1016 = tpu.memref_slice %arg4[%dma_wait3A_999, %dma_wait3A_1014, %dma_wait3A_1015] : memref<3x32x1024xf32, #tpu.memory_space<vmem>> -> memref<1x32x1024xf32, #tpu.memory_space<vmem>>
    %dma_wait3A_1017 = tpu.memref_squeeze %dma_wait3A_1016 : memref<1x32x1024xf32, #tpu.memory_space<vmem>> -> memref<32x1024xf32, #tpu.memory_space<vmem>>
    tpu.wait_dma2 semaphore(%dma_wait3A_1010 : memref<!tpu.dma_semaphore, #tpu.memory_space<semaphore_mem>>) src(%dma_wait3A_1017 : memref<32x1024xf32, #tpu.memory_space<vmem>>) dst(%dma_wait3A_1013 : memref<32x1024xf32, #tpu.memory_space<hbm>>)
    %dma_wait3A_1018 = arith.constant 1 : i32
    %dma_wait3A_1019 = arith.constant 1 : i32
    %dma_wait3A_1020 = arith.constant 1 : i32
    %dma_wait3A_1021 = arith.constant 0 : i32
    %dma_wait3A_1022 = arith.constant 0 : i32
    %dma_wait3A_1023 = tpu.memref_slice %arg4[%dma_wait3A_1018, %dma_wait3A_1021, %dma_wait3A_1022] : memref<3x32x1024xf32, #tpu.memory_space<vmem>> -> memref<1x32x1024xf32, #tpu.memory_space<vmem>>
    %dma_wait3A_1024 = tpu.memref_squeeze %dma_wait3A_1023 : memref<1x32x1024xf32, #tpu.memory_space<vmem>> -> memref<32x1024xf32, #tpu.memory_space<vmem>>
    %dma_wait3A_1025 = arith.constant 0 : i32
    %dma_wait3A_1026 = tpu.memref_slice %arg3[%dma_wait3A_1019, %add3A_994, %dma_wait3A_1025] : memref<4x8192x1024xf32, #tpu.memory_space<hbm>> -> memref<1x32x1024xf32, #tpu.memory_space<hbm>>
    %dma_wait3A_1027 = tpu.memref_squeeze %dma_wait3A_1026 : memref<1x32x1024xf32, #tpu.memory_space<hbm>> -> memref<32x1024xf32, #tpu.memory_space<hbm>>
    %dma_wait3A_1028 = tpu.memref_slice %arg6[%dma_wait3A_1020] : memref<3x!tpu.dma_semaphore, #tpu.memory_space<semaphore_mem>> -> memref<1x!tpu.dma_semaphore, #tpu.memory_space<semaphore_mem>>
    %dma_wait3A_1029 = tpu.memref_squeeze %dma_wait3A_1028 : memref<1x!tpu.dma_semaphore, #tpu.memory_space<semaphore_mem>> -> memref<!tpu.dma_semaphore, #tpu.memory_space<semaphore_mem>>
    %dma_wait3A_1030 = arith.constant 0 : i32
    %dma_wait3A_1031 = tpu.memref_slice %arg3[%dma_wait3A_1019, %add3A_994, %dma_wait3A_1030] : memref<4x8192x1024xf32, #tpu.memory_space<hbm>> -> memref<1x32x1024xf32, #tpu.memory_space<hbm>>
    %dma_wait3A_1032 = tpu.memref_squeeze %dma_wait3A_1031 : memref<1x32x1024xf32, #tpu.memory_space<hbm>> -> memref<32x1024xf32, #tpu.memory_space<hbm>>
    %dma_wait3A_1033 = arith.constant 0 : i32
    %dma_wait3A_1034 = arith.constant 0 : i32
    %dma_wait3A_1035 = tpu.memref_slice %arg4[%dma_wait3A_1018, %dma_wait3A_1033, %dma_wait3A_1034] : memref<3x32x1024xf32, #tpu.memory_space<vmem>> -> memref<1x32x1024xf32, #tpu.memory_space<vmem>>
    %dma_wait3A_1036 = tpu.memref_squeeze %dma_wait3A_1035 : memref<1x32x1024xf32, #tpu.memory_space<vmem>> -> memref<32x1024xf32, #tpu.memory_space<vmem>>
    tpu.wait_dma2 semaphore(%dma_wait3A_1029 : memref<!tpu.dma_semaphore, #tpu.memory_space<semaphore_mem>>) src(%dma_wait3A_1036 : memref<32x1024xf32, #tpu.memory_space<vmem>>) dst(%dma_wait3A_1032 : memref<32x1024xf32, #tpu.memory_space<hbm>>)
    %dma_wait3A_1037 = arith.constant 1 : i32
    %dma_wait3A_1038 = arith.constant 2 : i32
    %dma_wait3A_1039 = arith.constant 1 : i32
    %dma_wait3A_1040 = arith.constant 0 : i32
    %dma_wait3A_1041 = arith.constant 0 : i32
    %dma_wait3A_1042 = tpu.memref_slice %arg4[%dma_wait3A_1037, %dma_wait3A_1040, %dma_wait3A_1041] : memref<3x32x1024xf32, #tpu.memory_space<vmem>> -> memref<1x32x1024xf32, #tpu.memory_space<vmem>>
    %dma_wait3A_1043 = tpu.memref_squeeze %dma_wait3A_1042 : memref<1x32x1024xf32, #tpu.memory_space<vmem>> -> memref<32x1024xf32, #tpu.memory_space<vmem>>
    %dma_wait3A_1044 = arith.constant 0 : i32
    %dma_wait3A_1045 = tpu.memref_slice %arg3[%dma_wait3A_1038, %add3A_996, %dma_wait3A_1044] : memref<4x8192x1024xf32, #tpu.memory_space<hbm>> -> memref<1x32x1024xf32, #tpu.memory_space<hbm>>
    %dma_wait3A_1046 = tpu.memref_squeeze %dma_wait3A_1045 : memref<1x32x1024xf32, #tpu.memory_space<hbm>> -> memref<32x1024xf32, #tpu.memory_space<hbm>>
    %dma_wait3A_1047 = tpu.memref_slice %arg6[%dma_wait3A_1039] : memref<3x!tpu.dma_semaphore, #tpu.memory_space<semaphore_mem>> -> memref<1x!tpu.dma_semaphore, #tpu.memory_space<semaphore_mem>>
    %dma_wait3A_1048 = tpu.memref_squeeze %dma_wait3A_1047 : memref<1x!tpu.dma_semaphore, #tpu.memory_space<semaphore_mem>> -> memref<!tpu.dma_semaphore, #tpu.memory_space<semaphore_mem>>
    %dma_wait3A_1049 = arith.constant 0 : i32
    %dma_wait3A_1050 = tpu.memref_slice %arg3[%dma_wait3A_1038, %add3A_996, %dma_wait3A_1049] : memref<4x8192x1024xf32, #tpu.memory_space<hbm>> -> memref<1x32x1024xf32, #tpu.memory_space<hbm>>
    %dma_wait3A_1051 = tpu.memref_squeeze %dma_wait3A_1050 : memref<1x32x1024xf32, #tpu.memory_space<hbm>> -> memref<32x1024xf32, #tpu.memory_space<hbm>>
    %dma_wait3A_1052 = arith.constant 0 : i32
    %dma_wait3A_1053 = arith.constant 0 : i32
    %dma_wait3A_1054 = tpu.memref_slice %arg4[%dma_wait3A_1037, %dma_wait3A_1052, %dma_wait3A_1053] : memref<3x32x1024xf32, #tpu.memory_space<vmem>> -> memref<1x32x1024xf32, #tpu.memory_space<vmem>>
    %dma_wait3A_1055 = tpu.memref_squeeze %dma_wait3A_1054 : memref<1x32x1024xf32, #tpu.memory_space<vmem>> -> memref<32x1024xf32, #tpu.memory_space<vmem>>
    tpu.wait_dma2 semaphore(%dma_wait3A_1048 : memref<!tpu.dma_semaphore, #tpu.memory_space<semaphore_mem>>) src(%dma_wait3A_1055 : memref<32x1024xf32, #tpu.memory_space<vmem>>) dst(%dma_wait3A_1051 : memref<32x1024xf32, #tpu.memory_space<hbm>>)
    %dma_wait3A_1056 = arith.constant 1 : i32
    %dma_wait3A_1057 = arith.constant 3 : i32
    %dma_wait3A_1058 = arith.constant 1 : i32
    %dma_wait3A_1059 = arith.constant 0 : i32
    %dma_wait3A_1060 = arith.constant 0 : i32
    %dma_wait3A_1061 = tpu.memref_slice %arg4[%dma_wait3A_1056, %dma_wait3A_1059, %dma_wait3A_1060] : memref<3x32x1024xf32, #tpu.memory_space<vmem>> -> memref<1x32x1024xf32, #tpu.memory_space<vmem>>
    %dma_wait3A_1062 = tpu.memref_squeeze %dma_wait3A_1061 : memref<1x32x1024xf32, #tpu.memory_space<vmem>> -> memref<32x1024xf32, #tpu.memory_space<vmem>>
    %dma_wait3A_1063 = arith.constant 0 : i32
    %dma_wait3A_1064 = tpu.memref_slice %arg3[%dma_wait3A_1057, %add3A_998, %dma_wait3A_1063] : memref<4x8192x1024xf32, #tpu.memory_space<hbm>> -> memref<1x32x1024xf32, #tpu.memory_space<hbm>>
    %dma_wait3A_1065 = tpu.memref_squeeze %dma_wait3A_1064 : memref<1x32x1024xf32, #tpu.memory_space<hbm>> -> memref<32x1024xf32, #tpu.memory_space<hbm>>
    %dma_wait3A_1066 = tpu.memref_slice %arg6[%dma_wait3A_1058] : memref<3x!tpu.dma_semaphore, #tpu.memory_space<semaphore_mem>> -> memref<1x!tpu.dma_semaphore, #tpu.memory_space<semaphore_mem>>
    %dma_wait3A_1067 = tpu.memref_squeeze %dma_wait3A_1066 : memref<1x!tpu.dma_semaphore, #tpu.memory_space<semaphore_mem>> -> memref<!tpu.dma_semaphore, #tpu.memory_space<semaphore_mem>>
    %dma_wait3A_1068 = arith.constant 0 : i32
    %dma_wait3A_1069 = tpu.memref_slice %arg3[%dma_wait3A_1057, %add3A_998, %dma_wait3A_1068] : memref<4x8192x1024xf32, #tpu.memory_space<hbm>> -> memref<1x32x1024xf32, #tpu.memory_space<hbm>>
    %dma_wait3A_1070 = tpu.memref_squeeze %dma_wait3A_1069 : memref<1x32x1024xf32, #tpu.memory_space<hbm>> -> memref<32x1024xf32, #tpu.memory_space<hbm>>
    %dma_wait3A_1071 = arith.constant 0 : i32
    %dma_wait3A_1072 = arith.constant 0 : i32
    %dma_wait3A_1073 = tpu.memref_slice %arg4[%dma_wait3A_1056, %dma_wait3A_1071, %dma_wait3A_1072] : memref<3x32x1024xf32, #tpu.memory_space<vmem>> -> memref<1x32x1024xf32, #tpu.memory_space<vmem>>
    %dma_wait3A_1074 = tpu.memref_squeeze %dma_wait3A_1073 : memref<1x32x1024xf32, #tpu.memory_space<vmem>> -> memref<32x1024xf32, #tpu.memory_space<vmem>>
    tpu.wait_dma2 semaphore(%dma_wait3A_1067 : memref<!tpu.dma_semaphore, #tpu.memory_space<semaphore_mem>>) src(%dma_wait3A_1074 : memref<32x1024xf32, #tpu.memory_space<vmem>>) dst(%dma_wait3A_1070 : memref<32x1024xf32, #tpu.memory_space<hbm>>)
    %add3A_1075 = arith.constant 224 : i32
    %add3A_1076 = arith.addi %mul3A_2, %add3A_1075 : i32
    %dma_start3A_1077 = arith.constant 1 : i32
    %dma_start3A_1078 = arith.constant 1 : i32
    %dma_start3A_1079 = arith.constant 0 : i32
    %dma_start3A_1080 = arith.constant 0 : i32
    %dma_start3A_1081 = tpu.memref_slice %arg4[%dma_start3A_1077, %dma_start3A_1079, %dma_start3A_1080] : memref<3x32x1024xf32, #tpu.memory_space<vmem>> -> memref<1x32x1024xf32, #tpu.memory_space<vmem>>
    %dma_start3A_1082 = tpu.memref_squeeze %dma_start3A_1081 : memref<1x32x1024xf32, #tpu.memory_space<vmem>> -> memref<32x1024xf32, #tpu.memory_space<vmem>>
    %dma_start3A_1083 = arith.constant 0 : i32
    %dma_start3A_1084 = tpu.memref_slice %arg2[%add3A_1076, %dma_start3A_1083] : memref<8192x1024xf32, #tpu.memory_space<hbm>> -> memref<32x1024xf32, #tpu.memory_space<hbm>>
    %dma_start3A_1085 = tpu.memref_slice %arg5[%dma_start3A_1078] : memref<3x!tpu.dma_semaphore, #tpu.memory_space<semaphore_mem>> -> memref<1x!tpu.dma_semaphore, #tpu.memory_space<semaphore_mem>>
    %dma_start3A_1086 = tpu.memref_squeeze %dma_start3A_1085 : memref<1x!tpu.dma_semaphore, #tpu.memory_space<semaphore_mem>> -> memref<!tpu.dma_semaphore, #tpu.memory_space<semaphore_mem>>
    %dma_start3A_1087 = arith.constant 0 : i32
    %dma_start3A_1088 = arith.constant 0 : i32
    %dma_start3A_1089 = tpu.memref_slice %arg4[%dma_start3A_1077, %dma_start3A_1087, %dma_start3A_1088] : memref<3x32x1024xf32, #tpu.memory_space<vmem>> -> memref<1x32x1024xf32, #tpu.memory_space<vmem>>
    %dma_start3A_1090 = tpu.memref_squeeze %dma_start3A_1089 : memref<1x32x1024xf32, #tpu.memory_space<vmem>> -> memref<32x1024xf32, #tpu.memory_space<vmem>>
    %dma_start3A_1091 = arith.constant 0 : i32
    %dma_start3A_1092 = tpu.memref_slice %arg2[%add3A_1076, %dma_start3A_1091] : memref<8192x1024xf32, #tpu.memory_space<hbm>> -> memref<32x1024xf32, #tpu.memory_space<hbm>>
    tpu.enqueue_dma source(%dma_start3A_1092 : memref<32x1024xf32, #tpu.memory_space<hbm>>) target(%dma_start3A_1090 : memref<32x1024xf32, #tpu.memory_space<vmem>>) target_semaphore(%dma_start3A_1086 : memref<!tpu.dma_semaphore, #tpu.memory_space<semaphore_mem>>)
    %add3A_1093 = arith.constant 160 : i32
    %add3A_1094 = arith.addi %mul3A_2, %add3A_1093 : i32
    %add3A_1095 = arith.constant 160 : i32
    %add3A_1096 = arith.addi %mul3A_2, %add3A_1095 : i32
    %add3A_1097 = arith.constant 160 : i32
    %add3A_1098 = arith.addi %mul3A_2, %add3A_1097 : i32
    %add3A_1099 = arith.constant 160 : i32
    %add3A_1100 = arith.addi %mul3A_2, %add3A_1099 : i32
    %dma_start3A_1101 = arith.constant 2 : i32
    %dma_start3A_1102 = arith.constant 0 : i32
    %dma_start3A_1103 = arith.constant 2 : i32
    %dma_start3A_1104 = arith.constant 0 : i32
    %dma_start3A_1105 = arith.constant 0 : i32
    %dma_start3A_1106 = tpu.memref_slice %arg4[%dma_start3A_1101, %dma_start3A_1104, %dma_start3A_1105] : memref<3x32x1024xf32, #tpu.memory_space<vmem>> -> memref<1x32x1024xf32, #tpu.memory_space<vmem>>
    %dma_start3A_1107 = tpu.memref_squeeze %dma_start3A_1106 : memref<1x32x1024xf32, #tpu.memory_space<vmem>> -> memref<32x1024xf32, #tpu.memory_space<vmem>>
    %dma_start3A_1108 = arith.constant 0 : i32
    %dma_start3A_1109 = tpu.memref_slice %arg3[%dma_start3A_1102, %add3A_1094, %dma_start3A_1108] : memref<4x8192x1024xf32, #tpu.memory_space<hbm>> -> memref<1x32x1024xf32, #tpu.memory_space<hbm>>
    %dma_start3A_1110 = tpu.memref_squeeze %dma_start3A_1109 : memref<1x32x1024xf32, #tpu.memory_space<hbm>> -> memref<32x1024xf32, #tpu.memory_space<hbm>>
    %dma_start3A_1111 = tpu.memref_slice %arg6[%dma_start3A_1103] : memref<3x!tpu.dma_semaphore, #tpu.memory_space<semaphore_mem>> -> memref<1x!tpu.dma_semaphore, #tpu.memory_space<semaphore_mem>>
    %dma_start3A_1112 = tpu.memref_squeeze %dma_start3A_1111 : memref<1x!tpu.dma_semaphore, #tpu.memory_space<semaphore_mem>> -> memref<!tpu.dma_semaphore, #tpu.memory_space<semaphore_mem>>
    %dma_start3A_1113 = arith.constant 0 : i32
    %dma_start3A_1114 = tpu.memref_slice %arg3[%dma_start3A_1102, %add3A_1094, %dma_start3A_1113] : memref<4x8192x1024xf32, #tpu.memory_space<hbm>> -> memref<1x32x1024xf32, #tpu.memory_space<hbm>>
    %dma_start3A_1115 = tpu.memref_squeeze %dma_start3A_1114 : memref<1x32x1024xf32, #tpu.memory_space<hbm>> -> memref<32x1024xf32, #tpu.memory_space<hbm>>
    %dma_start3A_1116 = arith.constant 0 : i32
    %dma_start3A_1117 = arith.constant 0 : i32
    %dma_start3A_1118 = tpu.memref_slice %arg4[%dma_start3A_1101, %dma_start3A_1116, %dma_start3A_1117] : memref<3x32x1024xf32, #tpu.memory_space<vmem>> -> memref<1x32x1024xf32, #tpu.memory_space<vmem>>
    %dma_start3A_1119 = tpu.memref_squeeze %dma_start3A_1118 : memref<1x32x1024xf32, #tpu.memory_space<vmem>> -> memref<32x1024xf32, #tpu.memory_space<vmem>>
    tpu.enqueue_dma source(%dma_start3A_1119 : memref<32x1024xf32, #tpu.memory_space<vmem>>) target(%dma_start3A_1115 : memref<32x1024xf32, #tpu.memory_space<hbm>>) target_semaphore(%dma_start3A_1112 : memref<!tpu.dma_semaphore, #tpu.memory_space<semaphore_mem>>)
    %dma_start3A_1120 = arith.constant 2 : i32
    %dma_start3A_1121 = arith.constant 1 : i32
    %dma_start3A_1122 = arith.constant 2 : i32
    %dma_start3A_1123 = arith.constant 0 : i32
    %dma_start3A_1124 = arith.constant 0 : i32
    %dma_start3A_1125 = tpu.memref_slice %arg4[%dma_start3A_1120, %dma_start3A_1123, %dma_start3A_1124] : memref<3x32x1024xf32, #tpu.memory_space<vmem>> -> memref<1x32x1024xf32, #tpu.memory_space<vmem>>
    %dma_start3A_1126 = tpu.memref_squeeze %dma_start3A_1125 : memref<1x32x1024xf32, #tpu.memory_space<vmem>> -> memref<32x1024xf32, #tpu.memory_space<vmem>>
    %dma_start3A_1127 = arith.constant 0 : i32
    %dma_start3A_1128 = tpu.memref_slice %arg3[%dma_start3A_1121, %add3A_1096, %dma_start3A_1127] : memref<4x8192x1024xf32, #tpu.memory_space<hbm>> -> memref<1x32x1024xf32, #tpu.memory_space<hbm>>
    %dma_start3A_1129 = tpu.memref_squeeze %dma_start3A_1128 : memref<1x32x1024xf32, #tpu.memory_space<hbm>> -> memref<32x1024xf32, #tpu.memory_space<hbm>>
    %dma_start3A_1130 = tpu.memref_slice %arg6[%dma_start3A_1122] : memref<3x!tpu.dma_semaphore, #tpu.memory_space<semaphore_mem>> -> memref<1x!tpu.dma_semaphore, #tpu.memory_space<semaphore_mem>>
    %dma_start3A_1131 = tpu.memref_squeeze %dma_start3A_1130 : memref<1x!tpu.dma_semaphore, #tpu.memory_space<semaphore_mem>> -> memref<!tpu.dma_semaphore, #tpu.memory_space<semaphore_mem>>
    %dma_start3A_1132 = arith.constant 0 : i32
    %dma_start3A_1133 = tpu.memref_slice %arg3[%dma_start3A_1121, %add3A_1096, %dma_start3A_1132] : memref<4x8192x1024xf32, #tpu.memory_space<hbm>> -> memref<1x32x1024xf32, #tpu.memory_space<hbm>>
    %dma_start3A_1134 = tpu.memref_squeeze %dma_start3A_1133 : memref<1x32x1024xf32, #tpu.memory_space<hbm>> -> memref<32x1024xf32, #tpu.memory_space<hbm>>
    %dma_start3A_1135 = arith.constant 0 : i32
    %dma_start3A_1136 = arith.constant 0 : i32
    %dma_start3A_1137 = tpu.memref_slice %arg4[%dma_start3A_1120, %dma_start3A_1135, %dma_start3A_1136] : memref<3x32x1024xf32, #tpu.memory_space<vmem>> -> memref<1x32x1024xf32, #tpu.memory_space<vmem>>
    %dma_start3A_1138 = tpu.memref_squeeze %dma_start3A_1137 : memref<1x32x1024xf32, #tpu.memory_space<vmem>> -> memref<32x1024xf32, #tpu.memory_space<vmem>>
    tpu.enqueue_dma source(%dma_start3A_1138 : memref<32x1024xf32, #tpu.memory_space<vmem>>) target(%dma_start3A_1134 : memref<32x1024xf32, #tpu.memory_space<hbm>>) target_semaphore(%dma_start3A_1131 : memref<!tpu.dma_semaphore, #tpu.memory_space<semaphore_mem>>)
    %dma_start3A_1139 = arith.constant 2 : i32
    %dma_start3A_1140 = arith.constant 2 : i32
    %dma_start3A_1141 = arith.constant 2 : i32
    %dma_start3A_1142 = arith.constant 0 : i32
    %dma_start3A_1143 = arith.constant 0 : i32
    %dma_start3A_1144 = tpu.memref_slice %arg4[%dma_start3A_1139, %dma_start3A_1142, %dma_start3A_1143] : memref<3x32x1024xf32, #tpu.memory_space<vmem>> -> memref<1x32x1024xf32, #tpu.memory_space<vmem>>
    %dma_start3A_1145 = tpu.memref_squeeze %dma_start3A_1144 : memref<1x32x1024xf32, #tpu.memory_space<vmem>> -> memref<32x1024xf32, #tpu.memory_space<vmem>>
    %dma_start3A_1146 = arith.constant 0 : i32
    %dma_start3A_1147 = tpu.memref_slice %arg3[%dma_start3A_1140, %add3A_1098, %dma_start3A_1146] : memref<4x8192x1024xf32, #tpu.memory_space<hbm>> -> memref<1x32x1024xf32, #tpu.memory_space<hbm>>
    %dma_start3A_1148 = tpu.memref_squeeze %dma_start3A_1147 : memref<1x32x1024xf32, #tpu.memory_space<hbm>> -> memref<32x1024xf32, #tpu.memory_space<hbm>>
    %dma_start3A_1149 = tpu.memref_slice %arg6[%dma_start3A_1141] : memref<3x!tpu.dma_semaphore, #tpu.memory_space<semaphore_mem>> -> memref<1x!tpu.dma_semaphore, #tpu.memory_space<semaphore_mem>>
    %dma_start3A_1150 = tpu.memref_squeeze %dma_start3A_1149 : memref<1x!tpu.dma_semaphore, #tpu.memory_space<semaphore_mem>> -> memref<!tpu.dma_semaphore, #tpu.memory_space<semaphore_mem>>
    %dma_start3A_1151 = arith.constant 0 : i32
    %dma_start3A_1152 = tpu.memref_slice %arg3[%dma_start3A_1140, %add3A_1098, %dma_start3A_1151] : memref<4x8192x1024xf32, #tpu.memory_space<hbm>> -> memref<1x32x1024xf32, #tpu.memory_space<hbm>>
    %dma_start3A_1153 = tpu.memref_squeeze %dma_start3A_1152 : memref<1x32x1024xf32, #tpu.memory_space<hbm>> -> memref<32x1024xf32, #tpu.memory_space<hbm>>
    %dma_start3A_1154 = arith.constant 0 : i32
    %dma_start3A_1155 = arith.constant 0 : i32
    %dma_start3A_1156 = tpu.memref_slice %arg4[%dma_start3A_1139, %dma_start3A_1154, %dma_start3A_1155] : memref<3x32x1024xf32, #tpu.memory_space<vmem>> -> memref<1x32x1024xf32, #tpu.memory_space<vmem>>
    %dma_start3A_1157 = tpu.memref_squeeze %dma_start3A_1156 : memref<1x32x1024xf32, #tpu.memory_space<vmem>> -> memref<32x1024xf32, #tpu.memory_space<vmem>>
    tpu.enqueue_dma source(%dma_start3A_1157 : memref<32x1024xf32, #tpu.memory_space<vmem>>) target(%dma_start3A_1153 : memref<32x1024xf32, #tpu.memory_space<hbm>>) target_semaphore(%dma_start3A_1150 : memref<!tpu.dma_semaphore, #tpu.memory_space<semaphore_mem>>)
    %dma_start3A_1158 = arith.constant 2 : i32
    %dma_start3A_1159 = arith.constant 3 : i32
    %dma_start3A_1160 = arith.constant 2 : i32
    %dma_start3A_1161 = arith.constant 0 : i32
    %dma_start3A_1162 = arith.constant 0 : i32
    %dma_start3A_1163 = tpu.memref_slice %arg4[%dma_start3A_1158, %dma_start3A_1161, %dma_start3A_1162] : memref<3x32x1024xf32, #tpu.memory_space<vmem>> -> memref<1x32x1024xf32, #tpu.memory_space<vmem>>
    %dma_start3A_1164 = tpu.memref_squeeze %dma_start3A_1163 : memref<1x32x1024xf32, #tpu.memory_space<vmem>> -> memref<32x1024xf32, #tpu.memory_space<vmem>>
    %dma_start3A_1165 = arith.constant 0 : i32
    %dma_start3A_1166 = tpu.memref_slice %arg3[%dma_start3A_1159, %add3A_1100, %dma_start3A_1165] : memref<4x8192x1024xf32, #tpu.memory_space<hbm>> -> memref<1x32x1024xf32, #tpu.memory_space<hbm>>
    %dma_start3A_1167 = tpu.memref_squeeze %dma_start3A_1166 : memref<1x32x1024xf32, #tpu.memory_space<hbm>> -> memref<32x1024xf32, #tpu.memory_space<hbm>>
    %dma_start3A_1168 = tpu.memref_slice %arg6[%dma_start3A_1160] : memref<3x!tpu.dma_semaphore, #tpu.memory_space<semaphore_mem>> -> memref<1x!tpu.dma_semaphore, #tpu.memory_space<semaphore_mem>>
    %dma_start3A_1169 = tpu.memref_squeeze %dma_start3A_1168 : memref<1x!tpu.dma_semaphore, #tpu.memory_space<semaphore_mem>> -> memref<!tpu.dma_semaphore, #tpu.memory_space<semaphore_mem>>
    %dma_start3A_1170 = arith.constant 0 : i32
    %dma_start3A_1171 = tpu.memref_slice %arg3[%dma_start3A_1159, %add3A_1100, %dma_start3A_1170] : memref<4x8192x1024xf32, #tpu.memory_space<hbm>> -> memref<1x32x1024xf32, #tpu.memory_space<hbm>>
    %dma_start3A_1172 = tpu.memref_squeeze %dma_start3A_1171 : memref<1x32x1024xf32, #tpu.memory_space<hbm>> -> memref<32x1024xf32, #tpu.memory_space<hbm>>
    %dma_start3A_1173 = arith.constant 0 : i32
    %dma_start3A_1174 = arith.constant 0 : i32
    %dma_start3A_1175 = tpu.memref_slice %arg4[%dma_start3A_1158, %dma_start3A_1173, %dma_start3A_1174] : memref<3x32x1024xf32, #tpu.memory_space<vmem>> -> memref<1x32x1024xf32, #tpu.memory_space<vmem>>
    %dma_start3A_1176 = tpu.memref_squeeze %dma_start3A_1175 : memref<1x32x1024xf32, #tpu.memory_space<vmem>> -> memref<32x1024xf32, #tpu.memory_space<vmem>>
    tpu.enqueue_dma source(%dma_start3A_1176 : memref<32x1024xf32, #tpu.memory_space<vmem>>) target(%dma_start3A_1172 : memref<32x1024xf32, #tpu.memory_space<hbm>>) target_semaphore(%dma_start3A_1169 : memref<!tpu.dma_semaphore, #tpu.memory_space<semaphore_mem>>)
    %add3A_1177 = arith.constant 192 : i32
    %add3A_1178 = arith.addi %mul3A_2, %add3A_1177 : i32
    %dma_wait3A_1179 = arith.constant 0 : i32
    %dma_wait3A_1180 = arith.constant 0 : i32
    %dma_wait3A_1181 = arith.constant 0 : i32
    %dma_wait3A_1182 = arith.constant 0 : i32
    %dma_wait3A_1183 = tpu.memref_slice %arg4[%dma_wait3A_1179, %dma_wait3A_1181, %dma_wait3A_1182] : memref<3x32x1024xf32, #tpu.memory_space<vmem>> -> memref<1x32x1024xf32, #tpu.memory_space<vmem>>
    %dma_wait3A_1184 = tpu.memref_squeeze %dma_wait3A_1183 : memref<1x32x1024xf32, #tpu.memory_space<vmem>> -> memref<32x1024xf32, #tpu.memory_space<vmem>>
    %dma_wait3A_1185 = arith.constant 0 : i32
    %dma_wait3A_1186 = tpu.memref_slice %arg2[%add3A_1178, %dma_wait3A_1185] : memref<8192x1024xf32, #tpu.memory_space<hbm>> -> memref<32x1024xf32, #tpu.memory_space<hbm>>
    %dma_wait3A_1187 = tpu.memref_slice %arg5[%dma_wait3A_1180] : memref<3x!tpu.dma_semaphore, #tpu.memory_space<semaphore_mem>> -> memref<1x!tpu.dma_semaphore, #tpu.memory_space<semaphore_mem>>
    %dma_wait3A_1188 = tpu.memref_squeeze %dma_wait3A_1187 : memref<1x!tpu.dma_semaphore, #tpu.memory_space<semaphore_mem>> -> memref<!tpu.dma_semaphore, #tpu.memory_space<semaphore_mem>>
    %dma_wait3A_1189 = arith.constant 0 : i32
    %dma_wait3A_1190 = arith.constant 0 : i32
    %dma_wait3A_1191 = tpu.memref_slice %arg4[%dma_wait3A_1179, %dma_wait3A_1189, %dma_wait3A_1190] : memref<3x32x1024xf32, #tpu.memory_space<vmem>> -> memref<1x32x1024xf32, #tpu.memory_space<vmem>>
    %dma_wait3A_1192 = tpu.memref_squeeze %dma_wait3A_1191 : memref<1x32x1024xf32, #tpu.memory_space<vmem>> -> memref<32x1024xf32, #tpu.memory_space<vmem>>
    %dma_wait3A_1193 = arith.constant 0 : i32
    %dma_wait3A_1194 = tpu.memref_slice %arg2[%add3A_1178, %dma_wait3A_1193] : memref<8192x1024xf32, #tpu.memory_space<hbm>> -> memref<32x1024xf32, #tpu.memory_space<hbm>>
    tpu.wait_dma2 semaphore(%dma_wait3A_1188 : memref<!tpu.dma_semaphore, #tpu.memory_space<semaphore_mem>>) src(%dma_wait3A_1194 : memref<32x1024xf32, #tpu.memory_space<hbm>>) dst(%dma_wait3A_1192 : memref<32x1024xf32, #tpu.memory_space<vmem>>)
    %add3A_1195 = arith.constant 192 : i32
    %add3A_1196 = arith.addi %mul3A_2, %add3A_1195 : i32
    %add3A_1197 = arith.constant 192 : i32
    %add3A_1198 = arith.addi %mul3A_2, %add3A_1197 : i32
    %add3A_1199 = arith.constant 192 : i32
    %add3A_1200 = arith.addi %mul3A_2, %add3A_1199 : i32
    %add3A_1201 = arith.constant 192 : i32
    %add3A_1202 = arith.addi %mul3A_2, %add3A_1201 : i32
    %dma_start3A_1203 = arith.constant 0 : i32
    %dma_start3A_1204 = arith.constant 0 : i32
    %dma_start3A_1205 = arith.constant 0 : i32
    %dma_start3A_1206 = arith.constant 0 : i32
    %dma_start3A_1207 = arith.constant 0 : i32
    %dma_start3A_1208 = tpu.memref_slice %arg4[%dma_start3A_1203, %dma_start3A_1206, %dma_start3A_1207] : memref<3x32x1024xf32, #tpu.memory_space<vmem>> -> memref<1x32x1024xf32, #tpu.memory_space<vmem>>
    %dma_start3A_1209 = tpu.memref_squeeze %dma_start3A_1208 : memref<1x32x1024xf32, #tpu.memory_space<vmem>> -> memref<32x1024xf32, #tpu.memory_space<vmem>>
    %dma_start3A_1210 = arith.constant 0 : i32
    %dma_start3A_1211 = tpu.memref_slice %arg3[%dma_start3A_1204, %add3A_1196, %dma_start3A_1210] : memref<4x8192x1024xf32, #tpu.memory_space<hbm>> -> memref<1x32x1024xf32, #tpu.memory_space<hbm>>
    %dma_start3A_1212 = tpu.memref_squeeze %dma_start3A_1211 : memref<1x32x1024xf32, #tpu.memory_space<hbm>> -> memref<32x1024xf32, #tpu.memory_space<hbm>>
    %dma_start3A_1213 = tpu.memref_slice %arg6[%dma_start3A_1205] : memref<3x!tpu.dma_semaphore, #tpu.memory_space<semaphore_mem>> -> memref<1x!tpu.dma_semaphore, #tpu.memory_space<semaphore_mem>>
    %dma_start3A_1214 = tpu.memref_squeeze %dma_start3A_1213 : memref<1x!tpu.dma_semaphore, #tpu.memory_space<semaphore_mem>> -> memref<!tpu.dma_semaphore, #tpu.memory_space<semaphore_mem>>
    %dma_start3A_1215 = arith.constant 0 : i32
    %dma_start3A_1216 = tpu.memref_slice %arg3[%dma_start3A_1204, %add3A_1196, %dma_start3A_1215] : memref<4x8192x1024xf32, #tpu.memory_space<hbm>> -> memref<1x32x1024xf32, #tpu.memory_space<hbm>>
    %dma_start3A_1217 = tpu.memref_squeeze %dma_start3A_1216 : memref<1x32x1024xf32, #tpu.memory_space<hbm>> -> memref<32x1024xf32, #tpu.memory_space<hbm>>
    %dma_start3A_1218 = arith.constant 0 : i32
    %dma_start3A_1219 = arith.constant 0 : i32
    %dma_start3A_1220 = tpu.memref_slice %arg4[%dma_start3A_1203, %dma_start3A_1218, %dma_start3A_1219] : memref<3x32x1024xf32, #tpu.memory_space<vmem>> -> memref<1x32x1024xf32, #tpu.memory_space<vmem>>
    %dma_start3A_1221 = tpu.memref_squeeze %dma_start3A_1220 : memref<1x32x1024xf32, #tpu.memory_space<vmem>> -> memref<32x1024xf32, #tpu.memory_space<vmem>>
    tpu.enqueue_dma source(%dma_start3A_1221 : memref<32x1024xf32, #tpu.memory_space<vmem>>) target(%dma_start3A_1217 : memref<32x1024xf32, #tpu.memory_space<hbm>>) target_semaphore(%dma_start3A_1214 : memref<!tpu.dma_semaphore, #tpu.memory_space<semaphore_mem>>)
    %dma_start3A_1222 = arith.constant 0 : i32
    %dma_start3A_1223 = arith.constant 1 : i32
    %dma_start3A_1224 = arith.constant 0 : i32
    %dma_start3A_1225 = arith.constant 0 : i32
    %dma_start3A_1226 = arith.constant 0 : i32
    %dma_start3A_1227 = tpu.memref_slice %arg4[%dma_start3A_1222, %dma_start3A_1225, %dma_start3A_1226] : memref<3x32x1024xf32, #tpu.memory_space<vmem>> -> memref<1x32x1024xf32, #tpu.memory_space<vmem>>
    %dma_start3A_1228 = tpu.memref_squeeze %dma_start3A_1227 : memref<1x32x1024xf32, #tpu.memory_space<vmem>> -> memref<32x1024xf32, #tpu.memory_space<vmem>>
    %dma_start3A_1229 = arith.constant 0 : i32
    %dma_start3A_1230 = tpu.memref_slice %arg3[%dma_start3A_1223, %add3A_1198, %dma_start3A_1229] : memref<4x8192x1024xf32, #tpu.memory_space<hbm>> -> memref<1x32x1024xf32, #tpu.memory_space<hbm>>
    %dma_start3A_1231 = tpu.memref_squeeze %dma_start3A_1230 : memref<1x32x1024xf32, #tpu.memory_space<hbm>> -> memref<32x1024xf32, #tpu.memory_space<hbm>>
    %dma_start3A_1232 = tpu.memref_slice %arg6[%dma_start3A_1224] : memref<3x!tpu.dma_semaphore, #tpu.memory_space<semaphore_mem>> -> memref<1x!tpu.dma_semaphore, #tpu.memory_space<semaphore_mem>>
    %dma_start3A_1233 = tpu.memref_squeeze %dma_start3A_1232 : memref<1x!tpu.dma_semaphore, #tpu.memory_space<semaphore_mem>> -> memref<!tpu.dma_semaphore, #tpu.memory_space<semaphore_mem>>
    %dma_start3A_1234 = arith.constant 0 : i32
    %dma_start3A_1235 = tpu.memref_slice %arg3[%dma_start3A_1223, %add3A_1198, %dma_start3A_1234] : memref<4x8192x1024xf32, #tpu.memory_space<hbm>> -> memref<1x32x1024xf32, #tpu.memory_space<hbm>>
    %dma_start3A_1236 = tpu.memref_squeeze %dma_start3A_1235 : memref<1x32x1024xf32, #tpu.memory_space<hbm>> -> memref<32x1024xf32, #tpu.memory_space<hbm>>
    %dma_start3A_1237 = arith.constant 0 : i32
    %dma_start3A_1238 = arith.constant 0 : i32
    %dma_start3A_1239 = tpu.memref_slice %arg4[%dma_start3A_1222, %dma_start3A_1237, %dma_start3A_1238] : memref<3x32x1024xf32, #tpu.memory_space<vmem>> -> memref<1x32x1024xf32, #tpu.memory_space<vmem>>
    %dma_start3A_1240 = tpu.memref_squeeze %dma_start3A_1239 : memref<1x32x1024xf32, #tpu.memory_space<vmem>> -> memref<32x1024xf32, #tpu.memory_space<vmem>>
    tpu.enqueue_dma source(%dma_start3A_1240 : memref<32x1024xf32, #tpu.memory_space<vmem>>) target(%dma_start3A_1236 : memref<32x1024xf32, #tpu.memory_space<hbm>>) target_semaphore(%dma_start3A_1233 : memref<!tpu.dma_semaphore, #tpu.memory_space<semaphore_mem>>)
    %dma_start3A_1241 = arith.constant 0 : i32
    %dma_start3A_1242 = arith.constant 2 : i32
    %dma_start3A_1243 = arith.constant 0 : i32
    %dma_start3A_1244 = arith.constant 0 : i32
    %dma_start3A_1245 = arith.constant 0 : i32
    %dma_start3A_1246 = tpu.memref_slice %arg4[%dma_start3A_1241, %dma_start3A_1244, %dma_start3A_1245] : memref<3x32x1024xf32, #tpu.memory_space<vmem>> -> memref<1x32x1024xf32, #tpu.memory_space<vmem>>
    %dma_start3A_1247 = tpu.memref_squeeze %dma_start3A_1246 : memref<1x32x1024xf32, #tpu.memory_space<vmem>> -> memref<32x1024xf32, #tpu.memory_space<vmem>>
    %dma_start3A_1248 = arith.constant 0 : i32
    %dma_start3A_1249 = tpu.memref_slice %arg3[%dma_start3A_1242, %add3A_1200, %dma_start3A_1248] : memref<4x8192x1024xf32, #tpu.memory_space<hbm>> -> memref<1x32x1024xf32, #tpu.memory_space<hbm>>
    %dma_start3A_1250 = tpu.memref_squeeze %dma_start3A_1249 : memref<1x32x1024xf32, #tpu.memory_space<hbm>> -> memref<32x1024xf32, #tpu.memory_space<hbm>>
    %dma_start3A_1251 = tpu.memref_slice %arg6[%dma_start3A_1243] : memref<3x!tpu.dma_semaphore, #tpu.memory_space<semaphore_mem>> -> memref<1x!tpu.dma_semaphore, #tpu.memory_space<semaphore_mem>>
    %dma_start3A_1252 = tpu.memref_squeeze %dma_start3A_1251 : memref<1x!tpu.dma_semaphore, #tpu.memory_space<semaphore_mem>> -> memref<!tpu.dma_semaphore, #tpu.memory_space<semaphore_mem>>
    %dma_start3A_1253 = arith.constant 0 : i32
    %dma_start3A_1254 = tpu.memref_slice %arg3[%dma_start3A_1242, %add3A_1200, %dma_start3A_1253] : memref<4x8192x1024xf32, #tpu.memory_space<hbm>> -> memref<1x32x1024xf32, #tpu.memory_space<hbm>>
    %dma_start3A_1255 = tpu.memref_squeeze %dma_start3A_1254 : memref<1x32x1024xf32, #tpu.memory_space<hbm>> -> memref<32x1024xf32, #tpu.memory_space<hbm>>
    %dma_start3A_1256 = arith.constant 0 : i32
    %dma_start3A_1257 = arith.constant 0 : i32
    %dma_start3A_1258 = tpu.memref_slice %arg4[%dma_start3A_1241, %dma_start3A_1256, %dma_start3A_1257] : memref<3x32x1024xf32, #tpu.memory_space<vmem>> -> memref<1x32x1024xf32, #tpu.memory_space<vmem>>
    %dma_start3A_1259 = tpu.memref_squeeze %dma_start3A_1258 : memref<1x32x1024xf32, #tpu.memory_space<vmem>> -> memref<32x1024xf32, #tpu.memory_space<vmem>>
    tpu.enqueue_dma source(%dma_start3A_1259 : memref<32x1024xf32, #tpu.memory_space<vmem>>) target(%dma_start3A_1255 : memref<32x1024xf32, #tpu.memory_space<hbm>>) target_semaphore(%dma_start3A_1252 : memref<!tpu.dma_semaphore, #tpu.memory_space<semaphore_mem>>)
    %dma_start3A_1260 = arith.constant 0 : i32
    %dma_start3A_1261 = arith.constant 3 : i32
    %dma_start3A_1262 = arith.constant 0 : i32
    %dma_start3A_1263 = arith.constant 0 : i32
    %dma_start3A_1264 = arith.constant 0 : i32
    %dma_start3A_1265 = tpu.memref_slice %arg4[%dma_start3A_1260, %dma_start3A_1263, %dma_start3A_1264] : memref<3x32x1024xf32, #tpu.memory_space<vmem>> -> memref<1x32x1024xf32, #tpu.memory_space<vmem>>
    %dma_start3A_1266 = tpu.memref_squeeze %dma_start3A_1265 : memref<1x32x1024xf32, #tpu.memory_space<vmem>> -> memref<32x1024xf32, #tpu.memory_space<vmem>>
    %dma_start3A_1267 = arith.constant 0 : i32
    %dma_start3A_1268 = tpu.memref_slice %arg3[%dma_start3A_1261, %add3A_1202, %dma_start3A_1267] : memref<4x8192x1024xf32, #tpu.memory_space<hbm>> -> memref<1x32x1024xf32, #tpu.memory_space<hbm>>
    %dma_start3A_1269 = tpu.memref_squeeze %dma_start3A_1268 : memref<1x32x1024xf32, #tpu.memory_space<hbm>> -> memref<32x1024xf32, #tpu.memory_space<hbm>>
    %dma_start3A_1270 = tpu.memref_slice %arg6[%dma_start3A_1262] : memref<3x!tpu.dma_semaphore, #tpu.memory_space<semaphore_mem>> -> memref<1x!tpu.dma_semaphore, #tpu.memory_space<semaphore_mem>>
    %dma_start3A_1271 = tpu.memref_squeeze %dma_start3A_1270 : memref<1x!tpu.dma_semaphore, #tpu.memory_space<semaphore_mem>> -> memref<!tpu.dma_semaphore, #tpu.memory_space<semaphore_mem>>
    %dma_start3A_1272 = arith.constant 0 : i32
    %dma_start3A_1273 = tpu.memref_slice %arg3[%dma_start3A_1261, %add3A_1202, %dma_start3A_1272] : memref<4x8192x1024xf32, #tpu.memory_space<hbm>> -> memref<1x32x1024xf32, #tpu.memory_space<hbm>>
    %dma_start3A_1274 = tpu.memref_squeeze %dma_start3A_1273 : memref<1x32x1024xf32, #tpu.memory_space<hbm>> -> memref<32x1024xf32, #tpu.memory_space<hbm>>
    %dma_start3A_1275 = arith.constant 0 : i32
    %dma_start3A_1276 = arith.constant 0 : i32
    %dma_start3A_1277 = tpu.memref_slice %arg4[%dma_start3A_1260, %dma_start3A_1275, %dma_start3A_1276] : memref<3x32x1024xf32, #tpu.memory_space<vmem>> -> memref<1x32x1024xf32, #tpu.memory_space<vmem>>
    %dma_start3A_1278 = tpu.memref_squeeze %dma_start3A_1277 : memref<1x32x1024xf32, #tpu.memory_space<vmem>> -> memref<32x1024xf32, #tpu.memory_space<vmem>>
    tpu.enqueue_dma source(%dma_start3A_1278 : memref<32x1024xf32, #tpu.memory_space<vmem>>) target(%dma_start3A_1274 : memref<32x1024xf32, #tpu.memory_space<hbm>>) target_semaphore(%dma_start3A_1271 : memref<!tpu.dma_semaphore, #tpu.memory_space<semaphore_mem>>)
    %add3A_1279 = arith.constant 224 : i32
    %add3A_1280 = arith.addi %mul3A_2, %add3A_1279 : i32
    %dma_wait3A_1281 = arith.constant 1 : i32
    %dma_wait3A_1282 = arith.constant 1 : i32
    %dma_wait3A_1283 = arith.constant 0 : i32
    %dma_wait3A_1284 = arith.constant 0 : i32
    %dma_wait3A_1285 = tpu.memref_slice %arg4[%dma_wait3A_1281, %dma_wait3A_1283, %dma_wait3A_1284] : memref<3x32x1024xf32, #tpu.memory_space<vmem>> -> memref<1x32x1024xf32, #tpu.memory_space<vmem>>
    %dma_wait3A_1286 = tpu.memref_squeeze %dma_wait3A_1285 : memref<1x32x1024xf32, #tpu.memory_space<vmem>> -> memref<32x1024xf32, #tpu.memory_space<vmem>>
    %dma_wait3A_1287 = arith.constant 0 : i32
    %dma_wait3A_1288 = tpu.memref_slice %arg2[%add3A_1280, %dma_wait3A_1287] : memref<8192x1024xf32, #tpu.memory_space<hbm>> -> memref<32x1024xf32, #tpu.memory_space<hbm>>
    %dma_wait3A_1289 = tpu.memref_slice %arg5[%dma_wait3A_1282] : memref<3x!tpu.dma_semaphore, #tpu.memory_space<semaphore_mem>> -> memref<1x!tpu.dma_semaphore, #tpu.memory_space<semaphore_mem>>
    %dma_wait3A_1290 = tpu.memref_squeeze %dma_wait3A_1289 : memref<1x!tpu.dma_semaphore, #tpu.memory_space<semaphore_mem>> -> memref<!tpu.dma_semaphore, #tpu.memory_space<semaphore_mem>>
    %dma_wait3A_1291 = arith.constant 0 : i32
    %dma_wait3A_1292 = arith.constant 0 : i32
    %dma_wait3A_1293 = tpu.memref_slice %arg4[%dma_wait3A_1281, %dma_wait3A_1291, %dma_wait3A_1292] : memref<3x32x1024xf32, #tpu.memory_space<vmem>> -> memref<1x32x1024xf32, #tpu.memory_space<vmem>>
    %dma_wait3A_1294 = tpu.memref_squeeze %dma_wait3A_1293 : memref<1x32x1024xf32, #tpu.memory_space<vmem>> -> memref<32x1024xf32, #tpu.memory_space<vmem>>
    %dma_wait3A_1295 = arith.constant 0 : i32
    %dma_wait3A_1296 = tpu.memref_slice %arg2[%add3A_1280, %dma_wait3A_1295] : memref<8192x1024xf32, #tpu.memory_space<hbm>> -> memref<32x1024xf32, #tpu.memory_space<hbm>>
    tpu.wait_dma2 semaphore(%dma_wait3A_1290 : memref<!tpu.dma_semaphore, #tpu.memory_space<semaphore_mem>>) src(%dma_wait3A_1296 : memref<32x1024xf32, #tpu.memory_space<hbm>>) dst(%dma_wait3A_1294 : memref<32x1024xf32, #tpu.memory_space<vmem>>)
    %add3A_1297 = arith.constant 224 : i32
    %add3A_1298 = arith.addi %mul3A_2, %add3A_1297 : i32
    %add3A_1299 = arith.constant 224 : i32
    %add3A_1300 = arith.addi %mul3A_2, %add3A_1299 : i32
    %add3A_1301 = arith.constant 224 : i32
    %add3A_1302 = arith.addi %mul3A_2, %add3A_1301 : i32
    %add3A_1303 = arith.constant 224 : i32
    %add3A_1304 = arith.addi %mul3A_2, %add3A_1303 : i32
    %dma_start3A_1305 = arith.constant 1 : i32
    %dma_start3A_1306 = arith.constant 0 : i32
    %dma_start3A_1307 = arith.constant 1 : i32
    %dma_start3A_1308 = arith.constant 0 : i32
    %dma_start3A_1309 = arith.constant 0 : i32
    %dma_start3A_1310 = tpu.memref_slice %arg4[%dma_start3A_1305, %dma_start3A_1308, %dma_start3A_1309] : memref<3x32x1024xf32, #tpu.memory_space<vmem>> -> memref<1x32x1024xf32, #tpu.memory_space<vmem>>
    %dma_start3A_1311 = tpu.memref_squeeze %dma_start3A_1310 : memref<1x32x1024xf32, #tpu.memory_space<vmem>> -> memref<32x1024xf32, #tpu.memory_space<vmem>>
    %dma_start3A_1312 = arith.constant 0 : i32
    %dma_start3A_1313 = tpu.memref_slice %arg3[%dma_start3A_1306, %add3A_1298, %dma_start3A_1312] : memref<4x8192x1024xf32, #tpu.memory_space<hbm>> -> memref<1x32x1024xf32, #tpu.memory_space<hbm>>
    %dma_start3A_1314 = tpu.memref_squeeze %dma_start3A_1313 : memref<1x32x1024xf32, #tpu.memory_space<hbm>> -> memref<32x1024xf32, #tpu.memory_space<hbm>>
    %dma_start3A_1315 = tpu.memref_slice %arg6[%dma_start3A_1307] : memref<3x!tpu.dma_semaphore, #tpu.memory_space<semaphore_mem>> -> memref<1x!tpu.dma_semaphore, #tpu.memory_space<semaphore_mem>>
    %dma_start3A_1316 = tpu.memref_squeeze %dma_start3A_1315 : memref<1x!tpu.dma_semaphore, #tpu.memory_space<semaphore_mem>> -> memref<!tpu.dma_semaphore, #tpu.memory_space<semaphore_mem>>
    %dma_start3A_1317 = arith.constant 0 : i32
    %dma_start3A_1318 = tpu.memref_slice %arg3[%dma_start3A_1306, %add3A_1298, %dma_start3A_1317] : memref<4x8192x1024xf32, #tpu.memory_space<hbm>> -> memref<1x32x1024xf32, #tpu.memory_space<hbm>>
    %dma_start3A_1319 = tpu.memref_squeeze %dma_start3A_1318 : memref<1x32x1024xf32, #tpu.memory_space<hbm>> -> memref<32x1024xf32, #tpu.memory_space<hbm>>
    %dma_start3A_1320 = arith.constant 0 : i32
    %dma_start3A_1321 = arith.constant 0 : i32
    %dma_start3A_1322 = tpu.memref_slice %arg4[%dma_start3A_1305, %dma_start3A_1320, %dma_start3A_1321] : memref<3x32x1024xf32, #tpu.memory_space<vmem>> -> memref<1x32x1024xf32, #tpu.memory_space<vmem>>
    %dma_start3A_1323 = tpu.memref_squeeze %dma_start3A_1322 : memref<1x32x1024xf32, #tpu.memory_space<vmem>> -> memref<32x1024xf32, #tpu.memory_space<vmem>>
    tpu.enqueue_dma source(%dma_start3A_1323 : memref<32x1024xf32, #tpu.memory_space<vmem>>) target(%dma_start3A_1319 : memref<32x1024xf32, #tpu.memory_space<hbm>>) target_semaphore(%dma_start3A_1316 : memref<!tpu.dma_semaphore, #tpu.memory_space<semaphore_mem>>)
    %dma_start3A_1324 = arith.constant 1 : i32
    %dma_start3A_1325 = arith.constant 1 : i32
    %dma_start3A_1326 = arith.constant 1 : i32
    %dma_start3A_1327 = arith.constant 0 : i32
    %dma_start3A_1328 = arith.constant 0 : i32
    %dma_start3A_1329 = tpu.memref_slice %arg4[%dma_start3A_1324, %dma_start3A_1327, %dma_start3A_1328] : memref<3x32x1024xf32, #tpu.memory_space<vmem>> -> memref<1x32x1024xf32, #tpu.memory_space<vmem>>
    %dma_start3A_1330 = tpu.memref_squeeze %dma_start3A_1329 : memref<1x32x1024xf32, #tpu.memory_space<vmem>> -> memref<32x1024xf32, #tpu.memory_space<vmem>>
    %dma_start3A_1331 = arith.constant 0 : i32
    %dma_start3A_1332 = tpu.memref_slice %arg3[%dma_start3A_1325, %add3A_1300, %dma_start3A_1331] : memref<4x8192x1024xf32, #tpu.memory_space<hbm>> -> memref<1x32x1024xf32, #tpu.memory_space<hbm>>
    %dma_start3A_1333 = tpu.memref_squeeze %dma_start3A_1332 : memref<1x32x1024xf32, #tpu.memory_space<hbm>> -> memref<32x1024xf32, #tpu.memory_space<hbm>>
    %dma_start3A_1334 = tpu.memref_slice %arg6[%dma_start3A_1326] : memref<3x!tpu.dma_semaphore, #tpu.memory_space<semaphore_mem>> -> memref<1x!tpu.dma_semaphore, #tpu.memory_space<semaphore_mem>>
    %dma_start3A_1335 = tpu.memref_squeeze %dma_start3A_1334 : memref<1x!tpu.dma_semaphore, #tpu.memory_space<semaphore_mem>> -> memref<!tpu.dma_semaphore, #tpu.memory_space<semaphore_mem>>
    %dma_start3A_1336 = arith.constant 0 : i32
    %dma_start3A_1337 = tpu.memref_slice %arg3[%dma_start3A_1325, %add3A_1300, %dma_start3A_1336] : memref<4x8192x1024xf32, #tpu.memory_space<hbm>> -> memref<1x32x1024xf32, #tpu.memory_space<hbm>>
    %dma_start3A_1338 = tpu.memref_squeeze %dma_start3A_1337 : memref<1x32x1024xf32, #tpu.memory_space<hbm>> -> memref<32x1024xf32, #tpu.memory_space<hbm>>
    %dma_start3A_1339 = arith.constant 0 : i32
    %dma_start3A_1340 = arith.constant 0 : i32
    %dma_start3A_1341 = tpu.memref_slice %arg4[%dma_start3A_1324, %dma_start3A_1339, %dma_start3A_1340] : memref<3x32x1024xf32, #tpu.memory_space<vmem>> -> memref<1x32x1024xf32, #tpu.memory_space<vmem>>
    %dma_start3A_1342 = tpu.memref_squeeze %dma_start3A_1341 : memref<1x32x1024xf32, #tpu.memory_space<vmem>> -> memref<32x1024xf32, #tpu.memory_space<vmem>>
    tpu.enqueue_dma source(%dma_start3A_1342 : memref<32x1024xf32, #tpu.memory_space<vmem>>) target(%dma_start3A_1338 : memref<32x1024xf32, #tpu.memory_space<hbm>>) target_semaphore(%dma_start3A_1335 : memref<!tpu.dma_semaphore, #tpu.memory_space<semaphore_mem>>)
    %dma_start3A_1343 = arith.constant 1 : i32
    %dma_start3A_1344 = arith.constant 2 : i32
    %dma_start3A_1345 = arith.constant 1 : i32
    %dma_start3A_1346 = arith.constant 0 : i32
    %dma_start3A_1347 = arith.constant 0 : i32
    %dma_start3A_1348 = tpu.memref_slice %arg4[%dma_start3A_1343, %dma_start3A_1346, %dma_start3A_1347] : memref<3x32x1024xf32, #tpu.memory_space<vmem>> -> memref<1x32x1024xf32, #tpu.memory_space<vmem>>
    %dma_start3A_1349 = tpu.memref_squeeze %dma_start3A_1348 : memref<1x32x1024xf32, #tpu.memory_space<vmem>> -> memref<32x1024xf32, #tpu.memory_space<vmem>>
    %dma_start3A_1350 = arith.constant 0 : i32
    %dma_start3A_1351 = tpu.memref_slice %arg3[%dma_start3A_1344, %add3A_1302, %dma_start3A_1350] : memref<4x8192x1024xf32, #tpu.memory_space<hbm>> -> memref<1x32x1024xf32, #tpu.memory_space<hbm>>
    %dma_start3A_1352 = tpu.memref_squeeze %dma_start3A_1351 : memref<1x32x1024xf32, #tpu.memory_space<hbm>> -> memref<32x1024xf32, #tpu.memory_space<hbm>>
    %dma_start3A_1353 = tpu.memref_slice %arg6[%dma_start3A_1345] : memref<3x!tpu.dma_semaphore, #tpu.memory_space<semaphore_mem>> -> memref<1x!tpu.dma_semaphore, #tpu.memory_space<semaphore_mem>>
    %dma_start3A_1354 = tpu.memref_squeeze %dma_start3A_1353 : memref<1x!tpu.dma_semaphore, #tpu.memory_space<semaphore_mem>> -> memref<!tpu.dma_semaphore, #tpu.memory_space<semaphore_mem>>
    %dma_start3A_1355 = arith.constant 0 : i32
    %dma_start3A_1356 = tpu.memref_slice %arg3[%dma_start3A_1344, %add3A_1302, %dma_start3A_1355] : memref<4x8192x1024xf32, #tpu.memory_space<hbm>> -> memref<1x32x1024xf32, #tpu.memory_space<hbm>>
    %dma_start3A_1357 = tpu.memref_squeeze %dma_start3A_1356 : memref<1x32x1024xf32, #tpu.memory_space<hbm>> -> memref<32x1024xf32, #tpu.memory_space<hbm>>
    %dma_start3A_1358 = arith.constant 0 : i32
    %dma_start3A_1359 = arith.constant 0 : i32
    %dma_start3A_1360 = tpu.memref_slice %arg4[%dma_start3A_1343, %dma_start3A_1358, %dma_start3A_1359] : memref<3x32x1024xf32, #tpu.memory_space<vmem>> -> memref<1x32x1024xf32, #tpu.memory_space<vmem>>
    %dma_start3A_1361 = tpu.memref_squeeze %dma_start3A_1360 : memref<1x32x1024xf32, #tpu.memory_space<vmem>> -> memref<32x1024xf32, #tpu.memory_space<vmem>>
    tpu.enqueue_dma source(%dma_start3A_1361 : memref<32x1024xf32, #tpu.memory_space<vmem>>) target(%dma_start3A_1357 : memref<32x1024xf32, #tpu.memory_space<hbm>>) target_semaphore(%dma_start3A_1354 : memref<!tpu.dma_semaphore, #tpu.memory_space<semaphore_mem>>)
    %dma_start3A_1362 = arith.constant 1 : i32
    %dma_start3A_1363 = arith.constant 3 : i32
    %dma_start3A_1364 = arith.constant 1 : i32
    %dma_start3A_1365 = arith.constant 0 : i32
    %dma_start3A_1366 = arith.constant 0 : i32
    %dma_start3A_1367 = tpu.memref_slice %arg4[%dma_start3A_1362, %dma_start3A_1365, %dma_start3A_1366] : memref<3x32x1024xf32, #tpu.memory_space<vmem>> -> memref<1x32x1024xf32, #tpu.memory_space<vmem>>
    %dma_start3A_1368 = tpu.memref_squeeze %dma_start3A_1367 : memref<1x32x1024xf32, #tpu.memory_space<vmem>> -> memref<32x1024xf32, #tpu.memory_space<vmem>>
    %dma_start3A_1369 = arith.constant 0 : i32
    %dma_start3A_1370 = tpu.memref_slice %arg3[%dma_start3A_1363, %add3A_1304, %dma_start3A_1369] : memref<4x8192x1024xf32, #tpu.memory_space<hbm>> -> memref<1x32x1024xf32, #tpu.memory_space<hbm>>
    %dma_start3A_1371 = tpu.memref_squeeze %dma_start3A_1370 : memref<1x32x1024xf32, #tpu.memory_space<hbm>> -> memref<32x1024xf32, #tpu.memory_space<hbm>>
    %dma_start3A_1372 = tpu.memref_slice %arg6[%dma_start3A_1364] : memref<3x!tpu.dma_semaphore, #tpu.memory_space<semaphore_mem>> -> memref<1x!tpu.dma_semaphore, #tpu.memory_space<semaphore_mem>>
    %dma_start3A_1373 = tpu.memref_squeeze %dma_start3A_1372 : memref<1x!tpu.dma_semaphore, #tpu.memory_space<semaphore_mem>> -> memref<!tpu.dma_semaphore, #tpu.memory_space<semaphore_mem>>
    %dma_start3A_1374 = arith.constant 0 : i32
    %dma_start3A_1375 = tpu.memref_slice %arg3[%dma_start3A_1363, %add3A_1304, %dma_start3A_1374] : memref<4x8192x1024xf32, #tpu.memory_space<hbm>> -> memref<1x32x1024xf32, #tpu.memory_space<hbm>>
    %dma_start3A_1376 = tpu.memref_squeeze %dma_start3A_1375 : memref<1x32x1024xf32, #tpu.memory_space<hbm>> -> memref<32x1024xf32, #tpu.memory_space<hbm>>
    %dma_start3A_1377 = arith.constant 0 : i32
    %dma_start3A_1378 = arith.constant 0 : i32
    %dma_start3A_1379 = tpu.memref_slice %arg4[%dma_start3A_1362, %dma_start3A_1377, %dma_start3A_1378] : memref<3x32x1024xf32, #tpu.memory_space<vmem>> -> memref<1x32x1024xf32, #tpu.memory_space<vmem>>
    %dma_start3A_1380 = tpu.memref_squeeze %dma_start3A_1379 : memref<1x32x1024xf32, #tpu.memory_space<vmem>> -> memref<32x1024xf32, #tpu.memory_space<vmem>>
    tpu.enqueue_dma source(%dma_start3A_1380 : memref<32x1024xf32, #tpu.memory_space<vmem>>) target(%dma_start3A_1376 : memref<32x1024xf32, #tpu.memory_space<hbm>>) target_semaphore(%dma_start3A_1373 : memref<!tpu.dma_semaphore, #tpu.memory_space<semaphore_mem>>)
    %add3A_1381 = arith.constant 160 : i32
    %add3A_1382 = arith.addi %mul3A_2, %add3A_1381 : i32
    %add3A_1383 = arith.constant 160 : i32
    %add3A_1384 = arith.addi %mul3A_2, %add3A_1383 : i32
    %add3A_1385 = arith.constant 160 : i32
    %add3A_1386 = arith.addi %mul3A_2, %add3A_1385 : i32
    %add3A_1387 = arith.constant 160 : i32
    %add3A_1388 = arith.addi %mul3A_2, %add3A_1387 : i32
    %dma_wait3A_1389 = arith.constant 2 : i32
    %dma_wait3A_1390 = arith.constant 0 : i32
    %dma_wait3A_1391 = arith.constant 2 : i32
    %dma_wait3A_1392 = arith.constant 0 : i32
    %dma_wait3A_1393 = arith.constant 0 : i32
    %dma_wait3A_1394 = tpu.memref_slice %arg4[%dma_wait3A_1389, %dma_wait3A_1392, %dma_wait3A_1393] : memref<3x32x1024xf32, #tpu.memory_space<vmem>> -> memref<1x32x1024xf32, #tpu.memory_space<vmem>>
    %dma_wait3A_1395 = tpu.memref_squeeze %dma_wait3A_1394 : memref<1x32x1024xf32, #tpu.memory_space<vmem>> -> memref<32x1024xf32, #tpu.memory_space<vmem>>
    %dma_wait3A_1396 = arith.constant 0 : i32
    %dma_wait3A_1397 = tpu.memref_slice %arg3[%dma_wait3A_1390, %add3A_1382, %dma_wait3A_1396] : memref<4x8192x1024xf32, #tpu.memory_space<hbm>> -> memref<1x32x1024xf32, #tpu.memory_space<hbm>>
    %dma_wait3A_1398 = tpu.memref_squeeze %dma_wait3A_1397 : memref<1x32x1024xf32, #tpu.memory_space<hbm>> -> memref<32x1024xf32, #tpu.memory_space<hbm>>
    %dma_wait3A_1399 = tpu.memref_slice %arg6[%dma_wait3A_1391] : memref<3x!tpu.dma_semaphore, #tpu.memory_space<semaphore_mem>> -> memref<1x!tpu.dma_semaphore, #tpu.memory_space<semaphore_mem>>
    %dma_wait3A_1400 = tpu.memref_squeeze %dma_wait3A_1399 : memref<1x!tpu.dma_semaphore, #tpu.memory_space<semaphore_mem>> -> memref<!tpu.dma_semaphore, #tpu.memory_space<semaphore_mem>>
    %dma_wait3A_1401 = arith.constant 0 : i32
    %dma_wait3A_1402 = tpu.memref_slice %arg3[%dma_wait3A_1390, %add3A_1382, %dma_wait3A_1401] : memref<4x8192x1024xf32, #tpu.memory_space<hbm>> -> memref<1x32x1024xf32, #tpu.memory_space<hbm>>
    %dma_wait3A_1403 = tpu.memref_squeeze %dma_wait3A_1402 : memref<1x32x1024xf32, #tpu.memory_space<hbm>> -> memref<32x1024xf32, #tpu.memory_space<hbm>>
    %dma_wait3A_1404 = arith.constant 0 : i32
    %dma_wait3A_1405 = arith.constant 0 : i32
    %dma_wait3A_1406 = tpu.memref_slice %arg4[%dma_wait3A_1389, %dma_wait3A_1404, %dma_wait3A_1405] : memref<3x32x1024xf32, #tpu.memory_space<vmem>> -> memref<1x32x1024xf32, #tpu.memory_space<vmem>>
    %dma_wait3A_1407 = tpu.memref_squeeze %dma_wait3A_1406 : memref<1x32x1024xf32, #tpu.memory_space<vmem>> -> memref<32x1024xf32, #tpu.memory_space<vmem>>
    tpu.wait_dma2 semaphore(%dma_wait3A_1400 : memref<!tpu.dma_semaphore, #tpu.memory_space<semaphore_mem>>) src(%dma_wait3A_1407 : memref<32x1024xf32, #tpu.memory_space<vmem>>) dst(%dma_wait3A_1403 : memref<32x1024xf32, #tpu.memory_space<hbm>>)
    %dma_wait3A_1408 = arith.constant 2 : i32
    %dma_wait3A_1409 = arith.constant 1 : i32
    %dma_wait3A_1410 = arith.constant 2 : i32
    %dma_wait3A_1411 = arith.constant 0 : i32
    %dma_wait3A_1412 = arith.constant 0 : i32
    %dma_wait3A_1413 = tpu.memref_slice %arg4[%dma_wait3A_1408, %dma_wait3A_1411, %dma_wait3A_1412] : memref<3x32x1024xf32, #tpu.memory_space<vmem>> -> memref<1x32x1024xf32, #tpu.memory_space<vmem>>
    %dma_wait3A_1414 = tpu.memref_squeeze %dma_wait3A_1413 : memref<1x32x1024xf32, #tpu.memory_space<vmem>> -> memref<32x1024xf32, #tpu.memory_space<vmem>>
    %dma_wait3A_1415 = arith.constant 0 : i32
    %dma_wait3A_1416 = tpu.memref_slice %arg3[%dma_wait3A_1409, %add3A_1384, %dma_wait3A_1415] : memref<4x8192x1024xf32, #tpu.memory_space<hbm>> -> memref<1x32x1024xf32, #tpu.memory_space<hbm>>
    %dma_wait3A_1417 = tpu.memref_squeeze %dma_wait3A_1416 : memref<1x32x1024xf32, #tpu.memory_space<hbm>> -> memref<32x1024xf32, #tpu.memory_space<hbm>>
    %dma_wait3A_1418 = tpu.memref_slice %arg6[%dma_wait3A_1410] : memref<3x!tpu.dma_semaphore, #tpu.memory_space<semaphore_mem>> -> memref<1x!tpu.dma_semaphore, #tpu.memory_space<semaphore_mem>>
    %dma_wait3A_1419 = tpu.memref_squeeze %dma_wait3A_1418 : memref<1x!tpu.dma_semaphore, #tpu.memory_space<semaphore_mem>> -> memref<!tpu.dma_semaphore, #tpu.memory_space<semaphore_mem>>
    %dma_wait3A_1420 = arith.constant 0 : i32
    %dma_wait3A_1421 = tpu.memref_slice %arg3[%dma_wait3A_1409, %add3A_1384, %dma_wait3A_1420] : memref<4x8192x1024xf32, #tpu.memory_space<hbm>> -> memref<1x32x1024xf32, #tpu.memory_space<hbm>>
    %dma_wait3A_1422 = tpu.memref_squeeze %dma_wait3A_1421 : memref<1x32x1024xf32, #tpu.memory_space<hbm>> -> memref<32x1024xf32, #tpu.memory_space<hbm>>
    %dma_wait3A_1423 = arith.constant 0 : i32
    %dma_wait3A_1424 = arith.constant 0 : i32
    %dma_wait3A_1425 = tpu.memref_slice %arg4[%dma_wait3A_1408, %dma_wait3A_1423, %dma_wait3A_1424] : memref<3x32x1024xf32, #tpu.memory_space<vmem>> -> memref<1x32x1024xf32, #tpu.memory_space<vmem>>
    %dma_wait3A_1426 = tpu.memref_squeeze %dma_wait3A_1425 : memref<1x32x1024xf32, #tpu.memory_space<vmem>> -> memref<32x1024xf32, #tpu.memory_space<vmem>>
    tpu.wait_dma2 semaphore(%dma_wait3A_1419 : memref<!tpu.dma_semaphore, #tpu.memory_space<semaphore_mem>>) src(%dma_wait3A_1426 : memref<32x1024xf32, #tpu.memory_space<vmem>>) dst(%dma_wait3A_1422 : memref<32x1024xf32, #tpu.memory_space<hbm>>)
    %dma_wait3A_1427 = arith.constant 2 : i32
    %dma_wait3A_1428 = arith.constant 2 : i32
    %dma_wait3A_1429 = arith.constant 2 : i32
    %dma_wait3A_1430 = arith.constant 0 : i32
    %dma_wait3A_1431 = arith.constant 0 : i32
    %dma_wait3A_1432 = tpu.memref_slice %arg4[%dma_wait3A_1427, %dma_wait3A_1430, %dma_wait3A_1431] : memref<3x32x1024xf32, #tpu.memory_space<vmem>> -> memref<1x32x1024xf32, #tpu.memory_space<vmem>>
    %dma_wait3A_1433 = tpu.memref_squeeze %dma_wait3A_1432 : memref<1x32x1024xf32, #tpu.memory_space<vmem>> -> memref<32x1024xf32, #tpu.memory_space<vmem>>
    %dma_wait3A_1434 = arith.constant 0 : i32
    %dma_wait3A_1435 = tpu.memref_slice %arg3[%dma_wait3A_1428, %add3A_1386, %dma_wait3A_1434] : memref<4x8192x1024xf32, #tpu.memory_space<hbm>> -> memref<1x32x1024xf32, #tpu.memory_space<hbm>>
    %dma_wait3A_1436 = tpu.memref_squeeze %dma_wait3A_1435 : memref<1x32x1024xf32, #tpu.memory_space<hbm>> -> memref<32x1024xf32, #tpu.memory_space<hbm>>
    %dma_wait3A_1437 = tpu.memref_slice %arg6[%dma_wait3A_1429] : memref<3x!tpu.dma_semaphore, #tpu.memory_space<semaphore_mem>> -> memref<1x!tpu.dma_semaphore, #tpu.memory_space<semaphore_mem>>
    %dma_wait3A_1438 = tpu.memref_squeeze %dma_wait3A_1437 : memref<1x!tpu.dma_semaphore, #tpu.memory_space<semaphore_mem>> -> memref<!tpu.dma_semaphore, #tpu.memory_space<semaphore_mem>>
    %dma_wait3A_1439 = arith.constant 0 : i32
    %dma_wait3A_1440 = tpu.memref_slice %arg3[%dma_wait3A_1428, %add3A_1386, %dma_wait3A_1439] : memref<4x8192x1024xf32, #tpu.memory_space<hbm>> -> memref<1x32x1024xf32, #tpu.memory_space<hbm>>
    %dma_wait3A_1441 = tpu.memref_squeeze %dma_wait3A_1440 : memref<1x32x1024xf32, #tpu.memory_space<hbm>> -> memref<32x1024xf32, #tpu.memory_space<hbm>>
    %dma_wait3A_1442 = arith.constant 0 : i32
    %dma_wait3A_1443 = arith.constant 0 : i32
    %dma_wait3A_1444 = tpu.memref_slice %arg4[%dma_wait3A_1427, %dma_wait3A_1442, %dma_wait3A_1443] : memref<3x32x1024xf32, #tpu.memory_space<vmem>> -> memref<1x32x1024xf32, #tpu.memory_space<vmem>>
    %dma_wait3A_1445 = tpu.memref_squeeze %dma_wait3A_1444 : memref<1x32x1024xf32, #tpu.memory_space<vmem>> -> memref<32x1024xf32, #tpu.memory_space<vmem>>
    tpu.wait_dma2 semaphore(%dma_wait3A_1438 : memref<!tpu.dma_semaphore, #tpu.memory_space<semaphore_mem>>) src(%dma_wait3A_1445 : memref<32x1024xf32, #tpu.memory_space<vmem>>) dst(%dma_wait3A_1441 : memref<32x1024xf32, #tpu.memory_space<hbm>>)
    %dma_wait3A_1446 = arith.constant 2 : i32
    %dma_wait3A_1447 = arith.constant 3 : i32
    %dma_wait3A_1448 = arith.constant 2 : i32
    %dma_wait3A_1449 = arith.constant 0 : i32
    %dma_wait3A_1450 = arith.constant 0 : i32
    %dma_wait3A_1451 = tpu.memref_slice %arg4[%dma_wait3A_1446, %dma_wait3A_1449, %dma_wait3A_1450] : memref<3x32x1024xf32, #tpu.memory_space<vmem>> -> memref<1x32x1024xf32, #tpu.memory_space<vmem>>
    %dma_wait3A_1452 = tpu.memref_squeeze %dma_wait3A_1451 : memref<1x32x1024xf32, #tpu.memory_space<vmem>> -> memref<32x1024xf32, #tpu.memory_space<vmem>>
    %dma_wait3A_1453 = arith.constant 0 : i32
    %dma_wait3A_1454 = tpu.memref_slice %arg3[%dma_wait3A_1447, %add3A_1388, %dma_wait3A_1453] : memref<4x8192x1024xf32, #tpu.memory_space<hbm>> -> memref<1x32x1024xf32, #tpu.memory_space<hbm>>
    %dma_wait3A_1455 = tpu.memref_squeeze %dma_wait3A_1454 : memref<1x32x1024xf32, #tpu.memory_space<hbm>> -> memref<32x1024xf32, #tpu.memory_space<hbm>>
    %dma_wait3A_1456 = tpu.memref_slice %arg6[%dma_wait3A_1448] : memref<3x!tpu.dma_semaphore, #tpu.memory_space<semaphore_mem>> -> memref<1x!tpu.dma_semaphore, #tpu.memory_space<semaphore_mem>>
    %dma_wait3A_1457 = tpu.memref_squeeze %dma_wait3A_1456 : memref<1x!tpu.dma_semaphore, #tpu.memory_space<semaphore_mem>> -> memref<!tpu.dma_semaphore, #tpu.memory_space<semaphore_mem>>
    %dma_wait3A_1458 = arith.constant 0 : i32
    %dma_wait3A_1459 = tpu.memref_slice %arg3[%dma_wait3A_1447, %add3A_1388, %dma_wait3A_1458] : memref<4x8192x1024xf32, #tpu.memory_space<hbm>> -> memref<1x32x1024xf32, #tpu.memory_space<hbm>>
    %dma_wait3A_1460 = tpu.memref_squeeze %dma_wait3A_1459 : memref<1x32x1024xf32, #tpu.memory_space<hbm>> -> memref<32x1024xf32, #tpu.memory_space<hbm>>
    %dma_wait3A_1461 = arith.constant 0 : i32
    %dma_wait3A_1462 = arith.constant 0 : i32
    %dma_wait3A_1463 = tpu.memref_slice %arg4[%dma_wait3A_1446, %dma_wait3A_1461, %dma_wait3A_1462] : memref<3x32x1024xf32, #tpu.memory_space<vmem>> -> memref<1x32x1024xf32, #tpu.memory_space<vmem>>
    %dma_wait3A_1464 = tpu.memref_squeeze %dma_wait3A_1463 : memref<1x32x1024xf32, #tpu.memory_space<vmem>> -> memref<32x1024xf32, #tpu.memory_space<vmem>>
    tpu.wait_dma2 semaphore(%dma_wait3A_1457 : memref<!tpu.dma_semaphore, #tpu.memory_space<semaphore_mem>>) src(%dma_wait3A_1464 : memref<32x1024xf32, #tpu.memory_space<vmem>>) dst(%dma_wait3A_1460 : memref<32x1024xf32, #tpu.memory_space<hbm>>)
    %add3A_1465 = arith.constant 192 : i32
    %add3A_1466 = arith.addi %mul3A_2, %add3A_1465 : i32
    %add3A_1467 = arith.constant 192 : i32
    %add3A_1468 = arith.addi %mul3A_2, %add3A_1467 : i32
    %add3A_1469 = arith.constant 192 : i32
    %add3A_1470 = arith.addi %mul3A_2, %add3A_1469 : i32
    %add3A_1471 = arith.constant 192 : i32
    %add3A_1472 = arith.addi %mul3A_2, %add3A_1471 : i32
    %dma_wait3A_1473 = arith.constant 0 : i32
    %dma_wait3A_1474 = arith.constant 0 : i32
    %dma_wait3A_1475 = arith.constant 0 : i32
    %dma_wait3A_1476 = arith.constant 0 : i32
    %dma_wait3A_1477 = arith.constant 0 : i32
    %dma_wait3A_1478 = tpu.memref_slice %arg4[%dma_wait3A_1473, %dma_wait3A_1476, %dma_wait3A_1477] : memref<3x32x1024xf32, #tpu.memory_space<vmem>> -> memref<1x32x1024xf32, #tpu.memory_space<vmem>>
    %dma_wait3A_1479 = tpu.memref_squeeze %dma_wait3A_1478 : memref<1x32x1024xf32, #tpu.memory_space<vmem>> -> memref<32x1024xf32, #tpu.memory_space<vmem>>
    %dma_wait3A_1480 = arith.constant 0 : i32
    %dma_wait3A_1481 = tpu.memref_slice %arg3[%dma_wait3A_1474, %add3A_1466, %dma_wait3A_1480] : memref<4x8192x1024xf32, #tpu.memory_space<hbm>> -> memref<1x32x1024xf32, #tpu.memory_space<hbm>>
    %dma_wait3A_1482 = tpu.memref_squeeze %dma_wait3A_1481 : memref<1x32x1024xf32, #tpu.memory_space<hbm>> -> memref<32x1024xf32, #tpu.memory_space<hbm>>
    %dma_wait3A_1483 = tpu.memref_slice %arg6[%dma_wait3A_1475] : memref<3x!tpu.dma_semaphore, #tpu.memory_space<semaphore_mem>> -> memref<1x!tpu.dma_semaphore, #tpu.memory_space<semaphore_mem>>
    %dma_wait3A_1484 = tpu.memref_squeeze %dma_wait3A_1483 : memref<1x!tpu.dma_semaphore, #tpu.memory_space<semaphore_mem>> -> memref<!tpu.dma_semaphore, #tpu.memory_space<semaphore_mem>>
    %dma_wait3A_1485 = arith.constant 0 : i32
    %dma_wait3A_1486 = tpu.memref_slice %arg3[%dma_wait3A_1474, %add3A_1466, %dma_wait3A_1485] : memref<4x8192x1024xf32, #tpu.memory_space<hbm>> -> memref<1x32x1024xf32, #tpu.memory_space<hbm>>
    %dma_wait3A_1487 = tpu.memref_squeeze %dma_wait3A_1486 : memref<1x32x1024xf32, #tpu.memory_space<hbm>> -> memref<32x1024xf32, #tpu.memory_space<hbm>>
    %dma_wait3A_1488 = arith.constant 0 : i32
    %dma_wait3A_1489 = arith.constant 0 : i32
    %dma_wait3A_1490 = tpu.memref_slice %arg4[%dma_wait3A_1473, %dma_wait3A_1488, %dma_wait3A_1489] : memref<3x32x1024xf32, #tpu.memory_space<vmem>> -> memref<1x32x1024xf32, #tpu.memory_space<vmem>>
    %dma_wait3A_1491 = tpu.memref_squeeze %dma_wait3A_1490 : memref<1x32x1024xf32, #tpu.memory_space<vmem>> -> memref<32x1024xf32, #tpu.memory_space<vmem>>
    tpu.wait_dma2 semaphore(%dma_wait3A_1484 : memref<!tpu.dma_semaphore, #tpu.memory_space<semaphore_mem>>) src(%dma_wait3A_1491 : memref<32x1024xf32, #tpu.memory_space<vmem>>) dst(%dma_wait3A_1487 : memref<32x1024xf32, #tpu.memory_space<hbm>>)
    %dma_wait3A_1492 = arith.constant 0 : i32
    %dma_wait3A_1493 = arith.constant 1 : i32
    %dma_wait3A_1494 = arith.constant 0 : i32
    %dma_wait3A_1495 = arith.constant 0 : i32
    %dma_wait3A_1496 = arith.constant 0 : i32
    %dma_wait3A_1497 = tpu.memref_slice %arg4[%dma_wait3A_1492, %dma_wait3A_1495, %dma_wait3A_1496] : memref<3x32x1024xf32, #tpu.memory_space<vmem>> -> memref<1x32x1024xf32, #tpu.memory_space<vmem>>
    %dma_wait3A_1498 = tpu.memref_squeeze %dma_wait3A_1497 : memref<1x32x1024xf32, #tpu.memory_space<vmem>> -> memref<32x1024xf32, #tpu.memory_space<vmem>>
    %dma_wait3A_1499 = arith.constant 0 : i32
    %dma_wait3A_1500 = tpu.memref_slice %arg3[%dma_wait3A_1493, %add3A_1468, %dma_wait3A_1499] : memref<4x8192x1024xf32, #tpu.memory_space<hbm>> -> memref<1x32x1024xf32, #tpu.memory_space<hbm>>
    %dma_wait3A_1501 = tpu.memref_squeeze %dma_wait3A_1500 : memref<1x32x1024xf32, #tpu.memory_space<hbm>> -> memref<32x1024xf32, #tpu.memory_space<hbm>>
    %dma_wait3A_1502 = tpu.memref_slice %arg6[%dma_wait3A_1494] : memref<3x!tpu.dma_semaphore, #tpu.memory_space<semaphore_mem>> -> memref<1x!tpu.dma_semaphore, #tpu.memory_space<semaphore_mem>>
    %dma_wait3A_1503 = tpu.memref_squeeze %dma_wait3A_1502 : memref<1x!tpu.dma_semaphore, #tpu.memory_space<semaphore_mem>> -> memref<!tpu.dma_semaphore, #tpu.memory_space<semaphore_mem>>
    %dma_wait3A_1504 = arith.constant 0 : i32
    %dma_wait3A_1505 = tpu.memref_slice %arg3[%dma_wait3A_1493, %add3A_1468, %dma_wait3A_1504] : memref<4x8192x1024xf32, #tpu.memory_space<hbm>> -> memref<1x32x1024xf32, #tpu.memory_space<hbm>>
    %dma_wait3A_1506 = tpu.memref_squeeze %dma_wait3A_1505 : memref<1x32x1024xf32, #tpu.memory_space<hbm>> -> memref<32x1024xf32, #tpu.memory_space<hbm>>
    %dma_wait3A_1507 = arith.constant 0 : i32
    %dma_wait3A_1508 = arith.constant 0 : i32
    %dma_wait3A_1509 = tpu.memref_slice %arg4[%dma_wait3A_1492, %dma_wait3A_1507, %dma_wait3A_1508] : memref<3x32x1024xf32, #tpu.memory_space<vmem>> -> memref<1x32x1024xf32, #tpu.memory_space<vmem>>
    %dma_wait3A_1510 = tpu.memref_squeeze %dma_wait3A_1509 : memref<1x32x1024xf32, #tpu.memory_space<vmem>> -> memref<32x1024xf32, #tpu.memory_space<vmem>>
    tpu.wait_dma2 semaphore(%dma_wait3A_1503 : memref<!tpu.dma_semaphore, #tpu.memory_space<semaphore_mem>>) src(%dma_wait3A_1510 : memref<32x1024xf32, #tpu.memory_space<vmem>>) dst(%dma_wait3A_1506 : memref<32x1024xf32, #tpu.memory_space<hbm>>)
    %dma_wait3A_1511 = arith.constant 0 : i32
    %dma_wait3A_1512 = arith.constant 2 : i32
    %dma_wait3A_1513 = arith.constant 0 : i32
    %dma_wait3A_1514 = arith.constant 0 : i32
    %dma_wait3A_1515 = arith.constant 0 : i32
    %dma_wait3A_1516 = tpu.memref_slice %arg4[%dma_wait3A_1511, %dma_wait3A_1514, %dma_wait3A_1515] : memref<3x32x1024xf32, #tpu.memory_space<vmem>> -> memref<1x32x1024xf32, #tpu.memory_space<vmem>>
    %dma_wait3A_1517 = tpu.memref_squeeze %dma_wait3A_1516 : memref<1x32x1024xf32, #tpu.memory_space<vmem>> -> memref<32x1024xf32, #tpu.memory_space<vmem>>
    %dma_wait3A_1518 = arith.constant 0 : i32
    %dma_wait3A_1519 = tpu.memref_slice %arg3[%dma_wait3A_1512, %add3A_1470, %dma_wait3A_1518] : memref<4x8192x1024xf32, #tpu.memory_space<hbm>> -> memref<1x32x1024xf32, #tpu.memory_space<hbm>>
    %dma_wait3A_1520 = tpu.memref_squeeze %dma_wait3A_1519 : memref<1x32x1024xf32, #tpu.memory_space<hbm>> -> memref<32x1024xf32, #tpu.memory_space<hbm>>
    %dma_wait3A_1521 = tpu.memref_slice %arg6[%dma_wait3A_1513] : memref<3x!tpu.dma_semaphore, #tpu.memory_space<semaphore_mem>> -> memref<1x!tpu.dma_semaphore, #tpu.memory_space<semaphore_mem>>
    %dma_wait3A_1522 = tpu.memref_squeeze %dma_wait3A_1521 : memref<1x!tpu.dma_semaphore, #tpu.memory_space<semaphore_mem>> -> memref<!tpu.dma_semaphore, #tpu.memory_space<semaphore_mem>>
    %dma_wait3A_1523 = arith.constant 0 : i32
    %dma_wait3A_1524 = tpu.memref_slice %arg3[%dma_wait3A_1512, %add3A_1470, %dma_wait3A_1523] : memref<4x8192x1024xf32, #tpu.memory_space<hbm>> -> memref<1x32x1024xf32, #tpu.memory_space<hbm>>
    %dma_wait3A_1525 = tpu.memref_squeeze %dma_wait3A_1524 : memref<1x32x1024xf32, #tpu.memory_space<hbm>> -> memref<32x1024xf32, #tpu.memory_space<hbm>>
    %dma_wait3A_1526 = arith.constant 0 : i32
    %dma_wait3A_1527 = arith.constant 0 : i32
    %dma_wait3A_1528 = tpu.memref_slice %arg4[%dma_wait3A_1511, %dma_wait3A_1526, %dma_wait3A_1527] : memref<3x32x1024xf32, #tpu.memory_space<vmem>> -> memref<1x32x1024xf32, #tpu.memory_space<vmem>>
    %dma_wait3A_1529 = tpu.memref_squeeze %dma_wait3A_1528 : memref<1x32x1024xf32, #tpu.memory_space<vmem>> -> memref<32x1024xf32, #tpu.memory_space<vmem>>
    tpu.wait_dma2 semaphore(%dma_wait3A_1522 : memref<!tpu.dma_semaphore, #tpu.memory_space<semaphore_mem>>) src(%dma_wait3A_1529 : memref<32x1024xf32, #tpu.memory_space<vmem>>) dst(%dma_wait3A_1525 : memref<32x1024xf32, #tpu.memory_space<hbm>>)
    %dma_wait3A_1530 = arith.constant 0 : i32
    %dma_wait3A_1531 = arith.constant 3 : i32
    %dma_wait3A_1532 = arith.constant 0 : i32
    %dma_wait3A_1533 = arith.constant 0 : i32
    %dma_wait3A_1534 = arith.constant 0 : i32
    %dma_wait3A_1535 = tpu.memref_slice %arg4[%dma_wait3A_1530, %dma_wait3A_1533, %dma_wait3A_1534] : memref<3x32x1024xf32, #tpu.memory_space<vmem>> -> memref<1x32x1024xf32, #tpu.memory_space<vmem>>
    %dma_wait3A_1536 = tpu.memref_squeeze %dma_wait3A_1535 : memref<1x32x1024xf32, #tpu.memory_space<vmem>> -> memref<32x1024xf32, #tpu.memory_space<vmem>>
    %dma_wait3A_1537 = arith.constant 0 : i32
    %dma_wait3A_1538 = tpu.memref_slice %arg3[%dma_wait3A_1531, %add3A_1472, %dma_wait3A_1537] : memref<4x8192x1024xf32, #tpu.memory_space<hbm>> -> memref<1x32x1024xf32, #tpu.memory_space<hbm>>
    %dma_wait3A_1539 = tpu.memref_squeeze %dma_wait3A_1538 : memref<1x32x1024xf32, #tpu.memory_space<hbm>> -> memref<32x1024xf32, #tpu.memory_space<hbm>>
    %dma_wait3A_1540 = tpu.memref_slice %arg6[%dma_wait3A_1532] : memref<3x!tpu.dma_semaphore, #tpu.memory_space<semaphore_mem>> -> memref<1x!tpu.dma_semaphore, #tpu.memory_space<semaphore_mem>>
    %dma_wait3A_1541 = tpu.memref_squeeze %dma_wait3A_1540 : memref<1x!tpu.dma_semaphore, #tpu.memory_space<semaphore_mem>> -> memref<!tpu.dma_semaphore, #tpu.memory_space<semaphore_mem>>
    %dma_wait3A_1542 = arith.constant 0 : i32
    %dma_wait3A_1543 = tpu.memref_slice %arg3[%dma_wait3A_1531, %add3A_1472, %dma_wait3A_1542] : memref<4x8192x1024xf32, #tpu.memory_space<hbm>> -> memref<1x32x1024xf32, #tpu.memory_space<hbm>>
    %dma_wait3A_1544 = tpu.memref_squeeze %dma_wait3A_1543 : memref<1x32x1024xf32, #tpu.memory_space<hbm>> -> memref<32x1024xf32, #tpu.memory_space<hbm>>
    %dma_wait3A_1545 = arith.constant 0 : i32
    %dma_wait3A_1546 = arith.constant 0 : i32
    %dma_wait3A_1547 = tpu.memref_slice %arg4[%dma_wait3A_1530, %dma_wait3A_1545, %dma_wait3A_1546] : memref<3x32x1024xf32, #tpu.memory_space<vmem>> -> memref<1x32x1024xf32, #tpu.memory_space<vmem>>
    %dma_wait3A_1548 = tpu.memref_squeeze %dma_wait3A_1547 : memref<1x32x1024xf32, #tpu.memory_space<vmem>> -> memref<32x1024xf32, #tpu.memory_space<vmem>>
    tpu.wait_dma2 semaphore(%dma_wait3A_1541 : memref<!tpu.dma_semaphore, #tpu.memory_space<semaphore_mem>>) src(%dma_wait3A_1548 : memref<32x1024xf32, #tpu.memory_space<vmem>>) dst(%dma_wait3A_1544 : memref<32x1024xf32, #tpu.memory_space<hbm>>)
    %add3A_1549 = arith.constant 224 : i32
    %add3A_1550 = arith.addi %mul3A_2, %add3A_1549 : i32
    %add3A_1551 = arith.constant 224 : i32
    %add3A_1552 = arith.addi %mul3A_2, %add3A_1551 : i32
    %add3A_1553 = arith.constant 224 : i32
    %add3A_1554 = arith.addi %mul3A_2, %add3A_1553 : i32
    %add3A_1555 = arith.constant 224 : i32
    %add3A_1556 = arith.addi %mul3A_2, %add3A_1555 : i32
    %dma_wait3A_1557 = arith.constant 1 : i32
    %dma_wait3A_1558 = arith.constant 0 : i32
    %dma_wait3A_1559 = arith.constant 1 : i32
    %dma_wait3A_1560 = arith.constant 0 : i32
    %dma_wait3A_1561 = arith.constant 0 : i32
    %dma_wait3A_1562 = tpu.memref_slice %arg4[%dma_wait3A_1557, %dma_wait3A_1560, %dma_wait3A_1561] : memref<3x32x1024xf32, #tpu.memory_space<vmem>> -> memref<1x32x1024xf32, #tpu.memory_space<vmem>>
    %dma_wait3A_1563 = tpu.memref_squeeze %dma_wait3A_1562 : memref<1x32x1024xf32, #tpu.memory_space<vmem>> -> memref<32x1024xf32, #tpu.memory_space<vmem>>
    %dma_wait3A_1564 = arith.constant 0 : i32
    %dma_wait3A_1565 = tpu.memref_slice %arg3[%dma_wait3A_1558, %add3A_1550, %dma_wait3A_1564] : memref<4x8192x1024xf32, #tpu.memory_space<hbm>> -> memref<1x32x1024xf32, #tpu.memory_space<hbm>>
    %dma_wait3A_1566 = tpu.memref_squeeze %dma_wait3A_1565 : memref<1x32x1024xf32, #tpu.memory_space<hbm>> -> memref<32x1024xf32, #tpu.memory_space<hbm>>
    %dma_wait3A_1567 = tpu.memref_slice %arg6[%dma_wait3A_1559] : memref<3x!tpu.dma_semaphore, #tpu.memory_space<semaphore_mem>> -> memref<1x!tpu.dma_semaphore, #tpu.memory_space<semaphore_mem>>
    %dma_wait3A_1568 = tpu.memref_squeeze %dma_wait3A_1567 : memref<1x!tpu.dma_semaphore, #tpu.memory_space<semaphore_mem>> -> memref<!tpu.dma_semaphore, #tpu.memory_space<semaphore_mem>>
    %dma_wait3A_1569 = arith.constant 0 : i32
    %dma_wait3A_1570 = tpu.memref_slice %arg3[%dma_wait3A_1558, %add3A_1550, %dma_wait3A_1569] : memref<4x8192x1024xf32, #tpu.memory_space<hbm>> -> memref<1x32x1024xf32, #tpu.memory_space<hbm>>
    %dma_wait3A_1571 = tpu.memref_squeeze %dma_wait3A_1570 : memref<1x32x1024xf32, #tpu.memory_space<hbm>> -> memref<32x1024xf32, #tpu.memory_space<hbm>>
    %dma_wait3A_1572 = arith.constant 0 : i32
    %dma_wait3A_1573 = arith.constant 0 : i32
    %dma_wait3A_1574 = tpu.memref_slice %arg4[%dma_wait3A_1557, %dma_wait3A_1572, %dma_wait3A_1573] : memref<3x32x1024xf32, #tpu.memory_space<vmem>> -> memref<1x32x1024xf32, #tpu.memory_space<vmem>>
    %dma_wait3A_1575 = tpu.memref_squeeze %dma_wait3A_1574 : memref<1x32x1024xf32, #tpu.memory_space<vmem>> -> memref<32x1024xf32, #tpu.memory_space<vmem>>
    tpu.wait_dma2 semaphore(%dma_wait3A_1568 : memref<!tpu.dma_semaphore, #tpu.memory_space<semaphore_mem>>) src(%dma_wait3A_1575 : memref<32x1024xf32, #tpu.memory_space<vmem>>) dst(%dma_wait3A_1571 : memref<32x1024xf32, #tpu.memory_space<hbm>>)
    %dma_wait3A_1576 = arith.constant 1 : i32
    %dma_wait3A_1577 = arith.constant 1 : i32
    %dma_wait3A_1578 = arith.constant 1 : i32
    %dma_wait3A_1579 = arith.constant 0 : i32
    %dma_wait3A_1580 = arith.constant 0 : i32
    %dma_wait3A_1581 = tpu.memref_slice %arg4[%dma_wait3A_1576, %dma_wait3A_1579, %dma_wait3A_1580] : memref<3x32x1024xf32, #tpu.memory_space<vmem>> -> memref<1x32x1024xf32, #tpu.memory_space<vmem>>
    %dma_wait3A_1582 = tpu.memref_squeeze %dma_wait3A_1581 : memref<1x32x1024xf32, #tpu.memory_space<vmem>> -> memref<32x1024xf32, #tpu.memory_space<vmem>>
    %dma_wait3A_1583 = arith.constant 0 : i32
    %dma_wait3A_1584 = tpu.memref_slice %arg3[%dma_wait3A_1577, %add3A_1552, %dma_wait3A_1583] : memref<4x8192x1024xf32, #tpu.memory_space<hbm>> -> memref<1x32x1024xf32, #tpu.memory_space<hbm>>
    %dma_wait3A_1585 = tpu.memref_squeeze %dma_wait3A_1584 : memref<1x32x1024xf32, #tpu.memory_space<hbm>> -> memref<32x1024xf32, #tpu.memory_space<hbm>>
    %dma_wait3A_1586 = tpu.memref_slice %arg6[%dma_wait3A_1578] : memref<3x!tpu.dma_semaphore, #tpu.memory_space<semaphore_mem>> -> memref<1x!tpu.dma_semaphore, #tpu.memory_space<semaphore_mem>>
    %dma_wait3A_1587 = tpu.memref_squeeze %dma_wait3A_1586 : memref<1x!tpu.dma_semaphore, #tpu.memory_space<semaphore_mem>> -> memref<!tpu.dma_semaphore, #tpu.memory_space<semaphore_mem>>
    %dma_wait3A_1588 = arith.constant 0 : i32
    %dma_wait3A_1589 = tpu.memref_slice %arg3[%dma_wait3A_1577, %add3A_1552, %dma_wait3A_1588] : memref<4x8192x1024xf32, #tpu.memory_space<hbm>> -> memref<1x32x1024xf32, #tpu.memory_space<hbm>>
    %dma_wait3A_1590 = tpu.memref_squeeze %dma_wait3A_1589 : memref<1x32x1024xf32, #tpu.memory_space<hbm>> -> memref<32x1024xf32, #tpu.memory_space<hbm>>
    %dma_wait3A_1591 = arith.constant 0 : i32
    %dma_wait3A_1592 = arith.constant 0 : i32
    %dma_wait3A_1593 = tpu.memref_slice %arg4[%dma_wait3A_1576, %dma_wait3A_1591, %dma_wait3A_1592] : memref<3x32x1024xf32, #tpu.memory_space<vmem>> -> memref<1x32x1024xf32, #tpu.memory_space<vmem>>
    %dma_wait3A_1594 = tpu.memref_squeeze %dma_wait3A_1593 : memref<1x32x1024xf32, #tpu.memory_space<vmem>> -> memref<32x1024xf32, #tpu.memory_space<vmem>>
    tpu.wait_dma2 semaphore(%dma_wait3A_1587 : memref<!tpu.dma_semaphore, #tpu.memory_space<semaphore_mem>>) src(%dma_wait3A_1594 : memref<32x1024xf32, #tpu.memory_space<vmem>>) dst(%dma_wait3A_1590 : memref<32x1024xf32, #tpu.memory_space<hbm>>)
    %dma_wait3A_1595 = arith.constant 1 : i32
    %dma_wait3A_1596 = arith.constant 2 : i32
    %dma_wait3A_1597 = arith.constant 1 : i32
    %dma_wait3A_1598 = arith.constant 0 : i32
    %dma_wait3A_1599 = arith.constant 0 : i32
    %dma_wait3A_1600 = tpu.memref_slice %arg4[%dma_wait3A_1595, %dma_wait3A_1598, %dma_wait3A_1599] : memref<3x32x1024xf32, #tpu.memory_space<vmem>> -> memref<1x32x1024xf32, #tpu.memory_space<vmem>>
    %dma_wait3A_1601 = tpu.memref_squeeze %dma_wait3A_1600 : memref<1x32x1024xf32, #tpu.memory_space<vmem>> -> memref<32x1024xf32, #tpu.memory_space<vmem>>
    %dma_wait3A_1602 = arith.constant 0 : i32
    %dma_wait3A_1603 = tpu.memref_slice %arg3[%dma_wait3A_1596, %add3A_1554, %dma_wait3A_1602] : memref<4x8192x1024xf32, #tpu.memory_space<hbm>> -> memref<1x32x1024xf32, #tpu.memory_space<hbm>>
    %dma_wait3A_1604 = tpu.memref_squeeze %dma_wait3A_1603 : memref<1x32x1024xf32, #tpu.memory_space<hbm>> -> memref<32x1024xf32, #tpu.memory_space<hbm>>
    %dma_wait3A_1605 = tpu.memref_slice %arg6[%dma_wait3A_1597] : memref<3x!tpu.dma_semaphore, #tpu.memory_space<semaphore_mem>> -> memref<1x!tpu.dma_semaphore, #tpu.memory_space<semaphore_mem>>
    %dma_wait3A_1606 = tpu.memref_squeeze %dma_wait3A_1605 : memref<1x!tpu.dma_semaphore, #tpu.memory_space<semaphore_mem>> -> memref<!tpu.dma_semaphore, #tpu.memory_space<semaphore_mem>>
    %dma_wait3A_1607 = arith.constant 0 : i32
    %dma_wait3A_1608 = tpu.memref_slice %arg3[%dma_wait3A_1596, %add3A_1554, %dma_wait3A_1607] : memref<4x8192x1024xf32, #tpu.memory_space<hbm>> -> memref<1x32x1024xf32, #tpu.memory_space<hbm>>
    %dma_wait3A_1609 = tpu.memref_squeeze %dma_wait3A_1608 : memref<1x32x1024xf32, #tpu.memory_space<hbm>> -> memref<32x1024xf32, #tpu.memory_space<hbm>>
    %dma_wait3A_1610 = arith.constant 0 : i32
    %dma_wait3A_1611 = arith.constant 0 : i32
    %dma_wait3A_1612 = tpu.memref_slice %arg4[%dma_wait3A_1595, %dma_wait3A_1610, %dma_wait3A_1611] : memref<3x32x1024xf32, #tpu.memory_space<vmem>> -> memref<1x32x1024xf32, #tpu.memory_space<vmem>>
    %dma_wait3A_1613 = tpu.memref_squeeze %dma_wait3A_1612 : memref<1x32x1024xf32, #tpu.memory_space<vmem>> -> memref<32x1024xf32, #tpu.memory_space<vmem>>
    tpu.wait_dma2 semaphore(%dma_wait3A_1606 : memref<!tpu.dma_semaphore, #tpu.memory_space<semaphore_mem>>) src(%dma_wait3A_1613 : memref<32x1024xf32, #tpu.memory_space<vmem>>) dst(%dma_wait3A_1609 : memref<32x1024xf32, #tpu.memory_space<hbm>>)
    %dma_wait3A_1614 = arith.constant 1 : i32
    %dma_wait3A_1615 = arith.constant 3 : i32
    %dma_wait3A_1616 = arith.constant 1 : i32
    %dma_wait3A_1617 = arith.constant 0 : i32
    %dma_wait3A_1618 = arith.constant 0 : i32
    %dma_wait3A_1619 = tpu.memref_slice %arg4[%dma_wait3A_1614, %dma_wait3A_1617, %dma_wait3A_1618] : memref<3x32x1024xf32, #tpu.memory_space<vmem>> -> memref<1x32x1024xf32, #tpu.memory_space<vmem>>
    %dma_wait3A_1620 = tpu.memref_squeeze %dma_wait3A_1619 : memref<1x32x1024xf32, #tpu.memory_space<vmem>> -> memref<32x1024xf32, #tpu.memory_space<vmem>>
    %dma_wait3A_1621 = arith.constant 0 : i32
    %dma_wait3A_1622 = tpu.memref_slice %arg3[%dma_wait3A_1615, %add3A_1556, %dma_wait3A_1621] : memref<4x8192x1024xf32, #tpu.memory_space<hbm>> -> memref<1x32x1024xf32, #tpu.memory_space<hbm>>
    %dma_wait3A_1623 = tpu.memref_squeeze %dma_wait3A_1622 : memref<1x32x1024xf32, #tpu.memory_space<hbm>> -> memref<32x1024xf32, #tpu.memory_space<hbm>>
    %dma_wait3A_1624 = tpu.memref_slice %arg6[%dma_wait3A_1616] : memref<3x!tpu.dma_semaphore, #tpu.memory_space<semaphore_mem>> -> memref<1x!tpu.dma_semaphore, #tpu.memory_space<semaphore_mem>>
    %dma_wait3A_1625 = tpu.memref_squeeze %dma_wait3A_1624 : memref<1x!tpu.dma_semaphore, #tpu.memory_space<semaphore_mem>> -> memref<!tpu.dma_semaphore, #tpu.memory_space<semaphore_mem>>
    %dma_wait3A_1626 = arith.constant 0 : i32
    %dma_wait3A_1627 = tpu.memref_slice %arg3[%dma_wait3A_1615, %add3A_1556, %dma_wait3A_1626] : memref<4x8192x1024xf32, #tpu.memory_space<hbm>> -> memref<1x32x1024xf32, #tpu.memory_space<hbm>>
    %dma_wait3A_1628 = tpu.memref_squeeze %dma_wait3A_1627 : memref<1x32x1024xf32, #tpu.memory_space<hbm>> -> memref<32x1024xf32, #tpu.memory_space<hbm>>
    %dma_wait3A_1629 = arith.constant 0 : i32
    %dma_wait3A_1630 = arith.constant 0 : i32
    %dma_wait3A_1631 = tpu.memref_slice %arg4[%dma_wait3A_1614, %dma_wait3A_1629, %dma_wait3A_1630] : memref<3x32x1024xf32, #tpu.memory_space<vmem>> -> memref<1x32x1024xf32, #tpu.memory_space<vmem>>
    %dma_wait3A_1632 = tpu.memref_squeeze %dma_wait3A_1631 : memref<1x32x1024xf32, #tpu.memory_space<vmem>> -> memref<32x1024xf32, #tpu.memory_space<vmem>>
    tpu.wait_dma2 semaphore(%dma_wait3A_1625 : memref<!tpu.dma_semaphore, #tpu.memory_space<semaphore_mem>>) src(%dma_wait3A_1632 : memref<32x1024xf32, #tpu.memory_space<vmem>>) dst(%dma_wait3A_1628 : memref<32x1024xf32, #tpu.memory_space<hbm>>)
    return
  }
}

</mosaic_0001>

<sc_bundles>
// kernel: kernel.3.cloned.1.call-start
scs
__scs_entry_jumppad:
0x0: {  	(pc) =	sbr.rel $0x88, $3  }
0x1: {  	(tag) =	ssettag $0x0;
	lr =	simm.s32 $0x1  }
0x2: {  	[smem:$0x3FA0] =	sst lr;
	_ =	strace $0xD0000000  }
0x3: {  	_ = 	snop  }
0x4: {  	_ = 	snop  }
0x5: {  	_ = 	snop  }
0x6: {  	_ = 	snop  }
0x7: {  	_ = 	snop  }
__scs_overlays_trampoline_lowered:
0x8: {  	[smem:$0x3FAF] =	sst s0  }
0x9: {  	[smem:$0x3FB0] =	sst s1  }
0xa: {  	[smem:$0x3FB1] =	sst s2  }
0xb: {  	[smem:$0x3FB2] =	sst s3  }
0xc: {  	[smem:$0x3FB3] =	sst s4  }
0xd: {  	[smem:$0x3FB4] =	sst s5  }
0xe: {  	[smem:$0x3FB5] =	sst s6  }
0xf: {  	[smem:$0x3FB6] =	sst s7  }
0x10: {  	[smem:$0x3FB7] =	sst s8  }
0x11: {  	[smem:$0x3FB8] =	sst s9;
	s0 =	simm.s32 @!p0 $0x0  }
0x12: {  	s1 =	sld [smem:$0x3F9E];
	s0 =	simm.s32 @p0 $0x1  }
0x13: {  	[smem:$0x3FB9] =	sst s0;
	s0 =	simm.s32 @!p1 $0x0  }
0x14: {  	s2 =	sld [smem:$0x3F9D];
	s0 =	simm.s32 @p1 $0x1  }
0x15: {  	[smem:$0x3FBA] =	sst s0;
	s0 =	simm.s32 @!p2 $0x0  }
0x16: {  	s3 =	sld [smem:$0x3FDB];
	s0 =	simm.s32 @p2 $0x1  }
0x17: {  	s4 =	simm.s32 $0x1BF5;
	[smem:$0x3FBC] =	sst s0  }
0x18: {  	s0 =	sld [smem:$0x3F9F];
	_ =	swait.ge [sflag:s4], $0x0  }
0x19: {  	s7 =	sld [smem:$0x3FA0]  }
0x1a: {  	s8 =	sadd.s32 $0xFFFFE003, lr  }
0x1b: {  	s9 =	sadd.s32 $0xFFFFFEF7, lr;
	s5 =	simm.s32 $0xFFFFFFFF;
	p2 =	slt.u32 s8, $0xFFFFF086  }
0x1c: {  	p1 =	slt.u32 s9, $0xF7A;
	s5 =	simm.s32 @!p2 $0x0  }
0x1d: {  	s5 =	simm.s32 @p1 $0x1;
	p0 =	seq.s32 s7, s2  }
0x1e: {  	s7 =	smul.u32 @!p0 $0xF7A, s2;
	p2 =	seq.s32 @!p0 s5, $0x0  }
0x1f: {  	s9 =	smul.u32 $0xF7A, s1;
	s8 =	simm.s32 @!p0 $0x1BF5;
	p2 =	por !p2, p0  }
0x20: {  	[sflag:s8] =	ssyncset.s32 @!p0 $0xFFFFF086;
	s6 =	sadd.s32 @!p0 s3, s7;
	s7 =	simm.s32 @!p0 $0x108  }
0x21: {  	s3 =	sadd.s32 s3, s9;
	s6 =	sadd.s32 @!p0 $0x88, s6;
	s7 =	simm.s32 @p2 $0x1082  }
0x22: {  	[simem:s7], [sflag:s8] =	dma.local @!p0 [hbm:s6], $0xF7A  }
0x23: {  	s9 =	sor.u32 $0xD0000000, s2;
	s6 =	simm.s32 $0x108;
	_ =	swait.ge @!p0 [sflag:s8], $0x0  }
0x24: {  	s3 =	sadd.s32 $0x88, s3;
	s6 =	simm.s32 @!p1 $0x1082;
	[sflag:s4] =	ssyncset.s32 $0xFFFFF086  }
0x25: {  	[simem:s6], [sflag:s4] =	dma.local [hbm:s3], $0xF7A  }
0x26: {  	[smem:$0x3FA0] =	sst s1;
	(tag) =	ssettag s2;
	_ =	strace s9  }
0x27: {  	s1 =	sld [smem:$0x3FB0]  }
0x28: {  	s2 =	sld [smem:$0x3FB1]  }
0x29: {  	s4 =	sld [smem:$0x3FB3]  }
0x2a: {  	p0 =	seq.s32 s5, $0x0;
	s5 =	sld [smem:$0x3FB4]  }
0x2b: {  	s6 =	sld [smem:$0x3FB5]  }
0x2c: {  	s7 =	sld [smem:$0x3FB6]  }
0x2d: {  	s3 =	simm.s32 $0x108;
	s8 =	sld [smem:$0x3FB7]  }
0x2e: {  	s3 =	simm.s32 @!p0 $0x1082;
	s9 =	sld [smem:$0x3FB8]  }
0x2f: {  	lr =	sadd.s32 s0, s3;
	s0 =	sld [smem:$0x3FAF]  }
0x30: {  	s3 =	sld [smem:$0x3FB2]  }
0x31: {  	[smem:$0x3FBB] =	sst s10  }
0x32: {  	s10 =	sld [smem:$0x3FB9];
	_ =	sdelay $0x3  }
0x33: {  	p0 =	seq.s32 s10, $0x1;
	s10 =	sld [smem:$0x3FBB];
	_ =	sdelay $0x3  }
0x34: {  	[smem:$0x3FBB] =	sst s10  }
0x35: {  	s10 =	sld [smem:$0x3FBA];
	_ =	sdelay $0x3  }
0x36: {  	p1 =	seq.s32 s10, $0x1;
	s10 =	sld [smem:$0x3FBB];
	_ =	sdelay $0x3  }
0x37: {  	[smem:$0x3FBB] =	sst s10  }
0x38: {  	s10 =	sld [smem:$0x3FBC]  }
0x39: {  	_ = 	snop;
	(pc) =	sbr.ind lr, $3  }
0x3a: {  	_ = 	snop  }
0x3b: {  	_ = 	snop  }
0x3c: {  	p2 =	seq.s32 s10, $0x1;
	s10 =	sld [smem:$0x3FBB]  }
0x3d: {  	_ =	shalt  }
0x3e: {  	_ =	shalt  }
0x3f: {  	_ =	shalt  }
0x40: {  	_ =	shalt  }
0x41: {  	_ =	shalt  }
0x42: {  	_ =	shalt  }
0x43: {  	_ =	shalt  }
0x44: {  	_ =	shalt  }
0x45: {  	_ =	shalt  }
0x46: {  	_ =	shalt  }
0x47: {  	_ =	shalt  }
0x48: {  	_ =	shalt  }
0x49: {  	_ =	shalt  }
0x4a: {  	_ =	shalt  }
0x4b: {  	_ =	shalt  }
0x4c: {  	_ =	shalt  }
0x4d: {  	_ =	shalt  }
0x4e: {  	_ =	shalt  }
0x4f: {  	_ =	shalt  }
0x50: {  	_ =	shalt  }
0x51: {  	_ =	shalt  }
0x52: {  	_ =	shalt  }
0x53: {  	_ =	shalt  }
0x54: {  	_ =	shalt  }
0x55: {  	_ =	shalt  }
0x56: {  	_ =	shalt  }
0x57: {  	_ =	shalt  }
0x58: {  	_ =	shalt  }
0x59: {  	_ =	shalt  }
0x5a: {  	_ =	shalt  }
0x5b: {  	_ =	shalt  }
0x5c: {  	_ =	shalt  }
0x5d: {  	_ =	shalt  }
0x5e: {  	_ =	shalt  }
0x5f: {  	_ =	shalt  }
0x60: {  	_ =	shalt  }
0x61: {  	_ =	shalt  }
0x62: {  	_ =	shalt  }
0x63: {  	_ =	shalt  }
0x64: {  	_ =	shalt  }
0x65: {  	_ =	shalt  }
0x66: {  	_ =	shalt  }
0x67: {  	_ =	shalt  }
0x68: {  	_ =	shalt  }
0x69: {  	_ =	shalt  }
0x6a: {  	_ =	shalt  }
0x6b: {  	_ =	shalt  }
0x6c: {  	_ =	shalt  }
0x6d: {  	_ =	shalt  }
0x6e: {  	_ =	shalt  }
0x6f: {  	_ =	shalt  }
0x70: {  	_ =	shalt  }
0x71: {  	_ =	shalt  }
0x72: {  	_ =	shalt  }
0x73: {  	_ =	shalt  }
0x74: {  	_ =	shalt  }
0x75: {  	_ =	shalt  }
0x76: {  	_ =	shalt  }
0x77: {  	_ =	shalt  }
0x78: {  	_ =	shalt  }
0x79: {  	_ =	shalt  }
0x7a: {  	_ =	shalt  }
0x7b: {  	_ =	shalt  }
0x7c: {  	_ =	shalt  }
0x7d: {  	_ =	shalt  }
0x7e: {  	_ =	shalt  }
0x7f: {  	_ =	shalt  }
0x80: {  	_ =	shalt  }
0x81: {  	_ =	shalt  }
0x82: {  	_ =	shalt  }
0x83: {  	_ =	shalt  }
0x84: {  	_ =	shalt  }
0x85: {  	_ =	shalt  }
0x86: {  	_ =	shalt  }
0x87: {  	_ =	shalt  }
.Lfunc_end0:
.L_simem_size_0:
called_computation_lowered:
.L_overlay_start_0:
0x88: {  	s2 =	sld [smem:$0x3FD9]  }
0x89: {  	s3 =	sld [smem:$0x3FFE];
	_ =	sdelay $0x1  }
0x8a: {  	s1 =	srdreg.scid  }
0x8b: {  	s0 =	sand.u32 $0x1, s1  }
0x8c: {  	s18 =	sshll.u32 s0, $0xA;
	s2 =	sadd.s32 s3, s2  }
0x8d: {  	s2 =	sadd.s32 s2, s18  }
0x8e: {  	[smem:$0x3FC7] =	sst s2  }
0x8f: {  	_ = 	snop  }
0x90: {  	s2 =	sld [smem:$0x3FC9]  }
0x91: {  	s19 =	sld [smem:$0x3FD0];
	(tm) =	ssettm $0x1  }
0x92: {  	s4 =	sld [smem:$0x3FFB];
	_ =	sdelay $0x3  }
0x93: {  	_ =	strace s4  }
0x94: {  	s4 =	sld [smem:$0x3FFC];
	_ =	sdelay $0x3  }
0x95: {  	_ =	strace s4  }
0x96: {  	s4 =	sld [smem:$0x3FFD];
	_ =	sdelay $0x3  }
0x97: {  	_ =	strace s4  }
0x98: {  	_ =	strace $0x8FFFFFFF  }
0x99: {  	s20 =	sld [smem:$0x3FDB];
	_ =	sdelay $0x1  }
0x9a: {  	s5 =	simm.s32 $_scs_section_size  }
0x9b: {  	s6 =	simm.s32 $_size__tile_overlayer_lowered;
	s7 =	simm.s32 $_tile_overlayer_lowered  }
0x9c: {  	s23 =	simm.s32 $0x1BFF;
	s22 =	sshll.u32 s7, $0x1;
	s4 =	sadd.s32 s5, s20  }
0x9d: {  	s8 =	simm.s32 $0x0;
	s21 =	sshll.u32 s6, $0x1;
	s6 =	sadd.s32 s22, s4  }
0x9e: {  	[timem:s8], [sflag:s23] =	dma.local [hbm:s6], s21  }
0x9f: {  	_ =	swait.ge [sflag:s23], s21  }
0xa0: {  	s5 =	ssub.s32 $0x0, s21;
	[sflag:s23] =	ssyncset.done $0x0  }
0xa1: {  	[sflag:s23] =	ssyncadd.s32 s5;
	_ =	sdelay $0x1  }
0xa2: {  	s24 =	simm.s32 $0x1B8B  }
0xa3: {  	_ =	swait.ge [sflag:s24], $0x1  }
0xa4: {  	[sflag:s24] =	ssyncset.done $0x0  }
0xa5: {  	s25 =	simm.s32 $0x1B8E;
	[sflag:s24] =	ssyncadd.s32 $0xFFFFFFFF  }
0xa6: {  	s26 =	simm.s32 $execute0_lowered;
	[smem:$0x3FD2] =	sst s25  }
0xa7: {  	s5 =	sshll.u32 s26, $0x1;
	_ =	strace $0x80000046;
	[dreg:$0x1] =	wrdreg $0xFFFFFFFF  }
0xa8: {  	s28 =	simm.s32 $_size_execute0_lowered;
	s4 =	sadd.s32 s4, s5;
	[dreg:$0x0] =	wrdreg $0x0  }
0xa9: {  	s5 =	sshll.u32 s28, $0x1;
	[dreg:$0x2] =	wrdreg s4  }
0xaa: {  	[dreg:$0x3] =	wrdreg s5  }
0xab: {  	[dreg:$0x4] =	wrdreg $0xC0  }
0xac: {  	_ =	task [dreg:s8], $0x5FFFF  }
0xad: {  	[dreg:$0x1] =	wrdreg $0xFFFFFFFF  }
0xae: {  	[dreg:$0x0] =	wrdreg $0x60  }
0xaf: {  	[dreg:$0x2] =	wrdreg s2  }
0xb0: {  	[dreg:$0x3] =	wrdreg s19  }
0xb1: {  	[dreg:$0x4] =	wrdreg $0x9  }
0xb2: {  	_ =	task.clear_ibuf [dreg:s8], $0x5FFFF;
	_ =	strace $0x90000046  }
0xb3: {  	s29 =	simm.s32 $0x9;
	_ =	strace $0x80000048  }
0xb4: {  	_ =	swait.ge [sflag:s29], $0x1  }
0xb5: {  	[sflag:s29] =	ssyncadd.s32 $0xFFFFFFFF  }
0xb6: {  	_ =	strace $0x90000048  }
0xb7: {  	_ =	sfence  }
0xb8: {  	s30 =	sld [smem:$0x0];
	_ =	sdelay $0x2  }
0xb9: {  	s31 =	sshll.u32 s1, $0xD;
	s1 =	sshrl.u32 s1, $0x2  }
0xba: {  	s3 =	sand.u32 $0x4000, s31;
	s1 =	sadd.s32 s1, s30  }
0xbb: {  	s0 =	sor.u32 s3, s0;
	s1 =	sshll.u32 s1, $0x11  }
0xbc: {  	s0 =	sor.u32 s1, s0  }
0xbd: {  	s0 =	sadd.s32 $0x8F2B, s0  }
0xbe: {  	[sflag:s0] =	ssyncadd.remote.s32 $0x1  }
0xbf: {  	_ =	sfence.sel $0xFFFF  }
0xc0: {  	[dreg:$0x0] =	wrdreg $0xFFFFFFFF;
	(pc) =	sbr.abs _section_cstart, $3  }
0xc1: {  	[dreg:$0x1] =	wrdreg $0xFFFFFFFF  }
0xc2: {  	_ =	task.clear_ibuf [dreg:s8], $0x2FFFF;
	_ =	strace $0x9FFFFFFF  }
0xc3: {  	(tm) =	ssettm $0x7FFFFFFF  }
tec
execute0_lowered:
.L_overlay_start_1:
0x0: {  	(tag) =	ssettag $0x1  }
0x1: {  	s3 =	rddreg [dreg:$0x0];
	s1 =	srdreg.scid  }
0x2: {  	s0 =	rddreg [dreg:$0x1];
	s4 =	stileid.u32;
	s1 =	sand.u32 $0x1, s1  }
0x3: {  	s2 =	simm.s32 $0x0;
	s4 =	sshll.u32 s4, $0x10;
	s5 =	sshll.u32 s1, $0xF  }
0x4: {  	[smem:$0x7FF] =	sst s2;
	s4 =	sor.u32 s5, s4  }
0x5: {  	_ =	strace $0x80000047;
	s5 =	sadd.s32 s3, s4;
	s6 =	sor.u32 $0x1000, s4  }
0x6: {  	s7 =	sor.u32 $0x2000, s4;
	[dreg:$0x3] =	wrdreg s5;
	s24 =	sadd.s32 s3, s6  }
0x7: {  	s31 =	sadd.s32 s0, s4;
	s25 =	sadd.s32 s3, s7;
	[dreg:$0x4] =	wrdreg s24  }
0x8: {  	s26 =	sadd.s32 $0x100000, s31;
	[dreg:$0x5] =	wrdreg s25  }
0x9: {  	s8 =	sadd.s32 $0x200000, s31;
	[dreg:$0x6] =	wrdreg s26  }
0xa: {  	p0 =	por $0x0, $0x0;
	s9 =	sadd.s32 $0x300000, s31;
	[dreg:$0x7] =	wrdreg s8  }
0xb: {  	s28 =	simm.s32 $0x10000;
	s11 =	sadd.s32 s0, s6;
	[dreg:$0x8] =	wrdreg s9  }
0xc: {  	s30 =	simm.s32 $0x3;
	s12 =	sadd.s32 $0x101000, s31;
	[dreg:$0xa] =	wrdreg s11  }
0xd: {  	s1 =	ssub.s32 $0x2, s1;
	s13 =	sadd.s32 $0x201000, s31;
	[dreg:$0xb] =	wrdreg s12  }
0xe: {  	s15 =	sor.u32 $0x4000, s4;
	s14 =	sadd.s32 $0x301000, s31;
	[dreg:$0xc] =	wrdreg s13  }
0xf: {  	s21 =	sor.u32 $0x5000, s4;
	s16 =	sadd.s32 s3, s15;
	[dreg:$0xd] =	wrdreg s14  }
0x10: {  	s17 =	sadd.s32 s0, s7;
	s18 =	sadd.s32 $0x102000, s31;
	[dreg:$0xe] =	wrdreg s16  }
0x11: {  	s19 =	sadd.s32 $0x202000, s31;
	s20 =	sadd.s32 $0x302000, s31;
	[dreg:$0xf] =	wrdreg s17  }
0x12: {  	s29 =	sadd.s32 $0x303000, s31;
	s23 =	sadd.s32 s0, s15;
	[dreg:$0x10] =	wrdreg s18  }
0x13: {  	s6 =	sadd.s32 $0x107000, s31;
	s7 =	sadd.s32 $0x207000, s31;
	[dreg:$0x11] =	wrdreg s19  }
0x14: {  	s8 =	sor.u32 $0x3000, s4;
	[dreg:$0x12] =	wrdreg s20;
	s9 =	sadd.s32 s3, s21  }
0x15: {  	s11 =	sadd.s32 $0x103000, s31;
	s12 =	sshrl.u32 s1, $0x1;
	s13 =	sadd.s32 $0x203000, s31  }
0x16: {  	s14 =	sor.u32 $0x6000, s4;
	s24 =	sadd.s32 $0x104000, s31;
	s25 =	sadd.s32 $0x204000, s31  }
0x17: {  	s4 =	sor.u32 $0x7000, s4;
	s26 =	sadd.s32 $0x304000, s31;
	s16 =	sadd.s32 s0, s21  }
0x18: {  	s17 =	sadd.s32 $0x105000, s31;
	s18 =	sadd.s32 $0x205000, s31;
	[dreg:$0x13] =	wrdreg s9  }
0x19: {  	s19 =	sadd.s32 $0x305000, s31;
	s21 =	simm.s32 $0x1;
	[dreg:$0x15] =	wrdreg s11  }
0x1a: {  	s10 =	sadd.s32 s3, s8;
	s1 =	ssub.s32 s1, s12;
	[dreg:$0x16] =	wrdreg s13  }
0x1b: {  	s22 =	sadd.s32 s3, s14;
	s15 =	sadd.s32 s3, s4;
	s20 =	smax.u32 s1, $0x1  }
0x1c: {  	s11 =	sadd.s32 s0, s14;
	s12 =	sadd.s32 $0x106000, s31;
	p1 =	sne.s32 s20, $0x1  }
.Ltmp0:
0x1d: {  	s13 =	sadd.s32 $0x206000, s31;
	s14 =	sadd.s32 $0x306000, s31;
	(pc) =	sbr.rel @!p1 .LBB2_5-.Ltmp0, $4  }
0x1e: {  	s5 =	sadd.s32 s0, s4;
	s4 =	simm.s32 $0x4;
	[dreg:$0x9] =	wrdreg s10  }
0x1f: {  	s3 =	simm.s32 $0x5;
	s10 =	sadd.s32 s0, s8;
	s1 =	rddreg [dreg:$0x3]  }
0x20: {  	s9 =	simm.s32 $0x6;
	s8 =	sadd.s32 $0x307000, s31;
	[dreg:$0x14] =	wrdreg s10  }
0x21: {  	s10 =	simm.s32 $0x8000;
	s0 =	sadd.s32 $0xFFFFFFFF, s20;
	s20 =	simm.s32 $0x2  }
0x22: {  	[dreg:$0x18] =	wrdreg s0  }
0x23: {  	[tilespmem:s2], [sflag:$0x1] =	stream.linear.gather [hbm4b:s1+s2], $0x8000, $0x38;
	[tilespmem:$0x18000] =	vst v63  }
0x24: {  	s0 =	rddreg [dreg:$0x4]  }
0x25: {  	[tilespmem:s10], [sflag:$0x2] =	stream.linear.gather [hbm4b:s0+s2], $0x8000, $0x38;
	[tilespmem:$0x18000] =	vst v63  }
0x26: {  	_ =	swait.ge [sflag:s21], $0x8000  }
0x27: {  	[sflag:s21] =	ssyncset.done $0x0  }
0x28: {  	s1 =	rddreg [dreg:$0x5];
	[sflag:s21] =	ssyncadd.s32 $0xFFFF8000  }
0x29: {  	[tilespmem:s28], [sflag:$0x3] =	stream.linear.gather [hbm4b:s1+s2], $0x8000, $0x38;
	[tilespmem:$0x18000] =	vst v63  }
0x2a: {  	_ = 	snop  }
0x2b: {  	[hbm4b:s31+s2] =	stream.linear.scatter [tilespmem:s2], [sflag:$0x4], $0x8000, $0x38;
	[tilespmem:$0x18000] =	vst v63  }
0x2c: {  	s0 =	rddreg [dreg:$0x6]  }
0x2d: {  	[hbm4b:s0+s2] =	stream.linear.scatter [tilespmem:s2], [sflag:$0x4], $0x8000, $0x38;
	[tilespmem:$0x18000] =	vst v63  }
0x2e: {  	s1 =	rddreg [dreg:$0x7]  }
0x2f: {  	[hbm4b:s1+s2] =	stream.linear.scatter [tilespmem:s2], [sflag:$0x4], $0x8000, $0x38;
	[tilespmem:$0x18000] =	vst v63  }
0x30: {  	s0 =	rddreg [dreg:$0x8]  }
0x31: {  	[hbm4b:s0+s2] =	stream.linear.scatter [tilespmem:s2], [sflag:$0x4], $0x8000, $0x38;
	[tilespmem:$0x18000] =	vst v63  }
0x32: {  	_ =	swait.ge [sflag:s20], $0x8000  }
0x33: {  	[sflag:s20] =	ssyncset.done $0x0  }
0x34: {  	[sflag:s20] =	ssyncadd.s32 $0xFFFF8000  }
0x35: {  	_ =	swait.ge [sflag:s4], $0x8000  }
0x36: {  	[sflag:s4] =	ssyncset.done $0x0  }
0x37: {  	[sflag:s4] =	ssyncadd.s32 $0xFFFF8000  }
0x38: {  	_ =	swait.ge [sflag:s4], $0x8000  }
0x39: {  	[sflag:s4] =	ssyncset.done $0x0  }
0x3a: {  	[sflag:s4] =	ssyncadd.s32 $0xFFFF8000  }
0x3b: {  	_ =	swait.ge [sflag:s4], $0x8000  }
0x3c: {  	[sflag:s4] =	ssyncset.done $0x0  }
0x3d: {  	[sflag:s4] =	ssyncadd.s32 $0xFFFF8000  }
0x3e: {  	_ =	swait.ge [sflag:s4], $0x8000  }
0x3f: {  	[sflag:s4] =	ssyncset.done $0x0  }
0x40: {  	s0 =	rddreg [dreg:$0x9];
	[sflag:s4] =	ssyncadd.s32 $0xFFFF8000  }
0x41: {  	[tilespmem:s2], [sflag:$0x1] =	stream.linear.gather [hbm4b:s0+s2], $0x8000, $0x38;
	[tilespmem:$0x18000] =	vst v63  }
0x42: {  	s1 =	rddreg [dreg:$0xa]  }
0x43: {  	[hbm4b:s1+s2] =	stream.linear.scatter [tilespmem:s10], [sflag:$0x5], $0x8000, $0x38;
	[tilespmem:$0x18000] =	vst v63  }
0x44: {  	s0 =	rddreg [dreg:$0xb]  }
0x45: {  	[hbm4b:s0+s2] =	stream.linear.scatter [tilespmem:s10], [sflag:$0x5], $0x8000, $0x38;
	[tilespmem:$0x18000] =	vst v63  }
0x46: {  	s1 =	rddreg [dreg:$0xc]  }
0x47: {  	[hbm4b:s1+s2] =	stream.linear.scatter [tilespmem:s10], [sflag:$0x5], $0x8000, $0x38;
	[tilespmem:$0x18000] =	vst v63  }
0x48: {  	s0 =	rddreg [dreg:$0xd]  }
0x49: {  	[hbm4b:s0+s2] =	stream.linear.scatter [tilespmem:s10], [sflag:$0x5], $0x8000, $0x38;
	[tilespmem:$0x18000] =	vst v63  }
0x4a: {  	_ =	swait.ge [sflag:s30], $0x8000  }
0x4b: {  	[sflag:s30] =	ssyncset.done $0x0  }
0x4c: {  	[sflag:s30] =	ssyncadd.s32 $0xFFFF8000  }
0x4d: {  	_ =	swait.ge [sflag:s3], $0x8000  }
0x4e: {  	[sflag:s3] =	ssyncset.done $0x0  }
0x4f: {  	[sflag:s3] =	ssyncadd.s32 $0xFFFF8000  }
0x50: {  	_ =	swait.ge [sflag:s3], $0x8000  }
0x51: {  	[sflag:s3] =	ssyncset.done $0x0  }
0x52: {  	[sflag:s3] =	ssyncadd.s32 $0xFFFF8000  }
0x53: {  	_ =	swait.ge [sflag:s3], $0x8000  }
0x54: {  	[sflag:s3] =	ssyncset.done $0x0  }
0x55: {  	[sflag:s3] =	ssyncadd.s32 $0xFFFF8000  }
0x56: {  	_ =	swait.ge [sflag:s3], $0x8000  }
0x57: {  	[sflag:s3] =	ssyncset.done $0x0  }
0x58: {  	s0 =	rddreg [dreg:$0xe];
	[sflag:s3] =	ssyncadd.s32 $0xFFFF8000  }
0x59: {  	[tilespmem:s10], [sflag:$0x2] =	stream.linear.gather [hbm4b:s0+s2], $0x8000, $0x38;
	[tilespmem:$0x18000] =	vst v63  }
0x5a: {  	s1 =	rddreg [dreg:$0xf]  }
0x5b: {  	[hbm4b:s1+s2] =	stream.linear.scatter [tilespmem:s28], [sflag:$0x6], $0x8000, $0x38;
	[tilespmem:$0x18000] =	vst v63  }
0x5c: {  	s0 =	rddreg [dreg:$0x10]  }
0x5d: {  	[hbm4b:s0+s2] =	stream.linear.scatter [tilespmem:s28], [sflag:$0x6], $0x8000, $0x38;
	[tilespmem:$0x18000] =	vst v63  }
0x5e: {  	s1 =	rddreg [dreg:$0x11]  }
0x5f: {  	[hbm4b:s1+s2] =	stream.linear.scatter [tilespmem:s28], [sflag:$0x6], $0x8000, $0x38;
	[tilespmem:$0x18000] =	vst v63  }
0x60: {  	s0 =	rddreg [dreg:$0x12]  }
0x61: {  	[hbm4b:s0+s2] =	stream.linear.scatter [tilespmem:s28], [sflag:$0x6], $0x8000, $0x38;
	[tilespmem:$0x18000] =	vst v63  }
0x62: {  	_ =	swait.ge [sflag:s21], $0x8000  }
0x63: {  	[sflag:s21] =	ssyncset.done $0x0  }
0x64: {  	[sflag:s21] =	ssyncadd.s32 $0xFFFF8000  }
0x65: {  	_ =	swait.ge [sflag:s9], $0x8000  }
0x66: {  	[sflag:s9] =	ssyncset.done $0x0  }
0x67: {  	[sflag:s9] =	ssyncadd.s32 $0xFFFF8000  }
0x68: {  	_ =	swait.ge [sflag:s9], $0x8000  }
0x69: {  	[sflag:s9] =	ssyncset.done $0x0  }
0x6a: {  	[sflag:s9] =	ssyncadd.s32 $0xFFFF8000  }
0x6b: {  	_ =	swait.ge [sflag:s9], $0x8000  }
0x6c: {  	[sflag:s9] =	ssyncset.done $0x0  }
0x6d: {  	[sflag:s9] =	ssyncadd.s32 $0xFFFF8000  }
0x6e: {  	_ =	swait.ge [sflag:s9], $0x8000  }
0x6f: {  	[sflag:s9] =	ssyncset.done $0x0  }
0x70: {  	s0 =	rddreg [dreg:$0x13];
	[sflag:s9] =	ssyncadd.s32 $0xFFFF8000  }
0x71: {  	[tilespmem:s28], [sflag:$0x3] =	stream.linear.gather [hbm4b:s0+s2], $0x8000, $0x38;
	[tilespmem:$0x18000] =	vst v63  }
0x72: {  	s1 =	rddreg [dreg:$0x14]  }
0x73: {  	[hbm4b:s1+s2] =	stream.linear.scatter [tilespmem:s2], [sflag:$0x4], $0x8000, $0x38;
	[tilespmem:$0x18000] =	vst v63  }
0x74: {  	s0 =	rddreg [dreg:$0x15]  }
0x75: {  	[hbm4b:s0+s2] =	stream.linear.scatter [tilespmem:s2], [sflag:$0x4], $0x8000, $0x38;
	[tilespmem:$0x18000] =	vst v63  }
0x76: {  	s1 =	rddreg [dreg:$0x16]  }
0x77: {  	[hbm4b:s1+s2] =	stream.linear.scatter [tilespmem:s2], [sflag:$0x4], $0x8000, $0x38;
	[tilespmem:$0x18000] =	vst v63  }
0x78: {  	_ = 	snop  }
0x79: {  	[hbm4b:s29+s2] =	stream.linear.scatter [tilespmem:s2], [sflag:$0x4], $0x8000, $0x38;
	[tilespmem:$0x18000] =	vst v63  }
0x7a: {  	_ =	swait.ge [sflag:s20], $0x8000  }
0x7b: {  	[sflag:s20] =	ssyncset.done $0x0  }
0x7c: {  	[sflag:s20] =	ssyncadd.s32 $0xFFFF8000  }
0x7d: {  	_ =	swait.ge [sflag:s4], $0x8000  }
0x7e: {  	[sflag:s4] =	ssyncset.done $0x0  }
0x7f: {  	[sflag:s4] =	ssyncadd.s32 $0xFFFF8000  }
0x80: {  	_ =	swait.ge [sflag:s4], $0x8000  }
0x81: {  	[sflag:s4] =	ssyncset.done $0x0  }
0x82: {  	[sflag:s4] =	ssyncadd.s32 $0xFFFF8000  }
0x83: {  	_ =	swait.ge [sflag:s4], $0x8000  }
0x84: {  	[sflag:s4] =	ssyncset.done $0x0  }
0x85: {  	[sflag:s4] =	ssyncadd.s32 $0xFFFF8000  }
0x86: {  	_ =	swait.ge [sflag:s4], $0x8000  }
0x87: {  	[sflag:s4] =	ssyncset.done $0x0  }
0x88: {  	[sflag:s4] =	ssyncadd.s32 $0xFFFF8000  }
0x89: {  	[tilespmem:s2], [sflag:$0x1] =	stream.linear.gather [hbm4b:s22+s2], $0x8000, $0x38;
	[tilespmem:$0x18000] =	vst v63  }
0x8a: {  	_ = 	snop  }
0x8b: {  	[hbm4b:s23+s2] =	stream.linear.scatter [tilespmem:s10], [sflag:$0x5], $0x8000, $0x38;
	[tilespmem:$0x18000] =	vst v63  }
0x8c: {  	_ = 	snop  }
0x8d: {  	[hbm4b:s24+s2] =	stream.linear.scatter [tilespmem:s10], [sflag:$0x5], $0x8000, $0x38;
	[tilespmem:$0x18000] =	vst v63  }
0x8e: {  	_ = 	snop  }
0x8f: {  	[hbm4b:s25+s2] =	stream.linear.scatter [tilespmem:s10], [sflag:$0x5], $0x8000, $0x38;
	[tilespmem:$0x18000] =	vst v63  }
0x90: {  	_ = 	snop  }
0x91: {  	[hbm4b:s26+s2] =	stream.linear.scatter [tilespmem:s10], [sflag:$0x5], $0x8000, $0x38;
	[tilespmem:$0x18000] =	vst v63  }
0x92: {  	_ =	swait.ge [sflag:s30], $0x8000  }
0x93: {  	[sflag:s30] =	ssyncset.done $0x0  }
0x94: {  	[sflag:s30] =	ssyncadd.s32 $0xFFFF8000  }
0x95: {  	_ =	swait.ge [sflag:s3], $0x8000  }
0x96: {  	[sflag:s3] =	ssyncset.done $0x0  }
0x97: {  	[sflag:s3] =	ssyncadd.s32 $0xFFFF8000  }
0x98: {  	_ =	swait.ge [sflag:s3], $0x8000  }
0x99: {  	[sflag:s3] =	ssyncset.done $0x0  }
0x9a: {  	[sflag:s3] =	ssyncadd.s32 $0xFFFF8000  }
0x9b: {  	_ =	swait.ge [sflag:s3], $0x8000  }
0x9c: {  	[sflag:s3] =	ssyncset.done $0x0  }
0x9d: {  	[sflag:s3] =	ssyncadd.s32 $0xFFFF8000  }
0x9e: {  	_ =	swait.ge [sflag:s3], $0x8000  }
0x9f: {  	[sflag:s3] =	ssyncset.done $0x0  }
0xa0: {  	[sflag:s3] =	ssyncadd.s32 $0xFFFF8000  }
0xa1: {  	[tilespmem:s10], [sflag:$0x2] =	stream.linear.gather [hbm4b:s15+s2], $0x8000, $0x38;
	[tilespmem:$0x18000] =	vst v63  }
0xa2: {  	_ = 	snop  }
0xa3: {  	[hbm4b:s16+s2] =	stream.linear.scatter [tilespmem:s28], [sflag:$0x6], $0x8000, $0x38;
	[tilespmem:$0x18000] =	vst v63  }
0xa4: {  	_ = 	snop  }
0xa5: {  	[hbm4b:s17+s2] =	stream.linear.scatter [tilespmem:s28], [sflag:$0x6], $0x8000, $0x38;
	[tilespmem:$0x18000] =	vst v63  }
0xa6: {  	_ = 	snop  }
0xa7: {  	[hbm4b:s18+s2] =	stream.linear.scatter [tilespmem:s28], [sflag:$0x6], $0x8000, $0x38;
	[tilespmem:$0x18000] =	vst v63  }
0xa8: {  	_ = 	snop  }
0xa9: {  	[hbm4b:s19+s2] =	stream.linear.scatter [tilespmem:s28], [sflag:$0x6], $0x8000, $0x38;
	[tilespmem:$0x18000] =	vst v63  }
0xaa: {  	_ =	swait.ge [sflag:s21], $0x8000  }
0xab: {  	[sflag:s21] =	ssyncset.done $0x0  }
0xac: {  	[sflag:s21] =	ssyncadd.s32 $0xFFFF8000  }
0xad: {  	[hbm4b:s11+s2] =	stream.linear.scatter [tilespmem:s2], [sflag:$0x4], $0x8000, $0x38;
	[tilespmem:$0x18000] =	vst v63  }
0xae: {  	_ = 	snop  }
0xaf: {  	[hbm4b:s12+s2] =	stream.linear.scatter [tilespmem:s2], [sflag:$0x4], $0x8000, $0x38;
	[tilespmem:$0x18000] =	vst v63  }
0xb0: {  	_ = 	snop  }
0xb1: {  	[hbm4b:s13+s2] =	stream.linear.scatter [tilespmem:s2], [sflag:$0x4], $0x8000, $0x38;
	[tilespmem:$0x18000] =	vst v63  }
0xb2: {  	_ = 	snop  }
0xb3: {  	[hbm4b:s14+s2] =	stream.linear.scatter [tilespmem:s2], [sflag:$0x4], $0x8000, $0x38;
	[tilespmem:$0x18000] =	vst v63  }
0xb4: {  	_ =	swait.ge [sflag:s20], $0x8000  }
0xb5: {  	[sflag:s20] =	ssyncset.done $0x0  }
0xb6: {  	[sflag:s20] =	ssyncadd.s32 $0xFFFF8000  }
0xb7: {  	[hbm4b:s5+s2] =	stream.linear.scatter [tilespmem:s10], [sflag:$0x5], $0x8000, $0x38;
	[tilespmem:$0x18000] =	vst v63  }
0xb8: {  	_ = 	snop  }
0xb9: {  	[hbm4b:s6+s2] =	stream.linear.scatter [tilespmem:s10], [sflag:$0x5], $0x8000, $0x38;
	[tilespmem:$0x18000] =	vst v63  }
0xba: {  	_ = 	snop  }
0xbb: {  	[hbm4b:s7+s2] =	stream.linear.scatter [tilespmem:s10], [sflag:$0x5], $0x8000, $0x38;
	[tilespmem:$0x18000] =	vst v63  }
0xbc: {  	_ = 	snop  }
0xbd: {  	[hbm4b:s8+s2] =	stream.linear.scatter [tilespmem:s10], [sflag:$0x5], $0x8000, $0x38;
	[tilespmem:$0x18000] =	vst v63  }
0xbe: {  	_ =	swait.ge [sflag:s9], $0x8000  }
0xbf: {  	[sflag:s9] =	ssyncset.done $0x0  }
0xc0: {  	[sflag:s9] =	ssyncadd.s32 $0xFFFF8000  }
0xc1: {  	_ =	swait.ge [sflag:s9], $0x8000  }
0xc2: {  	[sflag:s9] =	ssyncset.done $0x0  }
0xc3: {  	[sflag:s9] =	ssyncadd.s32 $0xFFFF8000  }
0xc4: {  	_ =	swait.ge [sflag:s9], $0x8000  }
0xc5: {  	[sflag:s9] =	ssyncset.done $0x0  }
0xc6: {  	[sflag:s9] =	ssyncadd.s32 $0xFFFF8000  }
0xc7: {  	_ =	swait.ge [sflag:s9], $0x8000  }
0xc8: {  	[sflag:s9] =	ssyncset.done $0x0  }
0xc9: {  	[sflag:s9] =	ssyncadd.s32 $0xFFFF8000  }
0xca: {  	_ =	swait.ge [sflag:s4], $0x8000  }
0xcb: {  	[sflag:s4] =	ssyncset.done $0x0  }
0xcc: {  	[sflag:s4] =	ssyncadd.s32 $0xFFFF8000  }
0xcd: {  	_ =	swait.ge [sflag:s4], $0x8000  }
0xce: {  	[sflag:s4] =	ssyncset.done $0x0  }
0xcf: {  	[sflag:s4] =	ssyncadd.s32 $0xFFFF8000  }
0xd0: {  	_ =	swait.ge [sflag:s4], $0x8000  }
0xd1: {  	[sflag:s4] =	ssyncset.done $0x0  }
0xd2: {  	[sflag:s4] =	ssyncadd.s32 $0xFFFF8000  }
0xd3: {  	_ =	swait.ge [sflag:s4], $0x8000  }
0xd4: {  	[sflag:s4] =	ssyncset.done $0x0  }
0xd5: {  	[sflag:s4] =	ssyncadd.s32 $0xFFFF8000  }
0xd6: {  	_ =	swait.ge [sflag:s3], $0x8000  }
0xd7: {  	[sflag:s3] =	ssyncset.done $0x0  }
0xd8: {  	[sflag:s3] =	ssyncadd.s32 $0xFFFF8000  }
0xd9: {  	_ =	swait.ge [sflag:s3], $0x8000  }
0xda: {  	[sflag:s3] =	ssyncset.done $0x0  }
0xdb: {  	[sflag:s3] =	ssyncadd.s32 $0xFFFF8000  }
0xdc: {  	_ =	swait.ge [sflag:s3], $0x8000  }
0xdd: {  	s1 =	rddreg [dreg:$0x18]  }
0xde: {  	p1 =	sne.s32 s1, $0x1  }
.Ltmp1:
0xdf: {  	_ = 	snop;
	(pc) =	sbr.rel @!p1 .LBB2_2-.Ltmp1, $4  }
0xe0: {  	[sflag:s3] =	ssyncset.done $0x0  }
0xe1: {  	[sflag:s3] =	ssyncadd.s32 $0xFFFF8000  }
0xe2: {  	p0 =	por $0x1, $0x1;
	_ =	swait.ge [sflag:s3], $0x8000;
	[dreg:$0x17] =	wrdreg s31  }
0xe3: {  	s0 =	sadd.s32 $0xFFFFFFFF, s1;
	s1 =	rddreg [dreg:$0x3];
	[sflag:s3] =	ssyncset.done $0x0  }
.LBB2_3:
0xe4: {  	[sflag:s3] =	ssyncadd.s32 $0xFFFF8000;
	s31 =	smov.u32 s29;
	s29 =	smov.u32 s26  }
0xe5: {  	s26 =	smov.u32 s25;
	s25 =	smov.u32 s24;
	s24 =	smov.u32 s23  }
0xe6: {  	s23 =	smov.u32 s22;
	s22 =	smov.u32 s19;
	s19 =	smov.u32 s18  }
0xe7: {  	s18 =	smov.u32 s17;
	s17 =	smov.u32 s16;
	s16 =	smov.u32 s15  }
0xe8: {  	s15 =	smov.u32 s14;
	s14 =	smov.u32 s13;
	s13 =	smov.u32 s12  }
0xe9: {  	s12 =	smov.u32 s11;
	s11 =	smov.u32 s8;
	s8 =	smov.u32 s7  }
0xea: {  	[tilespmem:s2], [sflag:$0x1] =	stream.linear.gather [hbm4b:s1+s2], $0x8000, $0x38;
	[tilespmem:$0x18000] =	vst v63  }
0xeb: {  	s7 =	smov.u32 s6;
	s6 =	smov.u32 s5;
	s5 =	rddreg [dreg:$0x4]  }
0xec: {  	[tilespmem:s10], [sflag:$0x2] =	stream.linear.gather [hbm4b:s5+s2], $0x8000, $0x38;
	[tilespmem:$0x18000] =	vst v63  }
0xed: {  	_ =	swait.ge [sflag:s21], $0x8000  }
0xee: {  	[sflag:s21] =	ssyncset.done $0x0  }
0xef: {  	s5 =	rddreg [dreg:$0x5];
	[sflag:s21] =	ssyncadd.s32 $0xFFFF8000  }
0xf0: {  	[tilespmem:s28], [sflag:$0x3] =	stream.linear.gather [hbm4b:s5+s2], $0x8000, $0x38;
	[tilespmem:$0x18000] =	vst v63  }
0xf1: {  	s5 =	rddreg [dreg:$0x17]  }
0xf2: {  	[hbm4b:s5+s2] =	stream.linear.scatter [tilespmem:s2], [sflag:$0x4], $0x8000, $0x38;
	[tilespmem:$0x18000] =	vst v63  }
0xf3: {  	s1 =	rddreg [dreg:$0x6]  }
0xf4: {  	[hbm4b:s1+s2] =	stream.linear.scatter [tilespmem:s2], [sflag:$0x4], $0x8000, $0x38;
	[tilespmem:$0x18000] =	vst v63  }
0xf5: {  	s5 =	rddreg [dreg:$0x7]  }
0xf6: {  	[hbm4b:s5+s2] =	stream.linear.scatter [tilespmem:s2], [sflag:$0x4], $0x8000, $0x38;
	[tilespmem:$0x18000] =	vst v63  }
0xf7: {  	s1 =	rddreg [dreg:$0x8]  }
0xf8: {  	[hbm4b:s1+s2] =	stream.linear.scatter [tilespmem:s2], [sflag:$0x4], $0x8000, $0x38;
	[tilespmem:$0x18000] =	vst v63  }
0xf9: {  	_ =	swait.ge [sflag:s20], $0x8000  }
0xfa: {  	[sflag:s20] =	ssyncset.done $0x0  }
0xfb: {  	[sflag:s20] =	ssyncadd.s32 $0xFFFF8000  }
0xfc: {  	_ =	swait.ge [sflag:s4], $0x8000  }
0xfd: {  	[sflag:s4] =	ssyncset.done $0x0  }
0xfe: {  	[sflag:s4] =	ssyncadd.s32 $0xFFFF8000  }
0xff: {  	_ =	swait.ge [sflag:s4], $0x8000  }
0x100: {  	[sflag:s4] =	ssyncset.done $0x0  }
0x101: {  	[sflag:s4] =	ssyncadd.s32 $0xFFFF8000  }
0x102: {  	_ =	swait.ge [sflag:s4], $0x8000  }
0x103: {  	[sflag:s4] =	ssyncset.done $0x0  }
0x104: {  	[sflag:s4] =	ssyncadd.s32 $0xFFFF8000  }
0x105: {  	_ =	swait.ge [sflag:s4], $0x8000  }
0x106: {  	[sflag:s4] =	ssyncset.done $0x0  }
0x107: {  	s1 =	rddreg [dreg:$0x9];
	[sflag:s4] =	ssyncadd.s32 $0xFFFF8000  }
0x108: {  	[tilespmem:s2], [sflag:$0x1] =	stream.linear.gather [hbm4b:s1+s2], $0x8000, $0x38;
	[tilespmem:$0x18000] =	vst v63  }
0x109: {  	s5 =	rddreg [dreg:$0xa]  }
0x10a: {  	[hbm4b:s5+s2] =	stream.linear.scatter [tilespmem:s10], [sflag:$0x5], $0x8000, $0x38;
	[tilespmem:$0x18000] =	vst v63  }
0x10b: {  	s1 =	rddreg [dreg:$0xb]  }
0x10c: {  	[hbm4b:s1+s2] =	stream.linear.scatter [tilespmem:s10], [sflag:$0x5], $0x8000, $0x38;
	[tilespmem:$0x18000] =	vst v63  }
0x10d: {  	s5 =	rddreg [dreg:$0xc]  }
0x10e: {  	[hbm4b:s5+s2] =	stream.linear.scatter [tilespmem:s10], [sflag:$0x5], $0x8000, $0x38;
	[tilespmem:$0x18000] =	vst v63  }
0x10f: {  	s1 =	rddreg [dreg:$0xd]  }
0x110: {  	[hbm4b:s1+s2] =	stream.linear.scatter [tilespmem:s10], [sflag:$0x5], $0x8000, $0x38;
	[tilespmem:$0x18000] =	vst v63  }
0x111: {  	_ =	swait.ge [sflag:s30], $0x8000  }
0x112: {  	[sflag:s30] =	ssyncset.done $0x0  }
0x113: {  	[sflag:s30] =	ssyncadd.s32 $0xFFFF8000  }
0x114: {  	_ =	swait.ge [sflag:s3], $0x8000  }
0x115: {  	[sflag:s3] =	ssyncset.done $0x0  }
0x116: {  	[sflag:s3] =	ssyncadd.s32 $0xFFFF8000  }
0x117: {  	_ =	swait.ge [sflag:s3], $0x8000  }
0x118: {  	[sflag:s3] =	ssyncset.done $0x0  }
0x119: {  	[sflag:s3] =	ssyncadd.s32 $0xFFFF8000  }
0x11a: {  	_ =	swait.ge [sflag:s3], $0x8000  }
0x11b: {  	[sflag:s3] =	ssyncset.done $0x0  }
0x11c: {  	[sflag:s3] =	ssyncadd.s32 $0xFFFF8000  }
0x11d: {  	_ =	swait.ge [sflag:s3], $0x8000  }
0x11e: {  	[sflag:s3] =	ssyncset.done $0x0  }
0x11f: {  	s1 =	rddreg [dreg:$0xe];
	[sflag:s3] =	ssyncadd.s32 $0xFFFF8000  }
0x120: {  	[tilespmem:s10], [sflag:$0x2] =	stream.linear.gather [hbm4b:s1+s2], $0x8000, $0x38;
	[tilespmem:$0x18000] =	vst v63  }
0x121: {  	s5 =	rddreg [dreg:$0xf]  }
0x122: {  	[hbm4b:s5+s2] =	stream.linear.scatter [tilespmem:s28], [sflag:$0x6], $0x8000, $0x38;
	[tilespmem:$0x18000] =	vst v63  }
0x123: {  	s1 =	rddreg [dreg:$0x10]  }
0x124: {  	[hbm4b:s1+s2] =	stream.linear.scatter [tilespmem:s28], [sflag:$0x6], $0x8000, $0x38;
	[tilespmem:$0x18000] =	vst v63  }
0x125: {  	s5 =	rddreg [dreg:$0x11]  }
0x126: {  	[hbm4b:s5+s2] =	stream.linear.scatter [tilespmem:s28], [sflag:$0x6], $0x8000, $0x38;
	[tilespmem:$0x18000] =	vst v63  }
0x127: {  	s1 =	rddreg [dreg:$0x12]  }
0x128: {  	[hbm4b:s1+s2] =	stream.linear.scatter [tilespmem:s28], [sflag:$0x6], $0x8000, $0x38;
	[tilespmem:$0x18000] =	vst v63  }
0x129: {  	_ =	swait.ge [sflag:s21], $0x8000  }
0x12a: {  	[sflag:s21] =	ssyncset.done $0x0  }
0x12b: {  	[sflag:s21] =	ssyncadd.s32 $0xFFFF8000  }
0x12c: {  	_ =	swait.ge [sflag:s9], $0x8000  }
0x12d: {  	[sflag:s9] =	ssyncset.done $0x0  }
0x12e: {  	[sflag:s9] =	ssyncadd.s32 $0xFFFF8000  }
0x12f: {  	_ =	swait.ge [sflag:s9], $0x8000  }
0x130: {  	[sflag:s9] =	ssyncset.done $0x0  }
0x131: {  	[sflag:s9] =	ssyncadd.s32 $0xFFFF8000  }
0x132: {  	_ =	swait.ge [sflag:s9], $0x8000  }
0x133: {  	[sflag:s9] =	ssyncset.done $0x0  }
0x134: {  	[sflag:s9] =	ssyncadd.s32 $0xFFFF8000  }
0x135: {  	_ =	swait.ge [sflag:s9], $0x8000  }
0x136: {  	[sflag:s9] =	ssyncset.done $0x0  }
0x137: {  	s1 =	rddreg [dreg:$0x13];
	[sflag:s9] =	ssyncadd.s32 $0xFFFF8000  }
0x138: {  	[tilespmem:s28], [sflag:$0x3] =	stream.linear.gather [hbm4b:s1+s2], $0x8000, $0x38;
	[tilespmem:$0x18000] =	vst v63  }
0x139: {  	s5 =	rddreg [dreg:$0x14]  }
0x13a: {  	[hbm4b:s5+s2] =	stream.linear.scatter [tilespmem:s2], [sflag:$0x4], $0x8000, $0x38;
	[tilespmem:$0x18000] =	vst v63  }
0x13b: {  	s1 =	rddreg [dreg:$0x15]  }
0x13c: {  	[hbm4b:s1+s2] =	stream.linear.scatter [tilespmem:s2], [sflag:$0x4], $0x8000, $0x38;
	[tilespmem:$0x18000] =	vst v63  }
0x13d: {  	s5 =	rddreg [dreg:$0x16]  }
0x13e: {  	[hbm4b:s5+s2] =	stream.linear.scatter [tilespmem:s2], [sflag:$0x4], $0x8000, $0x38;
	[tilespmem:$0x18000] =	vst v63  }
0x13f: {  	_ = 	snop  }
0x140: {  	[hbm4b:s31+s2] =	stream.linear.scatter [tilespmem:s2], [sflag:$0x4], $0x8000, $0x38;
	[tilespmem:$0x18000] =	vst v63  }
0x141: {  	_ =	swait.ge [sflag:s20], $0x8000  }
0x142: {  	[sflag:s20] =	ssyncset.done $0x0  }
0x143: {  	[sflag:s20] =	ssyncadd.s32 $0xFFFF8000  }
0x144: {  	_ =	swait.ge [sflag:s4], $0x8000  }
0x145: {  	[sflag:s4] =	ssyncset.done $0x0  }
0x146: {  	[sflag:s4] =	ssyncadd.s32 $0xFFFF8000  }
0x147: {  	_ =	swait.ge [sflag:s4], $0x8000  }
0x148: {  	[sflag:s4] =	ssyncset.done $0x0  }
0x149: {  	s5 =	smov.u32 s6;
	s6 =	smov.u32 s7;
	[sflag:s4] =	ssyncadd.s32 $0xFFFF8000  }
0x14a: {  	s7 =	smov.u32 s8;
	s8 =	smov.u32 s11;
	_ =	swait.ge [sflag:s4], $0x8000  }
0x14b: {  	s11 =	smov.u32 s12;
	s12 =	smov.u32 s13;
	[sflag:s4] =	ssyncset.done $0x0  }
0x14c: {  	s13 =	smov.u32 s14;
	s14 =	smov.u32 s15;
	[sflag:s4] =	ssyncadd.s32 $0xFFFF8000  }
0x14d: {  	s15 =	smov.u32 s16;
	s16 =	smov.u32 s17;
	_ =	swait.ge [sflag:s4], $0x8000  }
0x14e: {  	s17 =	smov.u32 s18;
	s18 =	smov.u32 s19;
	[sflag:s4] =	ssyncset.done $0x0  }
0x14f: {  	s19 =	smov.u32 s22;
	s22 =	smov.u32 s23;
	[sflag:s4] =	ssyncadd.s32 $0xFFFF8000  }
0x150: {  	[tilespmem:s2], [sflag:$0x1] =	stream.linear.gather [hbm4b:s22+s2], $0x8000, $0x38;
	[tilespmem:$0x18000] =	vst v63  }
0x151: {  	s23 =	smov.u32 s24  }
0x152: {  	[hbm4b:s23+s2] =	stream.linear.scatter [tilespmem:s10], [sflag:$0x5], $0x8000, $0x38;
	[tilespmem:$0x18000] =	vst v63  }
0x153: {  	s24 =	smov.u32 s25  }
0x154: {  	[hbm4b:s24+s2] =	stream.linear.scatter [tilespmem:s10], [sflag:$0x5], $0x8000, $0x38;
	[tilespmem:$0x18000] =	vst v63  }
0x155: {  	s25 =	smov.u32 s26  }
0x156: {  	[hbm4b:s25+s2] =	stream.linear.scatter [tilespmem:s10], [sflag:$0x5], $0x8000, $0x38;
	[tilespmem:$0x18000] =	vst v63  }
0x157: {  	s26 =	smov.u32 s29  }
0x158: {  	[hbm4b:s26+s2] =	stream.linear.scatter [tilespmem:s10], [sflag:$0x5], $0x8000, $0x38;
	[tilespmem:$0x18000] =	vst v63  }
0x159: {  	_ =	swait.ge [sflag:s30], $0x8000  }
0x15a: {  	[sflag:s30] =	ssyncset.done $0x0  }
0x15b: {  	[sflag:s30] =	ssyncadd.s32 $0xFFFF8000  }
0x15c: {  	_ =	swait.ge [sflag:s3], $0x8000  }
0x15d: {  	[sflag:s3] =	ssyncset.done $0x0  }
0x15e: {  	[sflag:s3] =	ssyncadd.s32 $0xFFFF8000  }
0x15f: {  	_ =	swait.ge [sflag:s3], $0x8000  }
0x160: {  	[sflag:s3] =	ssyncset.done $0x0  }
0x161: {  	[sflag:s3] =	ssyncadd.s32 $0xFFFF8000  }
0x162: {  	_ =	swait.ge [sflag:s3], $0x8000  }
0x163: {  	[sflag:s3] =	ssyncset.done $0x0  }
0x164: {  	[sflag:s3] =	ssyncadd.s32 $0xFFFF8000  }
0x165: {  	_ =	swait.ge [sflag:s3], $0x8000  }
0x166: {  	[sflag:s3] =	ssyncset.done $0x0  }
0x167: {  	[sflag:s3] =	ssyncadd.s32 $0xFFFF8000  }
0x168: {  	[tilespmem:s10], [sflag:$0x2] =	stream.linear.gather [hbm4b:s15+s2], $0x8000, $0x38;
	[tilespmem:$0x18000] =	vst v63  }
0x169: {  	_ = 	snop  }
0x16a: {  	[hbm4b:s16+s2] =	stream.linear.scatter [tilespmem:s28], [sflag:$0x6], $0x8000, $0x38;
	[tilespmem:$0x18000] =	vst v63  }
0x16b: {  	_ = 	snop  }
0x16c: {  	[hbm4b:s17+s2] =	stream.linear.scatter [tilespmem:s28], [sflag:$0x6], $0x8000, $0x38;
	[tilespmem:$0x18000] =	vst v63  }
0x16d: {  	_ = 	snop  }
0x16e: {  	[hbm4b:s18+s2] =	stream.linear.scatter [tilespmem:s28], [sflag:$0x6], $0x8000, $0x38;
	[tilespmem:$0x18000] =	vst v63  }
0x16f: {  	_ = 	snop  }
0x170: {  	[hbm4b:s19+s2] =	stream.linear.scatter [tilespmem:s28], [sflag:$0x6], $0x8000, $0x38;
	[tilespmem:$0x18000] =	vst v63  }
0x171: {  	_ =	swait.ge [sflag:s21], $0x8000  }
0x172: {  	[sflag:s21] =	ssyncset.done $0x0  }
0x173: {  	[sflag:s21] =	ssyncadd.s32 $0xFFFF8000  }
0x174: {  	[hbm4b:s11+s2] =	stream.linear.scatter [tilespmem:s2], [sflag:$0x4], $0x8000, $0x38;
	[tilespmem:$0x18000] =	vst v63  }
0x175: {  	_ = 	snop  }
0x176: {  	[hbm4b:s12+s2] =	stream.linear.scatter [tilespmem:s2], [sflag:$0x4], $0x8000, $0x38;
	[tilespmem:$0x18000] =	vst v63  }
0x177: {  	_ = 	snop  }
0x178: {  	[hbm4b:s13+s2] =	stream.linear.scatter [tilespmem:s2], [sflag:$0x4], $0x8000, $0x38;
	[tilespmem:$0x18000] =	vst v63  }
0x179: {  	_ = 	snop  }
0x17a: {  	[hbm4b:s14+s2] =	stream.linear.scatter [tilespmem:s2], [sflag:$0x4], $0x8000, $0x38;
	[tilespmem:$0x18000] =	vst v63  }
0x17b: {  	_ =	swait.ge [sflag:s20], $0x8000  }
0x17c: {  	[sflag:s20] =	ssyncset.done $0x0  }
0x17d: {  	[sflag:s20] =	ssyncadd.s32 $0xFFFF8000  }
0x17e: {  	[hbm4b:s5+s2] =	stream.linear.scatter [tilespmem:s10], [sflag:$0x5], $0x8000, $0x38;
	[tilespmem:$0x18000] =	vst v63  }
0x17f: {  	_ = 	snop  }
0x180: {  	[hbm4b:s6+s2] =	stream.linear.scatter [tilespmem:s10], [sflag:$0x5], $0x8000, $0x38;
	[tilespmem:$0x18000] =	vst v63  }
0x181: {  	_ = 	snop  }
0x182: {  	[hbm4b:s7+s2] =	stream.linear.scatter [tilespmem:s10], [sflag:$0x5], $0x8000, $0x38;
	[tilespmem:$0x18000] =	vst v63  }
0x183: {  	_ = 	snop  }
0x184: {  	[hbm4b:s8+s2] =	stream.linear.scatter [tilespmem:s10], [sflag:$0x5], $0x8000, $0x38;
	[tilespmem:$0x18000] =	vst v63  }
0x185: {  	_ =	swait.ge [sflag:s9], $0x8000  }
0x186: {  	[sflag:s9] =	ssyncset.done $0x0  }
0x187: {  	[sflag:s9] =	ssyncadd.s32 $0xFFFF8000  }
0x188: {  	_ =	swait.ge [sflag:s9], $0x8000  }
0x189: {  	[sflag:s9] =	ssyncset.done $0x0  }
0x18a: {  	[sflag:s9] =	ssyncadd.s32 $0xFFFF8000  }
0x18b: {  	_ =	swait.ge [sflag:s9], $0x8000  }
0x18c: {  	[sflag:s9] =	ssyncset.done $0x0  }
0x18d: {  	[sflag:s9] =	ssyncadd.s32 $0xFFFF8000  }
0x18e: {  	_ =	swait.ge [sflag:s9], $0x8000  }
0x18f: {  	[sflag:s9] =	ssyncset.done $0x0  }
0x190: {  	[sflag:s9] =	ssyncadd.s32 $0xFFFF8000  }
0x191: {  	_ =	swait.ge [sflag:s4], $0x8000  }
0x192: {  	[sflag:s4] =	ssyncset.done $0x0  }
0x193: {  	[sflag:s4] =	ssyncadd.s32 $0xFFFF8000  }
0x194: {  	_ =	swait.ge [sflag:s4], $0x8000  }
0x195: {  	[sflag:s4] =	ssyncset.done $0x0  }
0x196: {  	[sflag:s4] =	ssyncadd.s32 $0xFFFF8000  }
0x197: {  	_ =	swait.ge [sflag:s4], $0x8000  }
0x198: {  	[sflag:s4] =	ssyncset.done $0x0  }
0x199: {  	[sflag:s4] =	ssyncadd.s32 $0xFFFF8000  }
0x19a: {  	_ =	swait.ge [sflag:s4], $0x8000  }
0x19b: {  	[sflag:s4] =	ssyncset.done $0x0  }
0x19c: {  	[sflag:s4] =	ssyncadd.s32 $0xFFFF8000  }
0x19d: {  	_ =	swait.ge [sflag:s3], $0x8000  }
0x19e: {  	[sflag:s3] =	ssyncset.done $0x0  }
0x19f: {  	[sflag:s3] =	ssyncadd.s32 $0xFFFF8000  }
0x1a0: {  	_ =	swait.ge [sflag:s3], $0x8000  }
0x1a1: {  	[sflag:s3] =	ssyncset.done $0x0  }
0x1a2: {  	p1 =	sne.s32 s0, $0x1;
	[sflag:s3] =	ssyncadd.s32 $0xFFFF8000  }
.Ltmp2:
0x1a3: {  	_ =	swait.ge [sflag:s3], $0x8000;
	(pc) =	sbr.rel @p1 .LBB2_3-.Ltmp2, $4  }
0x1a4: {  	[sflag:s3] =	ssyncset.done $0x0  }
0x1a5: {  	[sflag:s3] =	ssyncadd.s32 $0xFFFF8000  }
0x1a6: {  	s0 =	sadd.s32 $0xFFFFFFFF, s0;
	_ =	swait.ge [sflag:s3], $0x8000  }
0x1a7: {  	s29 =	smov.u32 s31;
	s1 =	rddreg [dreg:$0x3];
	[sflag:s3] =	ssyncset.done $0x0  }
0x1a8: {  	s31 =	rddreg [dreg:$0x17]  }
.LBB2_5:
0x1a9: {  	[sflag:s3] =	ssyncadd.s32 @p0 $0xFFFF8000  }
0x1aa: {  	[tilespmem:s2], [sflag:$0x1] =	stream.linear.gather [hbm4b:s1+s2], $0x8000, $0x38;
	[tilespmem:$0x18000] =	vst v63  }
0x1ab: {  	s0 =	rddreg [dreg:$0x4]  }
0x1ac: {  	[tilespmem:s10], [sflag:$0x2] =	stream.linear.gather [hbm4b:s0+s2], $0x8000, $0x38;
	[tilespmem:$0x18000] =	vst v63  }
0x1ad: {  	_ =	swait.ge [sflag:s21], $0x8000  }
0x1ae: {  	[sflag:s21] =	ssyncset.done $0x0  }
0x1af: {  	s1 =	rddreg [dreg:$0x5];
	[sflag:s21] =	ssyncadd.s32 $0xFFFF8000  }
0x1b0: {  	[tilespmem:s28], [sflag:$0x3] =	stream.linear.gather [hbm4b:s1+s2], $0x8000, $0x38;
	[tilespmem:$0x18000] =	vst v63  }
0x1b1: {  	_ = 	snop  }
0x1b2: {  	[hbm4b:s31+s2] =	stream.linear.scatter [tilespmem:s2], [sflag:$0x4], $0x8000, $0x38;
	[tilespmem:$0x18000] =	vst v63  }
0x1b3: {  	s0 =	rddreg [dreg:$0x6]  }
0x1b4: {  	[hbm4b:s0+s2] =	stream.linear.scatter [tilespmem:s2], [sflag:$0x4], $0x8000, $0x38;
	[tilespmem:$0x18000] =	vst v63  }
0x1b5: {  	s1 =	rddreg [dreg:$0x7]  }
0x1b6: {  	[hbm4b:s1+s2] =	stream.linear.scatter [tilespmem:s2], [sflag:$0x4], $0x8000, $0x38;
	[tilespmem:$0x18000] =	vst v63  }
0x1b7: {  	s31 =	rddreg [dreg:$0x8]  }
0x1b8: {  	[hbm4b:s31+s2] =	stream.linear.scatter [tilespmem:s2], [sflag:$0x4], $0x8000, $0x38;
	[tilespmem:$0x18000] =	vst v63  }
0x1b9: {  	_ =	swait.ge [sflag:s20], $0x8000  }
0x1ba: {  	[sflag:s20] =	ssyncset.done $0x0  }
0x1bb: {  	[sflag:s20] =	ssyncadd.s32 $0xFFFF8000  }
0x1bc: {  	_ =	swait.ge [sflag:s4], $0x8000  }
0x1bd: {  	[sflag:s4] =	ssyncset.done $0x0  }
0x1be: {  	[sflag:s4] =	ssyncadd.s32 $0xFFFF8000  }
0x1bf: {  	_ =	swait.ge [sflag:s4], $0x8000  }
0x1c0: {  	[sflag:s4] =	ssyncset.done $0x0  }
0x1c1: {  	[sflag:s4] =	ssyncadd.s32 $0xFFFF8000  }
0x1c2: {  	_ =	swait.ge [sflag:s4], $0x8000  }
0x1c3: {  	[sflag:s4] =	ssyncset.done $0x0  }
0x1c4: {  	[sflag:s4] =	ssyncadd.s32 $0xFFFF8000  }
0x1c5: {  	_ =	swait.ge [sflag:s4], $0x8000  }
0x1c6: {  	[sflag:s4] =	ssyncset.done $0x0  }
0x1c7: {  	s31 =	rddreg [dreg:$0x9];
	[sflag:s4] =	ssyncadd.s32 $0xFFFF8000  }
0x1c8: {  	[tilespmem:s2], [sflag:$0x1] =	stream.linear.gather [hbm4b:s31+s2], $0x8000, $0x38;
	[tilespmem:$0x18000] =	vst v63  }
0x1c9: {  	s1 =	rddreg [dreg:$0xa]  }
0x1ca: {  	[hbm4b:s1+s2] =	stream.linear.scatter [tilespmem:s10], [sflag:$0x5], $0x8000, $0x38;
	[tilespmem:$0x18000] =	vst v63  }
0x1cb: {  	s31 =	rddreg [dreg:$0xb]  }
0x1cc: {  	[hbm4b:s31+s2] =	stream.linear.scatter [tilespmem:s10], [sflag:$0x5], $0x8000, $0x38;
	[tilespmem:$0x18000] =	vst v63  }
0x1cd: {  	s1 =	rddreg [dreg:$0xc]  }
0x1ce: {  	[hbm4b:s1+s2] =	stream.linear.scatter [tilespmem:s10], [sflag:$0x5], $0x8000, $0x38;
	[tilespmem:$0x18000] =	vst v63  }
0x1cf: {  	s31 =	rddreg [dreg:$0xd]  }
0x1d0: {  	[hbm4b:s31+s2] =	stream.linear.scatter [tilespmem:s10], [sflag:$0x5], $0x8000, $0x38;
	[tilespmem:$0x18000] =	vst v63  }
0x1d1: {  	_ =	swait.ge [sflag:s30], $0x8000  }
0x1d2: {  	[sflag:s30] =	ssyncset.done $0x0  }
0x1d3: {  	[sflag:s30] =	ssyncadd.s32 $0xFFFF8000  }
0x1d4: {  	_ =	swait.ge [sflag:s3], $0x8000  }
0x1d5: {  	[sflag:s3] =	ssyncset.done $0x0  }
0x1d6: {  	[sflag:s3] =	ssyncadd.s32 $0xFFFF8000  }
0x1d7: {  	_ =	swait.ge [sflag:s3], $0x8000  }
0x1d8: {  	[sflag:s3] =	ssyncset.done $0x0  }
0x1d9: {  	[sflag:s3] =	ssyncadd.s32 $0xFFFF8000  }
0x1da: {  	_ =	swait.ge [sflag:s3], $0x8000  }
0x1db: {  	[sflag:s3] =	ssyncset.done $0x0  }
0x1dc: {  	[sflag:s3] =	ssyncadd.s32 $0xFFFF8000  }
0x1dd: {  	_ =	swait.ge [sflag:s3], $0x8000  }
0x1de: {  	[sflag:s3] =	ssyncset.done $0x0  }
0x1df: {  	s31 =	rddreg [dreg:$0xe];
	[sflag:s3] =	ssyncadd.s32 $0xFFFF8000  }
0x1e0: {  	[tilespmem:s10], [sflag:$0x2] =	stream.linear.gather [hbm4b:s31+s2], $0x8000, $0x38;
	[tilespmem:$0x18000] =	vst v63  }
0x1e1: {  	s1 =	rddreg [dreg:$0xf]  }
0x1e2: {  	[hbm4b:s1+s2] =	stream.linear.scatter [tilespmem:s28], [sflag:$0x6], $0x8000, $0x38;
	[tilespmem:$0x18000] =	vst v63  }
0x1e3: {  	s31 =	rddreg [dreg:$0x10]  }
0x1e4: {  	[hbm4b:s31+s2] =	stream.linear.scatter [tilespmem:s28], [sflag:$0x6], $0x8000, $0x38;
	[tilespmem:$0x18000] =	vst v63  }
0x1e5: {  	s1 =	rddreg [dreg:$0x11]  }
0x1e6: {  	[hbm4b:s1+s2] =	stream.linear.scatter [tilespmem:s28], [sflag:$0x6], $0x8000, $0x38;
	[tilespmem:$0x18000] =	vst v63  }
0x1e7: {  	s31 =	rddreg [dreg:$0x12]  }
0x1e8: {  	[hbm4b:s31+s2] =	stream.linear.scatter [tilespmem:s28], [sflag:$0x6], $0x8000, $0x38;
	[tilespmem:$0x18000] =	vst v63  }
0x1e9: {  	_ =	swait.ge [sflag:s21], $0x8000  }
0x1ea: {  	[sflag:s21] =	ssyncset.done $0x0  }
0x1eb: {  	[sflag:s21] =	ssyncadd.s32 $0xFFFF8000  }
0x1ec: {  	_ =	swait.ge [sflag:s9], $0x8000  }
0x1ed: {  	[sflag:s9] =	ssyncset.done $0x0  }
0x1ee: {  	[sflag:s9] =	ssyncadd.s32 $0xFFFF8000  }
0x1ef: {  	_ =	swait.ge [sflag:s9], $0x8000  }
0x1f0: {  	[sflag:s9] =	ssyncset.done $0x0  }
0x1f1: {  	[sflag:s9] =	ssyncadd.s32 $0xFFFF8000  }
0x1f2: {  	_ =	swait.ge [sflag:s9], $0x8000  }
0x1f3: {  	[sflag:s9] =	ssyncset.done $0x0  }
0x1f4: {  	[sflag:s9] =	ssyncadd.s32 $0xFFFF8000  }
0x1f5: {  	_ =	swait.ge [sflag:s9], $0x8000  }
0x1f6: {  	[sflag:s9] =	ssyncset.done $0x0  }
0x1f7: {  	s1 =	rddreg [dreg:$0x13];
	[sflag:s9] =	ssyncadd.s32 $0xFFFF8000  }
0x1f8: {  	[tilespmem:s28], [sflag:$0x3] =	stream.linear.gather [hbm4b:s1+s2], $0x8000, $0x38;
	[tilespmem:$0x18000] =	vst v63  }
0x1f9: {  	s31 =	rddreg [dreg:$0x14]  }
0x1fa: {  	[hbm4b:s31+s2] =	stream.linear.scatter [tilespmem:s2], [sflag:$0x4], $0x8000, $0x38;
	[tilespmem:$0x18000] =	vst v63  }
0x1fb: {  	s0 =	rddreg [dreg:$0x15]  }
0x1fc: {  	[hbm4b:s0+s2] =	stream.linear.scatter [tilespmem:s2], [sflag:$0x4], $0x8000, $0x38;
	[tilespmem:$0x18000] =	vst v63  }
0x1fd: {  	s31 =	rddreg [dreg:$0x16]  }
0x1fe: {  	[hbm4b:s31+s2] =	stream.linear.scatter [tilespmem:s2], [sflag:$0x4], $0x8000, $0x38;
	[tilespmem:$0x18000] =	vst v63  }
0x1ff: {  	_ = 	snop  }
0x200: {  	[hbm4b:s29+s2] =	stream.linear.scatter [tilespmem:s2], [sflag:$0x4], $0x8000, $0x38;
	[tilespmem:$0x18000] =	vst v63  }
0x201: {  	_ =	swait.ge [sflag:s20], $0x8000  }
0x202: {  	[sflag:s20] =	ssyncset.done $0x0  }
0x203: {  	[sflag:s20] =	ssyncadd.s32 $0xFFFF8000  }
0x204: {  	_ =	swait.ge [sflag:s4], $0x8000  }
0x205: {  	[sflag:s4] =	ssyncset.done $0x0  }
0x206: {  	[sflag:s4] =	ssyncadd.s32 $0xFFFF8000  }
0x207: {  	_ =	swait.ge [sflag:s4], $0x8000  }
0x208: {  	[sflag:s4] =	ssyncset.done $0x0  }
0x209: {  	[sflag:s4] =	ssyncadd.s32 $0xFFFF8000  }
0x20a: {  	_ =	swait.ge [sflag:s4], $0x8000  }
0x20b: {  	[sflag:s4] =	ssyncset.done $0x0  }
0x20c: {  	[sflag:s4] =	ssyncadd.s32 $0xFFFF8000  }
0x20d: {  	_ =	swait.ge [sflag:s4], $0x8000  }
0x20e: {  	[sflag:s4] =	ssyncset.done $0x0  }
0x20f: {  	[sflag:s4] =	ssyncadd.s32 $0xFFFF8000  }
0x210: {  	[tilespmem:s2], [sflag:$0x1] =	stream.linear.gather [hbm4b:s22+s2], $0x8000, $0x38;
	[tilespmem:$0x18000] =	vst v63  }
0x211: {  	_ = 	snop  }
0x212: {  	[hbm4b:s23+s2] =	stream.linear.scatter [tilespmem:s10], [sflag:$0x5], $0x8000, $0x38;
	[tilespmem:$0x18000] =	vst v63  }
0x213: {  	_ = 	snop  }
0x214: {  	[hbm4b:s24+s2] =	stream.linear.scatter [tilespmem:s10], [sflag:$0x5], $0x8000, $0x38;
	[tilespmem:$0x18000] =	vst v63  }
0x215: {  	_ = 	snop  }
0x216: {  	[hbm4b:s25+s2] =	stream.linear.scatter [tilespmem:s10], [sflag:$0x5], $0x8000, $0x38;
	[tilespmem:$0x18000] =	vst v63  }
0x217: {  	_ = 	snop  }
0x218: {  	[hbm4b:s26+s2] =	stream.linear.scatter [tilespmem:s10], [sflag:$0x5], $0x8000, $0x38;
	[tilespmem:$0x18000] =	vst v63  }
0x219: {  	_ =	swait.ge [sflag:s30], $0x8000  }
0x21a: {  	[sflag:s30] =	ssyncset.done $0x0  }
0x21b: {  	[sflag:s30] =	ssyncadd.s32 $0xFFFF8000  }
0x21c: {  	_ =	swait.ge [sflag:s3], $0x8000  }
0x21d: {  	[sflag:s3] =	ssyncset.done $0x0  }
0x21e: {  	[sflag:s3] =	ssyncadd.s32 $0xFFFF8000  }
0x21f: {  	_ =	swait.ge [sflag:s3], $0x8000  }
0x220: {  	[sflag:s3] =	ssyncset.done $0x0  }
0x221: {  	[sflag:s3] =	ssyncadd.s32 $0xFFFF8000  }
0x222: {  	_ =	swait.ge [sflag:s3], $0x8000  }
0x223: {  	[sflag:s3] =	ssyncset.done $0x0  }
0x224: {  	[sflag:s3] =	ssyncadd.s32 $0xFFFF8000  }
0x225: {  	_ =	swait.ge [sflag:s3], $0x8000  }
0x226: {  	[sflag:s3] =	ssyncset.done $0x0  }
0x227: {  	[sflag:s3] =	ssyncadd.s32 $0xFFFF8000  }
0x228: {  	[tilespmem:s10], [sflag:$0x2] =	stream.linear.gather [hbm4b:s15+s2], $0x8000, $0x38;
	[tilespmem:$0x18000] =	vst v63  }
0x229: {  	_ = 	snop  }
0x22a: {  	[hbm4b:s16+s2] =	stream.linear.scatter [tilespmem:s28], [sflag:$0x6], $0x8000, $0x38;
	[tilespmem:$0x18000] =	vst v63  }
0x22b: {  	_ = 	snop  }
0x22c: {  	[hbm4b:s17+s2] =	stream.linear.scatter [tilespmem:s28], [sflag:$0x6], $0x8000, $0x38;
	[tilespmem:$0x18000] =	vst v63  }
0x22d: {  	_ = 	snop  }
0x22e: {  	[hbm4b:s18+s2] =	stream.linear.scatter [tilespmem:s28], [sflag:$0x6], $0x8000, $0x38;
	[tilespmem:$0x18000] =	vst v63  }
0x22f: {  	_ = 	snop  }
0x230: {  	[hbm4b:s19+s2] =	stream.linear.scatter [tilespmem:s28], [sflag:$0x6], $0x8000, $0x38;
	[tilespmem:$0x18000] =	vst v63  }
0x231: {  	_ =	swait.ge [sflag:s21], $0x8000  }
0x232: {  	[sflag:s21] =	ssyncset.done $0x0  }
0x233: {  	[sflag:s21] =	ssyncadd.s32 $0xFFFF8000  }
0x234: {  	[hbm4b:s11+s2] =	stream.linear.scatter [tilespmem:s2], [sflag:$0x4], $0x8000, $0x38;
	[tilespmem:$0x18000] =	vst v63  }
0x235: {  	_ = 	snop  }
0x236: {  	[hbm4b:s12+s2] =	stream.linear.scatter [tilespmem:s2], [sflag:$0x4], $0x8000, $0x38;
	[tilespmem:$0x18000] =	vst v63  }
0x237: {  	_ = 	snop  }
0x238: {  	[hbm4b:s13+s2] =	stream.linear.scatter [tilespmem:s2], [sflag:$0x4], $0x8000, $0x38;
	[tilespmem:$0x18000] =	vst v63  }
0x239: {  	_ = 	snop  }
0x23a: {  	[hbm4b:s14+s2] =	stream.linear.scatter [tilespmem:s2], [sflag:$0x4], $0x8000, $0x38;
	[tilespmem:$0x18000] =	vst v63  }
0x23b: {  	_ =	swait.ge [sflag:s20], $0x8000  }
0x23c: {  	[sflag:s20] =	ssyncset.done $0x0  }
0x23d: {  	[sflag:s20] =	ssyncadd.s32 $0xFFFF8000  }
0x23e: {  	[hbm4b:s5+s2] =	stream.linear.scatter [tilespmem:s10], [sflag:$0x5], $0x8000, $0x38;
	[tilespmem:$0x18000] =	vst v63  }
0x23f: {  	_ = 	snop  }
0x240: {  	[hbm4b:s6+s2] =	stream.linear.scatter [tilespmem:s10], [sflag:$0x5], $0x8000, $0x38;
	[tilespmem:$0x18000] =	vst v63  }
0x241: {  	_ = 	snop  }
0x242: {  	[hbm4b:s7+s2] =	stream.linear.scatter [tilespmem:s10], [sflag:$0x5], $0x8000, $0x38;
	[tilespmem:$0x18000] =	vst v63  }
0x243: {  	_ = 	snop  }
0x244: {  	[hbm4b:s8+s2] =	stream.linear.scatter [tilespmem:s10], [sflag:$0x5], $0x8000, $0x38;
	[tilespmem:$0x18000] =	vst v63  }
0x245: {  	_ =	swait.ge [sflag:s9], $0x8000  }
0x246: {  	[sflag:s9] =	ssyncset.done $0x0  }
0x247: {  	[sflag:s9] =	ssyncadd.s32 $0xFFFF8000  }
0x248: {  	_ =	swait.ge [sflag:s9], $0x8000  }
0x249: {  	[sflag:s9] =	ssyncset.done $0x0  }
0x24a: {  	[sflag:s9] =	ssyncadd.s32 $0xFFFF8000  }
0x24b: {  	_ =	swait.ge [sflag:s9], $0x8000  }
0x24c: {  	[sflag:s9] =	ssyncset.done $0x0  }
0x24d: {  	[sflag:s9] =	ssyncadd.s32 $0xFFFF8000  }
0x24e: {  	_ =	swait.ge [sflag:s9], $0x8000  }
0x24f: {  	[sflag:s9] =	ssyncset.done $0x0  }
0x250: {  	[sflag:s9] =	ssyncadd.s32 $0xFFFF8000  }
0x251: {  	_ =	swait.ge [sflag:s4], $0x8000  }
0x252: {  	[sflag:s4] =	ssyncset.done $0x0  }
0x253: {  	[sflag:s4] =	ssyncadd.s32 $0xFFFF8000  }
0x254: {  	_ =	swait.ge [sflag:s4], $0x8000  }
0x255: {  	[sflag:s4] =	ssyncset.done $0x0  }
0x256: {  	[sflag:s4] =	ssyncadd.s32 $0xFFFF8000  }
0x257: {  	_ =	swait.ge [sflag:s4], $0x8000  }
0x258: {  	[sflag:s4] =	ssyncset.done $0x0  }
0x259: {  	[sflag:s4] =	ssyncadd.s32 $0xFFFF8000  }
0x25a: {  	_ =	swait.ge [sflag:s4], $0x8000  }
0x25b: {  	[sflag:s4] =	ssyncset.done $0x0  }
0x25c: {  	[sflag:s4] =	ssyncadd.s32 $0xFFFF8000  }
0x25d: {  	_ =	swait.ge [sflag:s3], $0x8000  }
0x25e: {  	[sflag:s3] =	ssyncset.done $0x0  }
0x25f: {  	[sflag:s3] =	ssyncadd.s32 $0xFFFF8000  }
0x260: {  	_ =	swait.ge [sflag:s3], $0x8000  }
0x261: {  	[sflag:s3] =	ssyncset.done $0x0  }
0x262: {  	[sflag:s3] =	ssyncadd.s32 $0xFFFF8000  }
0x263: {  	_ =	swait.ge [sflag:s3], $0x8000  }
0x264: {  	[sflag:s3] =	ssyncset.done $0x0  }
0x265: {  	[sflag:s3] =	ssyncadd.s32 $0xFFFF8000  }
0x266: {  	_ =	swait.ge [sflag:s3], $0x8000  }
0x267: {  	[sflag:s3] =	ssyncset.done $0x0  }
0x268: {  	[sflag:s3] =	ssyncadd.s32 $0xFFFF8000  }
0x269: {  	_ =	sfence.sel $0x180000  }
0x26a: {  	[bflag:$0x0] =	sbarrier.arrive $0xFFFF  }
0x26b: {  	_ =	strace $0x90000047  }
0x26c: {  	s31 =	stileid.u32;
	[bflag:$0x2] =	sbarrier.arrive $0xFFFF  }
0x26d: {  	p0 =	sne.s32 s31, $0x0;
	s0 =	rddreg [dreg:$0x2]  }
0x26e: {  	s0 =	sadd.s32 @!p0 $0x100000, s0  }
0x26f: {  	[sflag:s0] =	ssyncadd.tile.s32 @!p0 $0x1;
	_ =	shalt  }
.LBB2_2:
.Ltmp3:
0x270: {  	(pc) =	sbr.rel .LBB2_5-.Ltmp3, $2  }
0x271: {  	_ =	sdelay $0x2  }
0x272: {  	s31 =	rddreg [dreg:$0x17]  }
.Lfunc_end2:
_tile_overlayer_lowered:
.L_overlay_start_2:
0x273: {  	(tag) =	ssettag $0x2  }
0x274: {  	s0 =	rddreg [dreg:$0x0];
	s2 =	stileid.u32  }
0x275: {  	s1 =	rddreg [dreg:$0x1];
	p0 =	sne.s32 s2, $0x0  }
0x276: {  	s3 =	rddreg [dreg:$0x2];
	[bflag:$0x3] =	sbarrier.arrive $0xFFFF;
	s2 =	simm.s32 @!p0 $0x1C07  }
0x277: {  	[timem:s3], [sflag:s2] =	dma.local @!p0 [hbm:s0], s1  }
0x278: {  	s0 =	simm.s32 @!p0 $0x7  }
0x279: {  	_ =	swait.ge @!p0 [sflag:s0], s1  }
0x27a: {  	s1 =	ssub.s32 @!p0 $0x0, s1;
	[sflag:s0] =	ssyncset.done @!p0 $0x0  }
0x27b: {  	[sflag:s0] =	ssyncadd.s32 @!p0 s1  }
0x27c: {  	[bflag:$0x3] =	sbarrier.arrive $0xFFFF  }
0x27d: {  	_ =	shalt  }

</sc_bundles>
